<compile_context>
chip_gen: v7x
topology: tpu7x:2x2x1
jax: 0.10.2.dev20260603
libtpu: 0.0.44.dev20260713+nightly
codegen_flags: <defaults>
</compile_context>

<pallas_src>
import jax
import jax.numpy as jnp
from jax import lax
from jax.experimental import pallas as pl
from jax.experimental.pallas import tpu as pltpu
from jax.experimental.pallas import tpu_sc as plsc

CROP_H = 448
CROP_W = 448
ROW_BLK = 32
IMG_BLK = 96

N_IMG = 192
TOP = 32
LEFT = 32
NUM_WORKERS = 32
IMGS_PER_WORKER = N_IMG // NUM_WORKERS
ROW_CHUNK = 64
CHUNKS_PER_IMG = CROP_H // ROW_CHUNK
NBUF = 4



def _crop_body(x_ref, o_ref):
    o_ref[...] = x_ref[:, :, LEFT : LEFT + CROP_W]


def _tc_crop(xf, n_img, H, W):
    return pl.pallas_call(
        _crop_body,
        grid=(n_img // IMG_BLK, CROP_H // ROW_BLK),
        in_specs=[
            pl.BlockSpec(
                (IMG_BLK, ROW_BLK, W), lambda i, j: (i, j + TOP // ROW_BLK, 0)
            )
        ],
        out_specs=pl.BlockSpec((IMG_BLK, ROW_BLK, CROP_W), lambda i, j: (i, j, 0)),
        out_shape=jax.ShapeDtypeStruct((n_img, CROP_H, CROP_W), xf.dtype),
    )(xf)



def _sc_crop_body(x_hbm, idx_hbm, out_hbm, *scratch):
    bufs = scratch[:NBUF]
    idx_buf = scratch[NBUF]
    sin = scratch[NBUF + 1 : 2 * NBUF + 1]
    sout = scratch[2 * NBUF + 1 :]
    c = lax.axis_index("c")
    s = lax.axis_index("s")
    wid = s * 2 + c

    tasks = []
    for k in range(IMGS_PER_WORKER):
        img = wid * IMGS_PER_WORKER + k
        for j in range(CHUNKS_PER_IMG):
            tasks.append((img, j * ROW_CHUNK))
    n = len(tasks)

    pltpu.sync_copy(idx_hbm.at[wid], idx_buf)

    in_h = {}
    out_h = {}

    def start_in(m):
        img, r0 = tasks[m]
        b = m % NBUF
        in_h[m] = pltpu.async_copy(
            x_hbm.at[img, pl.ds(TOP + r0, ROW_CHUNK), pl.ds(LEFT, CROP_W)],
            bufs[b],
            sin[b],
        )

    start_in(0)
    start_in(1)
    for i in range(n):
        b = i % NBUF
        in_h[i].wait()
        out_h[i] = pltpu.async_copy(bufs[b], out_hbm.at[idx_buf.at[i]], sout[b])
        m = i + 2
        if m < n:
            if m - NBUF >= 0:
                out_h[m - NBUF].wait()
            start_in(m)
    for i in range(max(0, n - NBUF), n):
        out_h[i].wait()


def _sc_crop(xf):
    n_rows = N_IMG * CROP_H
    idx = jnp.arange(n_rows, dtype=jnp.int32).reshape(
        NUM_WORKERS, IMGS_PER_WORKER * CHUNKS_PER_IMG, ROW_CHUNK
    )
    mesh = plsc.VectorSubcoreMesh(core_axis_name="c", subcore_axis_name="s")
    kfn = pl.kernel(
        _sc_crop_body,
        mesh=mesh,
        out_type=jax.ShapeDtypeStruct((n_rows, CROP_W), jnp.float32),
        scratch_types=(
            [pltpu.VMEM((ROW_CHUNK, CROP_W), jnp.float32) for _ in range(NBUF)]
            + [
                pltpu.VMEM(
                    (IMGS_PER_WORKER * CHUNKS_PER_IMG, ROW_CHUNK), jnp.int32
                )
            ]
            + [pltpu.SemaphoreType.DMA for _ in range(2 * NBUF)]
        ),
        compiler_params=pltpu.CompilerParams(use_tc_tiling_on_sc=False),
    )
    return kfn(xf, idx)


def kernel(x):
    B, T, C, H, W = x.shape
    N = B * T * C
    xf = x.reshape(N, H, W)
    out = _sc_crop(xf)
    return out.reshape(B, T * C, CROP_H, CROP_W)

# --- scband reference (transcript-rebuilt; emitter-appended) ---
"""Pipeline reference for scband-image-random-crop-16166256902668 (READ-ONLY COPY).

The authoritative reference and input builder live on the scoring server;
editing this copy changes nothing except your own understanding.
"""

import jax, jax.numpy as jnp
import numpy as np

CH, CW = 448, 448

def setup_inputs(seed: int = 0) -> dict:
    key = jax.random.key(seed)
    x = jax.random.normal(key, (8, 8, 3, 512, 512), dtype=jnp.float32)
    return {"x": x}

def reference(x):
    B, T, C, H, W = x.shape
    x = x.reshape(B, T * C, H, W)
    # eval-mode (deterministic) center crop positions, matching the module's
    # non-training branch of _sample_positions
    top = jnp.full((B,), (H - CH) // 2, dtype=jnp.int32)
    left = jnp.full((B,), (W - CW) // 2, dtype=jnp.int32)
    h_idx = top[:, None] + jnp.arange(CH, dtype=jnp.int32)[None, :]
    w_idx = left[:, None] + jnp.arange(CW, dtype=jnp.int32)[None, :]
    idx_h = jnp.broadcast_to(h_idx[:, None, :, None], (B, T * C, CH, W))
    x_h = jnp.take_along_axis(x, idx_h, axis=2)
    idx_w = jnp.broadcast_to(w_idx[:, None, None, :], (B, T * C, CH, CW))
    x_hw = jnp.take_along_axis(x_h, idx_w, axis=3)
    return x_hw

if __name__ == "__main__":
    import jax
    _d = setup_inputs()
    print(jax.jit(kernel)(*tuple(_d.values())))

</pallas_src>

<mosaic_0001>
#map = affine_map<(d0, d1) -> (0, 0, 0)>
#map1 = affine_map<(d0, d1) -> (0, 0)>
module attributes {stable_mosaic.version = 14 : i64} {
  func.func @_sc_crop_body(%arg0: i32, %arg1: i32, %arg2: memref<192x512x512xf32, #tpu.memory_space<hbm>>, %arg3: memref<32x42x64xi32, #tpu.memory_space<hbm>>, %arg4: memref<86016x448xf32, #tpu.memory_space<hbm>>, %arg5: memref<64x448xf32, #tpu.memory_space<vmem>>, %arg6: memref<64x448xf32, #tpu.memory_space<vmem>>, %arg7: memref<64x448xf32, #tpu.memory_space<vmem>>, %arg8: memref<64x448xf32, #tpu.memory_space<vmem>>, %arg9: memref<42x64xi32, #tpu.memory_space<vmem>>, %arg10: memref<!tpu.dma_semaphore, #tpu.memory_space<semaphore_mem>>, %arg11: memref<!tpu.dma_semaphore, #tpu.memory_space<semaphore_mem>>, %arg12: memref<!tpu.dma_semaphore, #tpu.memory_space<semaphore_mem>>, %arg13: memref<!tpu.dma_semaphore, #tpu.memory_space<semaphore_mem>>, %arg14: memref<!tpu.dma_semaphore, #tpu.memory_space<semaphore_mem>>, %arg15: memref<!tpu.dma_semaphore, #tpu.memory_space<semaphore_mem>>, %arg16: memref<!tpu.dma_semaphore, #tpu.memory_space<semaphore_mem>>, %arg17: memref<!tpu.dma_semaphore, #tpu.memory_space<semaphore_mem>>) attributes {dimension_semantics = [#tpu.dimension_semantics<core_parallel>, #tpu.dimension_semantics<subcore_parallel>], iteration_bounds = array<i64: 2, 16>, scalar_prefetch = 0 : i64, scratch_operands = 13 : i64, tpu.core_type = #tpu.core_type<sc_vector_subcore>, window_params = [{transform_indices = #map}, {transform_indices = #map}, {transform_indices = #map1}]} {
    %mul3A = arith.constant 2 : i32
    %mul3A_0 = arith.muli %arg1, %mul3A : i32
    %add3A = arith.addi %mul3A_0, %arg0 : i32
    %mul3A_1 = arith.constant 6 : i32
    %mul3A_2 = arith.muli %add3A, %mul3A_1 : i32
    %add3A_3 = arith.constant 0 : i32
    %add3A_4 = arith.addi %mul3A_2, %add3A_3 : i32
    %mul3A_5 = arith.constant 6 : i32
    %mul3A_6 = arith.muli %add3A, %mul3A_5 : i32
    %add3A_7 = arith.constant 1 : i32
    %add3A_8 = arith.addi %mul3A_6, %add3A_7 : i32
    %mul3A_9 = arith.constant 6 : i32
    %mul3A_10 = arith.muli %add3A, %mul3A_9 : i32
    %add3A_11 = arith.constant 2 : i32
    %add3A_12 = arith.addi %mul3A_10, %add3A_11 : i32
    %mul3A_13 = arith.constant 6 : i32
    %mul3A_14 = arith.muli %add3A, %mul3A_13 : i32
    %add3A_15 = arith.constant 3 : i32
    %add3A_16 = arith.addi %mul3A_14, %add3A_15 : i32
    %mul3A_17 = arith.constant 6 : i32
    %mul3A_18 = arith.muli %add3A, %mul3A_17 : i32
    %add3A_19 = arith.constant 4 : i32
    %add3A_20 = arith.addi %mul3A_18, %add3A_19 : i32
    %mul3A_21 = arith.constant 6 : i32
    %mul3A_22 = arith.muli %add3A, %mul3A_21 : i32
    %add3A_23 = arith.constant 5 : i32
    %add3A_24 = arith.addi %mul3A_22, %add3A_23 : i32
    "tpu.region"() ({
      %run_scoped3A = tpu.sem_alloc : memref<!tpu.dma_semaphore, #tpu.memory_space<semaphore_mem>>
      %dma_start3A_1283 = arith.constant 0 : i32
      %dma_start3A_1284 = arith.constant 0 : i32
      %dma_start3A_1285 = tpu.memref_slice %arg3[%add3A, %dma_start3A_1283, %dma_start3A_1284] : memref<32x42x64xi32, #tpu.memory_space<hbm>> -> memref<1x42x64xi32, #tpu.memory_space<hbm>>
      %dma_start3A_1286 = tpu.memref_squeeze %dma_start3A_1285 : memref<1x42x64xi32, #tpu.memory_space<hbm>> -> memref<42x64xi32, #tpu.memory_space<hbm>>
      %dma_start3A_1287 = arith.constant 0 : i32
      %dma_start3A_1288 = arith.constant 0 : i32
      %dma_start3A_1289 = tpu.memref_slice %arg3[%add3A, %dma_start3A_1287, %dma_start3A_1288] : memref<32x42x64xi32, #tpu.memory_space<hbm>> -> memref<1x42x64xi32, #tpu.memory_space<hbm>>
      %dma_start3A_1290 = tpu.memref_squeeze %dma_start3A_1289 : memref<1x42x64xi32, #tpu.memory_space<hbm>> -> memref<42x64xi32, #tpu.memory_space<hbm>>
      tpu.enqueue_dma source(%dma_start3A_1290 : memref<42x64xi32, #tpu.memory_space<hbm>>) target(%arg9 : memref<42x64xi32, #tpu.memory_space<vmem>>) target_semaphore(%run_scoped3A : memref<!tpu.dma_semaphore, #tpu.memory_space<semaphore_mem>>)
      %dma_wait3A_1291 = arith.constant 0 : i32
      %dma_wait3A_1292 = arith.constant 0 : i32
      %dma_wait3A_1293 = tpu.memref_slice %arg3[%add3A, %dma_wait3A_1291, %dma_wait3A_1292] : memref<32x42x64xi32, #tpu.memory_space<hbm>> -> memref<1x42x64xi32, #tpu.memory_space<hbm>>
      %dma_wait3A_1294 = tpu.memref_squeeze %dma_wait3A_1293 : memref<1x42x64xi32, #tpu.memory_space<hbm>> -> memref<42x64xi32, #tpu.memory_space<hbm>>
      %dma_wait3A_1295 = arith.constant 0 : i32
      %dma_wait3A_1296 = arith.constant 0 : i32
      %dma_wait3A_1297 = tpu.memref_slice %arg3[%add3A, %dma_wait3A_1295, %dma_wait3A_1296] : memref<32x42x64xi32, #tpu.memory_space<hbm>> -> memref<1x42x64xi32, #tpu.memory_space<hbm>>
      %dma_wait3A_1298 = tpu.memref_squeeze %dma_wait3A_1297 : memref<1x42x64xi32, #tpu.memory_space<hbm>> -> memref<42x64xi32, #tpu.memory_space<hbm>>
      tpu.wait_dma2 semaphore(%run_scoped3A : memref<!tpu.dma_semaphore, #tpu.memory_space<semaphore_mem>>) src(%dma_wait3A_1298 : memref<42x64xi32, #tpu.memory_space<hbm>>) dst(%arg9 : memref<42x64xi32, #tpu.memory_space<vmem>>)
      tpu.yield
    }) : () -> ()
    %dma_start3A = arith.constant 32 : i32
    %dma_start3A_25 = arith.constant 32 : i32
    %dma_start3A_26 = tpu.memref_slice %arg2[%add3A_4, %dma_start3A, %dma_start3A_25] : memref<192x512x512xf32, #tpu.memory_space<hbm>> -> memref<1x64x448xf32, #tpu.memory_space<hbm>>
    %dma_start3A_27 = tpu.memref_squeeze %dma_start3A_26 : memref<1x64x448xf32, #tpu.memory_space<hbm>> -> memref<64x448xf32, #tpu.memory_space<hbm>>
    %dma_start3A_28 = arith.constant 32 : i32
    %dma_start3A_29 = arith.constant 32 : i32
    %dma_start3A_30 = tpu.memref_slice %arg2[%add3A_4, %dma_start3A_28, %dma_start3A_29] : memref<192x512x512xf32, #tpu.memory_space<hbm>> -> memref<1x64x448xf32, #tpu.memory_space<hbm>>
    %dma_start3A_31 = tpu.memref_squeeze %dma_start3A_30 : memref<1x64x448xf32, #tpu.memory_space<hbm>> -> memref<64x448xf32, #tpu.memory_space<hbm>>
    tpu.enqueue_dma source(%dma_start3A_31 : memref<64x448xf32, #tpu.memory_space<hbm>>) target(%arg5 : memref<64x448xf32, #tpu.memory_space<vmem>>) target_semaphore(%arg10 : memref<!tpu.dma_semaphore, #tpu.memory_space<semaphore_mem>>)
    %dma_start3A_32 = arith.constant 96 : i32
    %dma_start3A_33 = arith.constant 32 : i32
    %dma_start3A_34 = tpu.memref_slice %arg2[%add3A_4, %dma_start3A_32, %dma_start3A_33] : memref<192x512x512xf32, #tpu.memory_space<hbm>> -> memref<1x64x448xf32, #tpu.memory_space<hbm>>
    %dma_start3A_35 = tpu.memref_squeeze %dma_start3A_34 : memref<1x64x448xf32, #tpu.memory_space<hbm>> -> memref<64x448xf32, #tpu.memory_space<hbm>>
    %dma_start3A_36 = arith.constant 96 : i32
    %dma_start3A_37 = arith.constant 32 : i32
    %dma_start3A_38 = tpu.memref_slice %arg2[%add3A_4, %dma_start3A_36, %dma_start3A_37] : memref<192x512x512xf32, #tpu.memory_space<hbm>> -> memref<1x64x448xf32, #tpu.memory_space<hbm>>
    %dma_start3A_39 = tpu.memref_squeeze %dma_start3A_38 : memref<1x64x448xf32, #tpu.memory_space<hbm>> -> memref<64x448xf32, #tpu.memory_space<hbm>>
    tpu.enqueue_dma source(%dma_start3A_39 : memref<64x448xf32, #tpu.memory_space<hbm>>) target(%arg6 : memref<64x448xf32, #tpu.memory_space<vmem>>) target_semaphore(%arg11 : memref<!tpu.dma_semaphore, #tpu.memory_space<semaphore_mem>>)
    %dma_wait3A = arith.constant 32 : i32
    %dma_wait3A_40 = arith.constant 32 : i32
    %dma_wait3A_41 = tpu.memref_slice %arg2[%add3A_4, %dma_wait3A, %dma_wait3A_40] : memref<192x512x512xf32, #tpu.memory_space<hbm>> -> memref<1x64x448xf32, #tpu.memory_space<hbm>>
    %dma_wait3A_42 = tpu.memref_squeeze %dma_wait3A_41 : memref<1x64x448xf32, #tpu.memory_space<hbm>> -> memref<64x448xf32, #tpu.memory_space<hbm>>
    %dma_wait3A_43 = arith.constant 32 : i32
    %dma_wait3A_44 = arith.constant 32 : i32
    %dma_wait3A_45 = tpu.memref_slice %arg2[%add3A_4, %dma_wait3A_43, %dma_wait3A_44] : memref<192x512x512xf32, #tpu.memory_space<hbm>> -> memref<1x64x448xf32, #tpu.memory_space<hbm>>
    %dma_wait3A_46 = tpu.memref_squeeze %dma_wait3A_45 : memref<1x64x448xf32, #tpu.memory_space<hbm>> -> memref<64x448xf32, #tpu.memory_space<hbm>>
    tpu.wait_dma2 semaphore(%arg10 : memref<!tpu.dma_semaphore, #tpu.memory_space<semaphore_mem>>) src(%dma_wait3A_46 : memref<64x448xf32, #tpu.memory_space<hbm>>) dst(%arg5 : memref<64x448xf32, #tpu.memory_space<vmem>>)
    %dma_start3A_47 = arith.constant 0 : i32
    %dma_start3A_48 = arith.constant 0 : i32
    %dma_start3A_49 = tpu.memref_slice %arg9[%dma_start3A_47, %dma_start3A_48] : memref<42x64xi32, #tpu.memory_space<vmem>> -> memref<1x64xi32, #tpu.memory_space<vmem>>
    %dma_start3A_50 = tpu.memref_squeeze %dma_start3A_49 : memref<1x64xi32, #tpu.memory_space<vmem>> -> memref<64xi32, #tpu.memory_space<vmem>>
    %dma_start3A_51 = arith.constant 0 : i32
    %dma_start3A_52 = arith.constant 0 : i32
    %dma_start3A_53 = tpu.memref_slice %arg4[%dma_start3A_51, %dma_start3A_52] : memref<86016x448xf32, #tpu.memory_space<hbm>> -> memref<86016x448xf32, #tpu.memory_space<hbm>>
    tpu.enqueue_indirect_dma source(%arg5 : memref<64x448xf32, #tpu.memory_space<vmem>>) target(%dma_start3A_53 : memref<86016x448xf32, #tpu.memory_space<hbm>>) offsets(%dma_start3A_50 : memref<64xi32, #tpu.memory_space<vmem>>) semaphore(%arg14 : memref<!tpu.dma_semaphore, #tpu.memory_space<semaphore_mem>>)
    %dma_start3A_54 = arith.constant 160 : i32
    %dma_start3A_55 = arith.constant 32 : i32
    %dma_start3A_56 = tpu.memref_slice %arg2[%add3A_4, %dma_start3A_54, %dma_start3A_55] : memref<192x512x512xf32, #tpu.memory_space<hbm>> -> memref<1x64x448xf32, #tpu.memory_space<hbm>>
    %dma_start3A_57 = tpu.memref_squeeze %dma_start3A_56 : memref<1x64x448xf32, #tpu.memory_space<hbm>> -> memref<64x448xf32, #tpu.memory_space<hbm>>
    %dma_start3A_58 = arith.constant 160 : i32
    %dma_start3A_59 = arith.constant 32 : i32
    %dma_start3A_60 = tpu.memref_slice %arg2[%add3A_4, %dma_start3A_58, %dma_start3A_59] : memref<192x512x512xf32, #tpu.memory_space<hbm>> -> memref<1x64x448xf32, #tpu.memory_space<hbm>>
    %dma_start3A_61 = tpu.memref_squeeze %dma_start3A_60 : memref<1x64x448xf32, #tpu.memory_space<hbm>> -> memref<64x448xf32, #tpu.memory_space<hbm>>
    tpu.enqueue_dma source(%dma_start3A_61 : memref<64x448xf32, #tpu.memory_space<hbm>>) target(%arg7 : memref<64x448xf32, #tpu.memory_space<vmem>>) target_semaphore(%arg12 : memref<!tpu.dma_semaphore, #tpu.memory_space<semaphore_mem>>)
    %dma_wait3A_62 = arith.constant 96 : i32
    %dma_wait3A_63 = arith.constant 32 : i32
    %dma_wait3A_64 = tpu.memref_slice %arg2[%add3A_4, %dma_wait3A_62, %dma_wait3A_63] : memref<192x512x512xf32, #tpu.memory_space<hbm>> -> memref<1x64x448xf32, #tpu.memory_space<hbm>>
    %dma_wait3A_65 = tpu.memref_squeeze %dma_wait3A_64 : memref<1x64x448xf32, #tpu.memory_space<hbm>> -> memref<64x448xf32, #tpu.memory_space<hbm>>
    %dma_wait3A_66 = arith.constant 96 : i32
    %dma_wait3A_67 = arith.constant 32 : i32
    %dma_wait3A_68 = tpu.memref_slice %arg2[%add3A_4, %dma_wait3A_66, %dma_wait3A_67] : memref<192x512x512xf32, #tpu.memory_space<hbm>> -> memref<1x64x448xf32, #tpu.memory_space<hbm>>
    %dma_wait3A_69 = tpu.memref_squeeze %dma_wait3A_68 : memref<1x64x448xf32, #tpu.memory_space<hbm>> -> memref<64x448xf32, #tpu.memory_space<hbm>>
    tpu.wait_dma2 semaphore(%arg11 : memref<!tpu.dma_semaphore, #tpu.memory_space<semaphore_mem>>) src(%dma_wait3A_69 : memref<64x448xf32, #tpu.memory_space<hbm>>) dst(%arg6 : memref<64x448xf32, #tpu.memory_space<vmem>>)
    %dma_start3A_70 = arith.constant 1 : i32
    %dma_start3A_71 = arith.constant 0 : i32
    %dma_start3A_72 = tpu.memref_slice %arg9[%dma_start3A_70, %dma_start3A_71] : memref<42x64xi32, #tpu.memory_space<vmem>> -> memref<1x64xi32, #tpu.memory_space<vmem>>
    %dma_start3A_73 = tpu.memref_squeeze %dma_start3A_72 : memref<1x64xi32, #tpu.memory_space<vmem>> -> memref<64xi32, #tpu.memory_space<vmem>>
    %dma_start3A_74 = arith.constant 0 : i32
    %dma_start3A_75 = arith.constant 0 : i32
    %dma_start3A_76 = tpu.memref_slice %arg4[%dma_start3A_74, %dma_start3A_75] : memref<86016x448xf32, #tpu.memory_space<hbm>> -> memref<86016x448xf32, #tpu.memory_space<hbm>>
    tpu.enqueue_indirect_dma source(%arg6 : memref<64x448xf32, #tpu.memory_space<vmem>>) target(%dma_start3A_76 : memref<86016x448xf32, #tpu.memory_space<hbm>>) offsets(%dma_start3A_73 : memref<64xi32, #tpu.memory_space<vmem>>) semaphore(%arg15 : memref<!tpu.dma_semaphore, #tpu.memory_space<semaphore_mem>>)
    %dma_start3A_77 = arith.constant 224 : i32
    %dma_start3A_78 = arith.constant 32 : i32
    %dma_start3A_79 = tpu.memref_slice %arg2[%add3A_4, %dma_start3A_77, %dma_start3A_78] : memref<192x512x512xf32, #tpu.memory_space<hbm>> -> memref<1x64x448xf32, #tpu.memory_space<hbm>>
    %dma_start3A_80 = tpu.memref_squeeze %dma_start3A_79 : memref<1x64x448xf32, #tpu.memory_space<hbm>> -> memref<64x448xf32, #tpu.memory_space<hbm>>
    %dma_start3A_81 = arith.constant 224 : i32
    %dma_start3A_82 = arith.constant 32 : i32
    %dma_start3A_83 = tpu.memref_slice %arg2[%add3A_4, %dma_start3A_81, %dma_start3A_82] : memref<192x512x512xf32, #tpu.memory_space<hbm>> -> memref<1x64x448xf32, #tpu.memory_space<hbm>>
    %dma_start3A_84 = tpu.memref_squeeze %dma_start3A_83 : memref<1x64x448xf32, #tpu.memory_space<hbm>> -> memref<64x448xf32, #tpu.memory_space<hbm>>
    tpu.enqueue_dma source(%dma_start3A_84 : memref<64x448xf32, #tpu.memory_space<hbm>>) target(%arg8 : memref<64x448xf32, #tpu.memory_space<vmem>>) target_semaphore(%arg13 : memref<!tpu.dma_semaphore, #tpu.memory_space<semaphore_mem>>)
    %dma_wait3A_85 = arith.constant 160 : i32
    %dma_wait3A_86 = arith.constant 32 : i32
    %dma_wait3A_87 = tpu.memref_slice %arg2[%add3A_4, %dma_wait3A_85, %dma_wait3A_86] : memref<192x512x512xf32, #tpu.memory_space<hbm>> -> memref<1x64x448xf32, #tpu.memory_space<hbm>>
    %dma_wait3A_88 = tpu.memref_squeeze %dma_wait3A_87 : memref<1x64x448xf32, #tpu.memory_space<hbm>> -> memref<64x448xf32, #tpu.memory_space<hbm>>
    %dma_wait3A_89 = arith.constant 160 : i32
    %dma_wait3A_90 = arith.constant 32 : i32
    %dma_wait3A_91 = tpu.memref_slice %arg2[%add3A_4, %dma_wait3A_89, %dma_wait3A_90] : memref<192x512x512xf32, #tpu.memory_space<hbm>> -> memref<1x64x448xf32, #tpu.memory_space<hbm>>
    %dma_wait3A_92 = tpu.memref_squeeze %dma_wait3A_91 : memref<1x64x448xf32, #tpu.memory_space<hbm>> -> memref<64x448xf32, #tpu.memory_space<hbm>>
    tpu.wait_dma2 semaphore(%arg12 : memref<!tpu.dma_semaphore, #tpu.memory_space<semaphore_mem>>) src(%dma_wait3A_92 : memref<64x448xf32, #tpu.memory_space<hbm>>) dst(%arg7 : memref<64x448xf32, #tpu.memory_space<vmem>>)
    %dma_start3A_93 = arith.constant 2 : i32
    %dma_start3A_94 = arith.constant 0 : i32
    %dma_start3A_95 = tpu.memref_slice %arg9[%dma_start3A_93, %dma_start3A_94] : memref<42x64xi32, #tpu.memory_space<vmem>> -> memref<1x64xi32, #tpu.memory_space<vmem>>
    %dma_start3A_96 = tpu.memref_squeeze %dma_start3A_95 : memref<1x64xi32, #tpu.memory_space<vmem>> -> memref<64xi32, #tpu.memory_space<vmem>>
    %dma_start3A_97 = arith.constant 0 : i32
    %dma_start3A_98 = arith.constant 0 : i32
    %dma_start3A_99 = tpu.memref_slice %arg4[%dma_start3A_97, %dma_start3A_98] : memref<86016x448xf32, #tpu.memory_space<hbm>> -> memref<86016x448xf32, #tpu.memory_space<hbm>>
    tpu.enqueue_indirect_dma source(%arg7 : memref<64x448xf32, #tpu.memory_space<vmem>>) target(%dma_start3A_99 : memref<86016x448xf32, #tpu.memory_space<hbm>>) offsets(%dma_start3A_96 : memref<64xi32, #tpu.memory_space<vmem>>) semaphore(%arg16 : memref<!tpu.dma_semaphore, #tpu.memory_space<semaphore_mem>>)
    %dma_wait3A_100 = arith.constant 0 : i32
    %dma_wait3A_101 = arith.constant 0 : i32
    %dma_wait3A_102 = tpu.memref_slice %arg9[%dma_wait3A_100, %dma_wait3A_101] : memref<42x64xi32, #tpu.memory_space<vmem>> -> memref<1x64xi32, #tpu.memory_space<vmem>>
    %dma_wait3A_103 = tpu.memref_squeeze %dma_wait3A_102 : memref<1x64xi32, #tpu.memory_space<vmem>> -> memref<64xi32, #tpu.memory_space<vmem>>
    %dma_wait3A_104 = arith.constant 0 : i32
    %dma_wait3A_105 = arith.constant 0 : i32
    %dma_wait3A_106 = tpu.memref_slice %arg4[%dma_wait3A_104, %dma_wait3A_105] : memref<86016x448xf32, #tpu.memory_space<hbm>> -> memref<86016x448xf32, #tpu.memory_space<hbm>>
    tpu.wait_indirect_dma semaphore(%arg14 : memref<!tpu.dma_semaphore, #tpu.memory_space<semaphore_mem>>) src(%arg5 : memref<64x448xf32, #tpu.memory_space<vmem>>) dst(%dma_wait3A_106 : memref<86016x448xf32, #tpu.memory_space<hbm>>)
    %dma_start3A_107 = arith.constant 288 : i32
    %dma_start3A_108 = arith.constant 32 : i32
    %dma_start3A_109 = tpu.memref_slice %arg2[%add3A_4, %dma_start3A_107, %dma_start3A_108] : memref<192x512x512xf32, #tpu.memory_space<hbm>> -> memref<1x64x448xf32, #tpu.memory_space<hbm>>
    %dma_start3A_110 = tpu.memref_squeeze %dma_start3A_109 : memref<1x64x448xf32, #tpu.memory_space<hbm>> -> memref<64x448xf32, #tpu.memory_space<hbm>>
    %dma_start3A_111 = arith.constant 288 : i32
    %dma_start3A_112 = arith.constant 32 : i32
    %dma_start3A_113 = tpu.memref_slice %arg2[%add3A_4, %dma_start3A_111, %dma_start3A_112] : memref<192x512x512xf32, #tpu.memory_space<hbm>> -> memref<1x64x448xf32, #tpu.memory_space<hbm>>
    %dma_start3A_114 = tpu.memref_squeeze %dma_start3A_113 : memref<1x64x448xf32, #tpu.memory_space<hbm>> -> memref<64x448xf32, #tpu.memory_space<hbm>>
    tpu.enqueue_dma source(%dma_start3A_114 : memref<64x448xf32, #tpu.memory_space<hbm>>) target(%arg5 : memref<64x448xf32, #tpu.memory_space<vmem>>) target_semaphore(%arg10 : memref<!tpu.dma_semaphore, #tpu.memory_space<semaphore_mem>>)
    %dma_wait3A_115 = arith.constant 224 : i32
    %dma_wait3A_116 = arith.constant 32 : i32
    %dma_wait3A_117 = tpu.memref_slice %arg2[%add3A_4, %dma_wait3A_115, %dma_wait3A_116] : memref<192x512x512xf32, #tpu.memory_space<hbm>> -> memref<1x64x448xf32, #tpu.memory_space<hbm>>
    %dma_wait3A_118 = tpu.memref_squeeze %dma_wait3A_117 : memref<1x64x448xf32, #tpu.memory_space<hbm>> -> memref<64x448xf32, #tpu.memory_space<hbm>>
    %dma_wait3A_119 = arith.constant 224 : i32
    %dma_wait3A_120 = arith.constant 32 : i32
    %dma_wait3A_121 = tpu.memref_slice %arg2[%add3A_4, %dma_wait3A_119, %dma_wait3A_120] : memref<192x512x512xf32, #tpu.memory_space<hbm>> -> memref<1x64x448xf32, #tpu.memory_space<hbm>>
    %dma_wait3A_122 = tpu.memref_squeeze %dma_wait3A_121 : memref<1x64x448xf32, #tpu.memory_space<hbm>> -> memref<64x448xf32, #tpu.memory_space<hbm>>
    tpu.wait_dma2 semaphore(%arg13 : memref<!tpu.dma_semaphore, #tpu.memory_space<semaphore_mem>>) src(%dma_wait3A_122 : memref<64x448xf32, #tpu.memory_space<hbm>>) dst(%arg8 : memref<64x448xf32, #tpu.memory_space<vmem>>)
    %dma_start3A_123 = arith.constant 3 : i32
    %dma_start3A_124 = arith.constant 0 : i32
    %dma_start3A_125 = tpu.memref_slice %arg9[%dma_start3A_123, %dma_start3A_124] : memref<42x64xi32, #tpu.memory_space<vmem>> -> memref<1x64xi32, #tpu.memory_space<vmem>>
    %dma_start3A_126 = tpu.memref_squeeze %dma_start3A_125 : memref<1x64xi32, #tpu.memory_space<vmem>> -> memref<64xi32, #tpu.memory_space<vmem>>
    %dma_start3A_127 = arith.constant 0 : i32
    %dma_start3A_128 = arith.constant 0 : i32
    %dma_start3A_129 = tpu.memref_slice %arg4[%dma_start3A_127, %dma_start3A_128] : memref<86016x448xf32, #tpu.memory_space<hbm>> -> memref<86016x448xf32, #tpu.memory_space<hbm>>
    tpu.enqueue_indirect_dma source(%arg8 : memref<64x448xf32, #tpu.memory_space<vmem>>) target(%dma_start3A_129 : memref<86016x448xf32, #tpu.memory_space<hbm>>) offsets(%dma_start3A_126 : memref<64xi32, #tpu.memory_space<vmem>>) semaphore(%arg17 : memref<!tpu.dma_semaphore, #tpu.memory_space<semaphore_mem>>)
    %dma_wait3A_130 = arith.constant 1 : i32
    %dma_wait3A_131 = arith.constant 0 : i32
    %dma_wait3A_132 = tpu.memref_slice %arg9[%dma_wait3A_130, %dma_wait3A_131] : memref<42x64xi32, #tpu.memory_space<vmem>> -> memref<1x64xi32, #tpu.memory_space<vmem>>
    %dma_wait3A_133 = tpu.memref_squeeze %dma_wait3A_132 : memref<1x64xi32, #tpu.memory_space<vmem>> -> memref<64xi32, #tpu.memory_space<vmem>>
    %dma_wait3A_134 = arith.constant 0 : i32
    %dma_wait3A_135 = arith.constant 0 : i32
    %dma_wait3A_136 = tpu.memref_slice %arg4[%dma_wait3A_134, %dma_wait3A_135] : memref<86016x448xf32, #tpu.memory_space<hbm>> -> memref<86016x448xf32, #tpu.memory_space<hbm>>
    tpu.wait_indirect_dma semaphore(%arg15 : memref<!tpu.dma_semaphore, #tpu.memory_space<semaphore_mem>>) src(%arg6 : memref<64x448xf32, #tpu.memory_space<vmem>>) dst(%dma_wait3A_136 : memref<86016x448xf32, #tpu.memory_space<hbm>>)
    %dma_start3A_137 = arith.constant 352 : i32
    %dma_start3A_138 = arith.constant 32 : i32
    %dma_start3A_139 = tpu.memref_slice %arg2[%add3A_4, %dma_start3A_137, %dma_start3A_138] : memref<192x512x512xf32, #tpu.memory_space<hbm>> -> memref<1x64x448xf32, #tpu.memory_space<hbm>>
    %dma_start3A_140 = tpu.memref_squeeze %dma_start3A_139 : memref<1x64x448xf32, #tpu.memory_space<hbm>> -> memref<64x448xf32, #tpu.memory_space<hbm>>
    %dma_start3A_141 = arith.constant 352 : i32
    %dma_start3A_142 = arith.constant 32 : i32
    %dma_start3A_143 = tpu.memref_slice %arg2[%add3A_4, %dma_start3A_141, %dma_start3A_142] : memref<192x512x512xf32, #tpu.memory_space<hbm>> -> memref<1x64x448xf32, #tpu.memory_space<hbm>>
    %dma_start3A_144 = tpu.memref_squeeze %dma_start3A_143 : memref<1x64x448xf32, #tpu.memory_space<hbm>> -> memref<64x448xf32, #tpu.memory_space<hbm>>
    tpu.enqueue_dma source(%dma_start3A_144 : memref<64x448xf32, #tpu.memory_space<hbm>>) target(%arg6 : memref<64x448xf32, #tpu.memory_space<vmem>>) target_semaphore(%arg11 : memref<!tpu.dma_semaphore, #tpu.memory_space<semaphore_mem>>)
    %dma_wait3A_145 = arith.constant 288 : i32
    %dma_wait3A_146 = arith.constant 32 : i32
    %dma_wait3A_147 = tpu.memref_slice %arg2[%add3A_4, %dma_wait3A_145, %dma_wait3A_146] : memref<192x512x512xf32, #tpu.memory_space<hbm>> -> memref<1x64x448xf32, #tpu.memory_space<hbm>>
    %dma_wait3A_148 = tpu.memref_squeeze %dma_wait3A_147 : memref<1x64x448xf32, #tpu.memory_space<hbm>> -> memref<64x448xf32, #tpu.memory_space<hbm>>
    %dma_wait3A_149 = arith.constant 288 : i32
    %dma_wait3A_150 = arith.constant 32 : i32
    %dma_wait3A_151 = tpu.memref_slice %arg2[%add3A_4, %dma_wait3A_149, %dma_wait3A_150] : memref<192x512x512xf32, #tpu.memory_space<hbm>> -> memref<1x64x448xf32, #tpu.memory_space<hbm>>
    %dma_wait3A_152 = tpu.memref_squeeze %dma_wait3A_151 : memref<1x64x448xf32, #tpu.memory_space<hbm>> -> memref<64x448xf32, #tpu.memory_space<hbm>>
    tpu.wait_dma2 semaphore(%arg10 : memref<!tpu.dma_semaphore, #tpu.memory_space<semaphore_mem>>) src(%dma_wait3A_152 : memref<64x448xf32, #tpu.memory_space<hbm>>) dst(%arg5 : memref<64x448xf32, #tpu.memory_space<vmem>>)
    %dma_start3A_153 = arith.constant 4 : i32
    %dma_start3A_154 = arith.constant 0 : i32
    %dma_start3A_155 = tpu.memref_slice %arg9[%dma_start3A_153, %dma_start3A_154] : memref<42x64xi32, #tpu.memory_space<vmem>> -> memref<1x64xi32, #tpu.memory_space<vmem>>
    %dma_start3A_156 = tpu.memref_squeeze %dma_start3A_155 : memref<1x64xi32, #tpu.memory_space<vmem>> -> memref<64xi32, #tpu.memory_space<vmem>>
    %dma_start3A_157 = arith.constant 0 : i32
    %dma_start3A_158 = arith.constant 0 : i32
    %dma_start3A_159 = tpu.memref_slice %arg4[%dma_start3A_157, %dma_start3A_158] : memref<86016x448xf32, #tpu.memory_space<hbm>> -> memref<86016x448xf32, #tpu.memory_space<hbm>>
    tpu.enqueue_indirect_dma source(%arg5 : memref<64x448xf32, #tpu.memory_space<vmem>>) target(%dma_start3A_159 : memref<86016x448xf32, #tpu.memory_space<hbm>>) offsets(%dma_start3A_156 : memref<64xi32, #tpu.memory_space<vmem>>) semaphore(%arg14 : memref<!tpu.dma_semaphore, #tpu.memory_space<semaphore_mem>>)
    %dma_wait3A_160 = arith.constant 2 : i32
    %dma_wait3A_161 = arith.constant 0 : i32
    %dma_wait3A_162 = tpu.memref_slice %arg9[%dma_wait3A_160, %dma_wait3A_161] : memref<42x64xi32, #tpu.memory_space<vmem>> -> memref<1x64xi32, #tpu.memory_space<vmem>>
    %dma_wait3A_163 = tpu.memref_squeeze %dma_wait3A_162 : memref<1x64xi32, #tpu.memory_space<vmem>> -> memref<64xi32, #tpu.memory_space<vmem>>
    %dma_wait3A_164 = arith.constant 0 : i32
    %dma_wait3A_165 = arith.constant 0 : i32
    %dma_wait3A_166 = tpu.memref_slice %arg4[%dma_wait3A_164, %dma_wait3A_165] : memref<86016x448xf32, #tpu.memory_space<hbm>> -> memref<86016x448xf32, #tpu.memory_space<hbm>>
    tpu.wait_indirect_dma semaphore(%arg16 : memref<!tpu.dma_semaphore, #tpu.memory_space<semaphore_mem>>) src(%arg7 : memref<64x448xf32, #tpu.memory_space<vmem>>) dst(%dma_wait3A_166 : memref<86016x448xf32, #tpu.memory_space<hbm>>)
    %dma_start3A_167 = arith.constant 416 : i32
    %dma_start3A_168 = arith.constant 32 : i32
    %dma_start3A_169 = tpu.memref_slice %arg2[%add3A_4, %dma_start3A_167, %dma_start3A_168] : memref<192x512x512xf32, #tpu.memory_space<hbm>> -> memref<1x64x448xf32, #tpu.memory_space<hbm>>
    %dma_start3A_170 = tpu.memref_squeeze %dma_start3A_169 : memref<1x64x448xf32, #tpu.memory_space<hbm>> -> memref<64x448xf32, #tpu.memory_space<hbm>>
    %dma_start3A_171 = arith.constant 416 : i32
    %dma_start3A_172 = arith.constant 32 : i32
    %dma_start3A_173 = tpu.memref_slice %arg2[%add3A_4, %dma_start3A_171, %dma_start3A_172] : memref<192x512x512xf32, #tpu.memory_space<hbm>> -> memref<1x64x448xf32, #tpu.memory_space<hbm>>
    %dma_start3A_174 = tpu.memref_squeeze %dma_start3A_173 : memref<1x64x448xf32, #tpu.memory_space<hbm>> -> memref<64x448xf32, #tpu.memory_space<hbm>>
    tpu.enqueue_dma source(%dma_start3A_174 : memref<64x448xf32, #tpu.memory_space<hbm>>) target(%arg7 : memref<64x448xf32, #tpu.memory_space<vmem>>) target_semaphore(%arg12 : memref<!tpu.dma_semaphore, #tpu.memory_space<semaphore_mem>>)
    %dma_wait3A_175 = arith.constant 352 : i32
    %dma_wait3A_176 = arith.constant 32 : i32
    %dma_wait3A_177 = tpu.memref_slice %arg2[%add3A_4, %dma_wait3A_175, %dma_wait3A_176] : memref<192x512x512xf32, #tpu.memory_space<hbm>> -> memref<1x64x448xf32, #tpu.memory_space<hbm>>
    %dma_wait3A_178 = tpu.memref_squeeze %dma_wait3A_177 : memref<1x64x448xf32, #tpu.memory_space<hbm>> -> memref<64x448xf32, #tpu.memory_space<hbm>>
    %dma_wait3A_179 = arith.constant 352 : i32
    %dma_wait3A_180 = arith.constant 32 : i32
    %dma_wait3A_181 = tpu.memref_slice %arg2[%add3A_4, %dma_wait3A_179, %dma_wait3A_180] : memref<192x512x512xf32, #tpu.memory_space<hbm>> -> memref<1x64x448xf32, #tpu.memory_space<hbm>>
    %dma_wait3A_182 = tpu.memref_squeeze %dma_wait3A_181 : memref<1x64x448xf32, #tpu.memory_space<hbm>> -> memref<64x448xf32, #tpu.memory_space<hbm>>
    tpu.wait_dma2 semaphore(%arg11 : memref<!tpu.dma_semaphore, #tpu.memory_space<semaphore_mem>>) src(%dma_wait3A_182 : memref<64x448xf32, #tpu.memory_space<hbm>>) dst(%arg6 : memref<64x448xf32, #tpu.memory_space<vmem>>)
    %dma_start3A_183 = arith.constant 5 : i32
    %dma_start3A_184 = arith.constant 0 : i32
    %dma_start3A_185 = tpu.memref_slice %arg9[%dma_start3A_183, %dma_start3A_184] : memref<42x64xi32, #tpu.memory_space<vmem>> -> memref<1x64xi32, #tpu.memory_space<vmem>>
    %dma_start3A_186 = tpu.memref_squeeze %dma_start3A_185 : memref<1x64xi32, #tpu.memory_space<vmem>> -> memref<64xi32, #tpu.memory_space<vmem>>
    %dma_start3A_187 = arith.constant 0 : i32
    %dma_start3A_188 = arith.constant 0 : i32
    %dma_start3A_189 = tpu.memref_slice %arg4[%dma_start3A_187, %dma_start3A_188] : memref<86016x448xf32, #tpu.memory_space<hbm>> -> memref<86016x448xf32, #tpu.memory_space<hbm>>
    tpu.enqueue_indirect_dma source(%arg6 : memref<64x448xf32, #tpu.memory_space<vmem>>) target(%dma_start3A_189 : memref<86016x448xf32, #tpu.memory_space<hbm>>) offsets(%dma_start3A_186 : memref<64xi32, #tpu.memory_space<vmem>>) semaphore(%arg15 : memref<!tpu.dma_semaphore, #tpu.memory_space<semaphore_mem>>)
    %dma_wait3A_190 = arith.constant 3 : i32
    %dma_wait3A_191 = arith.constant 0 : i32
    %dma_wait3A_192 = tpu.memref_slice %arg9[%dma_wait3A_190, %dma_wait3A_191] : memref<42x64xi32, #tpu.memory_space<vmem>> -> memref<1x64xi32, #tpu.memory_space<vmem>>
    %dma_wait3A_193 = tpu.memref_squeeze %dma_wait3A_192 : memref<1x64xi32, #tpu.memory_space<vmem>> -> memref<64xi32, #tpu.memory_space<vmem>>
    %dma_wait3A_194 = arith.constant 0 : i32
    %dma_wait3A_195 = arith.constant 0 : i32
    %dma_wait3A_196 = tpu.memref_slice %arg4[%dma_wait3A_194, %dma_wait3A_195] : memref<86016x448xf32, #tpu.memory_space<hbm>> -> memref<86016x448xf32, #tpu.memory_space<hbm>>
    tpu.wait_indirect_dma semaphore(%arg17 : memref<!tpu.dma_semaphore, #tpu.memory_space<semaphore_mem>>) src(%arg8 : memref<64x448xf32, #tpu.memory_space<vmem>>) dst(%dma_wait3A_196 : memref<86016x448xf32, #tpu.memory_space<hbm>>)
    %dma_start3A_197 = arith.constant 32 : i32
    %dma_start3A_198 = arith.constant 32 : i32
    %dma_start3A_199 = tpu.memref_slice %arg2[%add3A_8, %dma_start3A_197, %dma_start3A_198] : memref<192x512x512xf32, #tpu.memory_space<hbm>> -> memref<1x64x448xf32, #tpu.memory_space<hbm>>
    %dma_start3A_200 = tpu.memref_squeeze %dma_start3A_199 : memref<1x64x448xf32, #tpu.memory_space<hbm>> -> memref<64x448xf32, #tpu.memory_space<hbm>>
    %dma_start3A_201 = arith.constant 32 : i32
    %dma_start3A_202 = arith.constant 32 : i32
    %dma_start3A_203 = tpu.memref_slice %arg2[%add3A_8, %dma_start3A_201, %dma_start3A_202] : memref<192x512x512xf32, #tpu.memory_space<hbm>> -> memref<1x64x448xf32, #tpu.memory_space<hbm>>
    %dma_start3A_204 = tpu.memref_squeeze %dma_start3A_203 : memref<1x64x448xf32, #tpu.memory_space<hbm>> -> memref<64x448xf32, #tpu.memory_space<hbm>>
    tpu.enqueue_dma source(%dma_start3A_204 : memref<64x448xf32, #tpu.memory_space<hbm>>) target(%arg8 : memref<64x448xf32, #tpu.memory_space<vmem>>) target_semaphore(%arg13 : memref<!tpu.dma_semaphore, #tpu.memory_space<semaphore_mem>>)
    %dma_wait3A_205 = arith.constant 416 : i32
    %dma_wait3A_206 = arith.constant 32 : i32
    %dma_wait3A_207 = tpu.memref_slice %arg2[%add3A_4, %dma_wait3A_205, %dma_wait3A_206] : memref<192x512x512xf32, #tpu.memory_space<hbm>> -> memref<1x64x448xf32, #tpu.memory_space<hbm>>
    %dma_wait3A_208 = tpu.memref_squeeze %dma_wait3A_207 : memref<1x64x448xf32, #tpu.memory_space<hbm>> -> memref<64x448xf32, #tpu.memory_space<hbm>>
    %dma_wait3A_209 = arith.constant 416 : i32
    %dma_wait3A_210 = arith.constant 32 : i32
    %dma_wait3A_211 = tpu.memref_slice %arg2[%add3A_4, %dma_wait3A_209, %dma_wait3A_210] : memref<192x512x512xf32, #tpu.memory_space<hbm>> -> memref<1x64x448xf32, #tpu.memory_space<hbm>>
    %dma_wait3A_212 = tpu.memref_squeeze %dma_wait3A_211 : memref<1x64x448xf32, #tpu.memory_space<hbm>> -> memref<64x448xf32, #tpu.memory_space<hbm>>
    tpu.wait_dma2 semaphore(%arg12 : memref<!tpu.dma_semaphore, #tpu.memory_space<semaphore_mem>>) src(%dma_wait3A_212 : memref<64x448xf32, #tpu.memory_space<hbm>>) dst(%arg7 : memref<64x448xf32, #tpu.memory_space<vmem>>)
    %dma_start3A_213 = arith.constant 6 : i32
    %dma_start3A_214 = arith.constant 0 : i32
    %dma_start3A_215 = tpu.memref_slice %arg9[%dma_start3A_213, %dma_start3A_214] : memref<42x64xi32, #tpu.memory_space<vmem>> -> memref<1x64xi32, #tpu.memory_space<vmem>>
    %dma_start3A_216 = tpu.memref_squeeze %dma_start3A_215 : memref<1x64xi32, #tpu.memory_space<vmem>> -> memref<64xi32, #tpu.memory_space<vmem>>
    %dma_start3A_217 = arith.constant 0 : i32
    %dma_start3A_218 = arith.constant 0 : i32
    %dma_start3A_219 = tpu.memref_slice %arg4[%dma_start3A_217, %dma_start3A_218] : memref<86016x448xf32, #tpu.memory_space<hbm>> -> memref<86016x448xf32, #tpu.memory_space<hbm>>
    tpu.enqueue_indirect_dma source(%arg7 : memref<64x448xf32, #tpu.memory_space<vmem>>) target(%dma_start3A_219 : memref<86016x448xf32, #tpu.memory_space<hbm>>) offsets(%dma_start3A_216 : memref<64xi32, #tpu.memory_space<vmem>>) semaphore(%arg16 : memref<!tpu.dma_semaphore, #tpu.memory_space<semaphore_mem>>)
    %dma_wait3A_220 = arith.constant 4 : i32
    %dma_wait3A_221 = arith.constant 0 : i32
    %dma_wait3A_222 = tpu.memref_slice %arg9[%dma_wait3A_220, %dma_wait3A_221] : memref<42x64xi32, #tpu.memory_space<vmem>> -> memref<1x64xi32, #tpu.memory_space<vmem>>
    %dma_wait3A_223 = tpu.memref_squeeze %dma_wait3A_222 : memref<1x64xi32, #tpu.memory_space<vmem>> -> memref<64xi32, #tpu.memory_space<vmem>>
    %dma_wait3A_224 = arith.constant 0 : i32
    %dma_wait3A_225 = arith.constant 0 : i32
    %dma_wait3A_226 = tpu.memref_slice %arg4[%dma_wait3A_224, %dma_wait3A_225] : memref<86016x448xf32, #tpu.memory_space<hbm>> -> memref<86016x448xf32, #tpu.memory_space<hbm>>
    tpu.wait_indirect_dma semaphore(%arg14 : memref<!tpu.dma_semaphore, #tpu.memory_space<semaphore_mem>>) src(%arg5 : memref<64x448xf32, #tpu.memory_space<vmem>>) dst(%dma_wait3A_226 : memref<86016x448xf32, #tpu.memory_space<hbm>>)
    %dma_start3A_227 = arith.constant 96 : i32
    %dma_start3A_228 = arith.constant 32 : i32
    %dma_start3A_229 = tpu.memref_slice %arg2[%add3A_8, %dma_start3A_227, %dma_start3A_228] : memref<192x512x512xf32, #tpu.memory_space<hbm>> -> memref<1x64x448xf32, #tpu.memory_space<hbm>>
    %dma_start3A_230 = tpu.memref_squeeze %dma_start3A_229 : memref<1x64x448xf32, #tpu.memory_space<hbm>> -> memref<64x448xf32, #tpu.memory_space<hbm>>
    %dma_start3A_231 = arith.constant 96 : i32
    %dma_start3A_232 = arith.constant 32 : i32
    %dma_start3A_233 = tpu.memref_slice %arg2[%add3A_8, %dma_start3A_231, %dma_start3A_232] : memref<192x512x512xf32, #tpu.memory_space<hbm>> -> memref<1x64x448xf32, #tpu.memory_space<hbm>>
    %dma_start3A_234 = tpu.memref_squeeze %dma_start3A_233 : memref<1x64x448xf32, #tpu.memory_space<hbm>> -> memref<64x448xf32, #tpu.memory_space<hbm>>
    tpu.enqueue_dma source(%dma_start3A_234 : memref<64x448xf32, #tpu.memory_space<hbm>>) target(%arg5 : memref<64x448xf32, #tpu.memory_space<vmem>>) target_semaphore(%arg10 : memref<!tpu.dma_semaphore, #tpu.memory_space<semaphore_mem>>)
    %dma_wait3A_235 = arith.constant 32 : i32
    %dma_wait3A_236 = arith.constant 32 : i32
    %dma_wait3A_237 = tpu.memref_slice %arg2[%add3A_8, %dma_wait3A_235, %dma_wait3A_236] : memref<192x512x512xf32, #tpu.memory_space<hbm>> -> memref<1x64x448xf32, #tpu.memory_space<hbm>>
    %dma_wait3A_238 = tpu.memref_squeeze %dma_wait3A_237 : memref<1x64x448xf32, #tpu.memory_space<hbm>> -> memref<64x448xf32, #tpu.memory_space<hbm>>
    %dma_wait3A_239 = arith.constant 32 : i32
    %dma_wait3A_240 = arith.constant 32 : i32
    %dma_wait3A_241 = tpu.memref_slice %arg2[%add3A_8, %dma_wait3A_239, %dma_wait3A_240] : memref<192x512x512xf32, #tpu.memory_space<hbm>> -> memref<1x64x448xf32, #tpu.memory_space<hbm>>
    %dma_wait3A_242 = tpu.memref_squeeze %dma_wait3A_241 : memref<1x64x448xf32, #tpu.memory_space<hbm>> -> memref<64x448xf32, #tpu.memory_space<hbm>>
    tpu.wait_dma2 semaphore(%arg13 : memref<!tpu.dma_semaphore, #tpu.memory_space<semaphore_mem>>) src(%dma_wait3A_242 : memref<64x448xf32, #tpu.memory_space<hbm>>) dst(%arg8 : memref<64x448xf32, #tpu.memory_space<vmem>>)
    %dma_start3A_243 = arith.constant 7 : i32
    %dma_start3A_244 = arith.constant 0 : i32
    %dma_start3A_245 = tpu.memref_slice %arg9[%dma_start3A_243, %dma_start3A_244] : memref<42x64xi32, #tpu.memory_space<vmem>> -> memref<1x64xi32, #tpu.memory_space<vmem>>
    %dma_start3A_246 = tpu.memref_squeeze %dma_start3A_245 : memref<1x64xi32, #tpu.memory_space<vmem>> -> memref<64xi32, #tpu.memory_space<vmem>>
    %dma_start3A_247 = arith.constant 0 : i32
    %dma_start3A_248 = arith.constant 0 : i32
    %dma_start3A_249 = tpu.memref_slice %arg4[%dma_start3A_247, %dma_start3A_248] : memref<86016x448xf32, #tpu.memory_space<hbm>> -> memref<86016x448xf32, #tpu.memory_space<hbm>>
    tpu.enqueue_indirect_dma source(%arg8 : memref<64x448xf32, #tpu.memory_space<vmem>>) target(%dma_start3A_249 : memref<86016x448xf32, #tpu.memory_space<hbm>>) offsets(%dma_start3A_246 : memref<64xi32, #tpu.memory_space<vmem>>) semaphore(%arg17 : memref<!tpu.dma_semaphore, #tpu.memory_space<semaphore_mem>>)
    %dma_wait3A_250 = arith.constant 5 : i32
    %dma_wait3A_251 = arith.constant 0 : i32
    %dma_wait3A_252 = tpu.memref_slice %arg9[%dma_wait3A_250, %dma_wait3A_251] : memref<42x64xi32, #tpu.memory_space<vmem>> -> memref<1x64xi32, #tpu.memory_space<vmem>>
    %dma_wait3A_253 = tpu.memref_squeeze %dma_wait3A_252 : memref<1x64xi32, #tpu.memory_space<vmem>> -> memref<64xi32, #tpu.memory_space<vmem>>
    %dma_wait3A_254 = arith.constant 0 : i32
    %dma_wait3A_255 = arith.constant 0 : i32
    %dma_wait3A_256 = tpu.memref_slice %arg4[%dma_wait3A_254, %dma_wait3A_255] : memref<86016x448xf32, #tpu.memory_space<hbm>> -> memref<86016x448xf32, #tpu.memory_space<hbm>>
    tpu.wait_indirect_dma semaphore(%arg15 : memref<!tpu.dma_semaphore, #tpu.memory_space<semaphore_mem>>) src(%arg6 : memref<64x448xf32, #tpu.memory_space<vmem>>) dst(%dma_wait3A_256 : memref<86016x448xf32, #tpu.memory_space<hbm>>)
    %dma_start3A_257 = arith.constant 160 : i32
    %dma_start3A_258 = arith.constant 32 : i32
    %dma_start3A_259 = tpu.memref_slice %arg2[%add3A_8, %dma_start3A_257, %dma_start3A_258] : memref<192x512x512xf32, #tpu.memory_space<hbm>> -> memref<1x64x448xf32, #tpu.memory_space<hbm>>
    %dma_start3A_260 = tpu.memref_squeeze %dma_start3A_259 : memref<1x64x448xf32, #tpu.memory_space<hbm>> -> memref<64x448xf32, #tpu.memory_space<hbm>>
    %dma_start3A_261 = arith.constant 160 : i32
    %dma_start3A_262 = arith.constant 32 : i32
    %dma_start3A_263 = tpu.memref_slice %arg2[%add3A_8, %dma_start3A_261, %dma_start3A_262] : memref<192x512x512xf32, #tpu.memory_space<hbm>> -> memref<1x64x448xf32, #tpu.memory_space<hbm>>
    %dma_start3A_264 = tpu.memref_squeeze %dma_start3A_263 : memref<1x64x448xf32, #tpu.memory_space<hbm>> -> memref<64x448xf32, #tpu.memory_space<hbm>>
    tpu.enqueue_dma source(%dma_start3A_264 : memref<64x448xf32, #tpu.memory_space<hbm>>) target(%arg6 : memref<64x448xf32, #tpu.memory_space<vmem>>) target_semaphore(%arg11 : memref<!tpu.dma_semaphore, #tpu.memory_space<semaphore_mem>>)
    %dma_wait3A_265 = arith.constant 96 : i32
    %dma_wait3A_266 = arith.constant 32 : i32
    %dma_wait3A_267 = tpu.memref_slice %arg2[%add3A_8, %dma_wait3A_265, %dma_wait3A_266] : memref<192x512x512xf32, #tpu.memory_space<hbm>> -> memref<1x64x448xf32, #tpu.memory_space<hbm>>
    %dma_wait3A_268 = tpu.memref_squeeze %dma_wait3A_267 : memref<1x64x448xf32, #tpu.memory_space<hbm>> -> memref<64x448xf32, #tpu.memory_space<hbm>>
    %dma_wait3A_269 = arith.constant 96 : i32
    %dma_wait3A_270 = arith.constant 32 : i32
    %dma_wait3A_271 = tpu.memref_slice %arg2[%add3A_8, %dma_wait3A_269, %dma_wait3A_270] : memref<192x512x512xf32, #tpu.memory_space<hbm>> -> memref<1x64x448xf32, #tpu.memory_space<hbm>>
    %dma_wait3A_272 = tpu.memref_squeeze %dma_wait3A_271 : memref<1x64x448xf32, #tpu.memory_space<hbm>> -> memref<64x448xf32, #tpu.memory_space<hbm>>
    tpu.wait_dma2 semaphore(%arg10 : memref<!tpu.dma_semaphore, #tpu.memory_space<semaphore_mem>>) src(%dma_wait3A_272 : memref<64x448xf32, #tpu.memory_space<hbm>>) dst(%arg5 : memref<64x448xf32, #tpu.memory_space<vmem>>)
    %dma_start3A_273 = arith.constant 8 : i32
    %dma_start3A_274 = arith.constant 0 : i32
    %dma_start3A_275 = tpu.memref_slice %arg9[%dma_start3A_273, %dma_start3A_274] : memref<42x64xi32, #tpu.memory_space<vmem>> -> memref<1x64xi32, #tpu.memory_space<vmem>>
    %dma_start3A_276 = tpu.memref_squeeze %dma_start3A_275 : memref<1x64xi32, #tpu.memory_space<vmem>> -> memref<64xi32, #tpu.memory_space<vmem>>
    %dma_start3A_277 = arith.constant 0 : i32
    %dma_start3A_278 = arith.constant 0 : i32
    %dma_start3A_279 = tpu.memref_slice %arg4[%dma_start3A_277, %dma_start3A_278] : memref<86016x448xf32, #tpu.memory_space<hbm>> -> memref<86016x448xf32, #tpu.memory_space<hbm>>
    tpu.enqueue_indirect_dma source(%arg5 : memref<64x448xf32, #tpu.memory_space<vmem>>) target(%dma_start3A_279 : memref<86016x448xf32, #tpu.memory_space<hbm>>) offsets(%dma_start3A_276 : memref<64xi32, #tpu.memory_space<vmem>>) semaphore(%arg14 : memref<!tpu.dma_semaphore, #tpu.memory_space<semaphore_mem>>)
    %dma_wait3A_280 = arith.constant 6 : i32
    %dma_wait3A_281 = arith.constant 0 : i32
    %dma_wait3A_282 = tpu.memref_slice %arg9[%dma_wait3A_280, %dma_wait3A_281] : memref<42x64xi32, #tpu.memory_space<vmem>> -> memref<1x64xi32, #tpu.memory_space<vmem>>
    %dma_wait3A_283 = tpu.memref_squeeze %dma_wait3A_282 : memref<1x64xi32, #tpu.memory_space<vmem>> -> memref<64xi32, #tpu.memory_space<vmem>>
    %dma_wait3A_284 = arith.constant 0 : i32
    %dma_wait3A_285 = arith.constant 0 : i32
    %dma_wait3A_286 = tpu.memref_slice %arg4[%dma_wait3A_284, %dma_wait3A_285] : memref<86016x448xf32, #tpu.memory_space<hbm>> -> memref<86016x448xf32, #tpu.memory_space<hbm>>
    tpu.wait_indirect_dma semaphore(%arg16 : memref<!tpu.dma_semaphore, #tpu.memory_space<semaphore_mem>>) src(%arg7 : memref<64x448xf32, #tpu.memory_space<vmem>>) dst(%dma_wait3A_286 : memref<86016x448xf32, #tpu.memory_space<hbm>>)
    %dma_start3A_287 = arith.constant 224 : i32
    %dma_start3A_288 = arith.constant 32 : i32
    %dma_start3A_289 = tpu.memref_slice %arg2[%add3A_8, %dma_start3A_287, %dma_start3A_288] : memref<192x512x512xf32, #tpu.memory_space<hbm>> -> memref<1x64x448xf32, #tpu.memory_space<hbm>>
    %dma_start3A_290 = tpu.memref_squeeze %dma_start3A_289 : memref<1x64x448xf32, #tpu.memory_space<hbm>> -> memref<64x448xf32, #tpu.memory_space<hbm>>
    %dma_start3A_291 = arith.constant 224 : i32
    %dma_start3A_292 = arith.constant 32 : i32
    %dma_start3A_293 = tpu.memref_slice %arg2[%add3A_8, %dma_start3A_291, %dma_start3A_292] : memref<192x512x512xf32, #tpu.memory_space<hbm>> -> memref<1x64x448xf32, #tpu.memory_space<hbm>>
    %dma_start3A_294 = tpu.memref_squeeze %dma_start3A_293 : memref<1x64x448xf32, #tpu.memory_space<hbm>> -> memref<64x448xf32, #tpu.memory_space<hbm>>
    tpu.enqueue_dma source(%dma_start3A_294 : memref<64x448xf32, #tpu.memory_space<hbm>>) target(%arg7 : memref<64x448xf32, #tpu.memory_space<vmem>>) target_semaphore(%arg12 : memref<!tpu.dma_semaphore, #tpu.memory_space<semaphore_mem>>)
    %dma_wait3A_295 = arith.constant 160 : i32
    %dma_wait3A_296 = arith.constant 32 : i32
    %dma_wait3A_297 = tpu.memref_slice %arg2[%add3A_8, %dma_wait3A_295, %dma_wait3A_296] : memref<192x512x512xf32, #tpu.memory_space<hbm>> -> memref<1x64x448xf32, #tpu.memory_space<hbm>>
    %dma_wait3A_298 = tpu.memref_squeeze %dma_wait3A_297 : memref<1x64x448xf32, #tpu.memory_space<hbm>> -> memref<64x448xf32, #tpu.memory_space<hbm>>
    %dma_wait3A_299 = arith.constant 160 : i32
    %dma_wait3A_300 = arith.constant 32 : i32
    %dma_wait3A_301 = tpu.memref_slice %arg2[%add3A_8, %dma_wait3A_299, %dma_wait3A_300] : memref<192x512x512xf32, #tpu.memory_space<hbm>> -> memref<1x64x448xf32, #tpu.memory_space<hbm>>
    %dma_wait3A_302 = tpu.memref_squeeze %dma_wait3A_301 : memref<1x64x448xf32, #tpu.memory_space<hbm>> -> memref<64x448xf32, #tpu.memory_space<hbm>>
    tpu.wait_dma2 semaphore(%arg11 : memref<!tpu.dma_semaphore, #tpu.memory_space<semaphore_mem>>) src(%dma_wait3A_302 : memref<64x448xf32, #tpu.memory_space<hbm>>) dst(%arg6 : memref<64x448xf32, #tpu.memory_space<vmem>>)
    %dma_start3A_303 = arith.constant 9 : i32
    %dma_start3A_304 = arith.constant 0 : i32
    %dma_start3A_305 = tpu.memref_slice %arg9[%dma_start3A_303, %dma_start3A_304] : memref<42x64xi32, #tpu.memory_space<vmem>> -> memref<1x64xi32, #tpu.memory_space<vmem>>
    %dma_start3A_306 = tpu.memref_squeeze %dma_start3A_305 : memref<1x64xi32, #tpu.memory_space<vmem>> -> memref<64xi32, #tpu.memory_space<vmem>>
    %dma_start3A_307 = arith.constant 0 : i32
    %dma_start3A_308 = arith.constant 0 : i32
    %dma_start3A_309 = tpu.memref_slice %arg4[%dma_start3A_307, %dma_start3A_308] : memref<86016x448xf32, #tpu.memory_space<hbm>> -> memref<86016x448xf32, #tpu.memory_space<hbm>>
    tpu.enqueue_indirect_dma source(%arg6 : memref<64x448xf32, #tpu.memory_space<vmem>>) target(%dma_start3A_309 : memref<86016x448xf32, #tpu.memory_space<hbm>>) offsets(%dma_start3A_306 : memref<64xi32, #tpu.memory_space<vmem>>) semaphore(%arg15 : memref<!tpu.dma_semaphore, #tpu.memory_space<semaphore_mem>>)
    %dma_wait3A_310 = arith.constant 7 : i32
    %dma_wait3A_311 = arith.constant 0 : i32
    %dma_wait3A_312 = tpu.memref_slice %arg9[%dma_wait3A_310, %dma_wait3A_311] : memref<42x64xi32, #tpu.memory_space<vmem>> -> memref<1x64xi32, #tpu.memory_space<vmem>>
    %dma_wait3A_313 = tpu.memref_squeeze %dma_wait3A_312 : memref<1x64xi32, #tpu.memory_space<vmem>> -> memref<64xi32, #tpu.memory_space<vmem>>
    %dma_wait3A_314 = arith.constant 0 : i32
    %dma_wait3A_315 = arith.constant 0 : i32
    %dma_wait3A_316 = tpu.memref_slice %arg4[%dma_wait3A_314, %dma_wait3A_315] : memref<86016x448xf32, #tpu.memory_space<hbm>> -> memref<86016x448xf32, #tpu.memory_space<hbm>>
    tpu.wait_indirect_dma semaphore(%arg17 : memref<!tpu.dma_semaphore, #tpu.memory_space<semaphore_mem>>) src(%arg8 : memref<64x448xf32, #tpu.memory_space<vmem>>) dst(%dma_wait3A_316 : memref<86016x448xf32, #tpu.memory_space<hbm>>)
    %dma_start3A_317 = arith.constant 288 : i32
    %dma_start3A_318 = arith.constant 32 : i32
    %dma_start3A_319 = tpu.memref_slice %arg2[%add3A_8, %dma_start3A_317, %dma_start3A_318] : memref<192x512x512xf32, #tpu.memory_space<hbm>> -> memref<1x64x448xf32, #tpu.memory_space<hbm>>
    %dma_start3A_320 = tpu.memref_squeeze %dma_start3A_319 : memref<1x64x448xf32, #tpu.memory_space<hbm>> -> memref<64x448xf32, #tpu.memory_space<hbm>>
    %dma_start3A_321 = arith.constant 288 : i32
    %dma_start3A_322 = arith.constant 32 : i32
    %dma_start3A_323 = tpu.memref_slice %arg2[%add3A_8, %dma_start3A_321, %dma_start3A_322] : memref<192x512x512xf32, #tpu.memory_space<hbm>> -> memref<1x64x448xf32, #tpu.memory_space<hbm>>
    %dma_start3A_324 = tpu.memref_squeeze %dma_start3A_323 : memref<1x64x448xf32, #tpu.memory_space<hbm>> -> memref<64x448xf32, #tpu.memory_space<hbm>>
    tpu.enqueue_dma source(%dma_start3A_324 : memref<64x448xf32, #tpu.memory_space<hbm>>) target(%arg8 : memref<64x448xf32, #tpu.memory_space<vmem>>) target_semaphore(%arg13 : memref<!tpu.dma_semaphore, #tpu.memory_space<semaphore_mem>>)
    %dma_wait3A_325 = arith.constant 224 : i32
    %dma_wait3A_326 = arith.constant 32 : i32
    %dma_wait3A_327 = tpu.memref_slice %arg2[%add3A_8, %dma_wait3A_325, %dma_wait3A_326] : memref<192x512x512xf32, #tpu.memory_space<hbm>> -> memref<1x64x448xf32, #tpu.memory_space<hbm>>
    %dma_wait3A_328 = tpu.memref_squeeze %dma_wait3A_327 : memref<1x64x448xf32, #tpu.memory_space<hbm>> -> memref<64x448xf32, #tpu.memory_space<hbm>>
    %dma_wait3A_329 = arith.constant 224 : i32
    %dma_wait3A_330 = arith.constant 32 : i32
    %dma_wait3A_331 = tpu.memref_slice %arg2[%add3A_8, %dma_wait3A_329, %dma_wait3A_330] : memref<192x512x512xf32, #tpu.memory_space<hbm>> -> memref<1x64x448xf32, #tpu.memory_space<hbm>>
    %dma_wait3A_332 = tpu.memref_squeeze %dma_wait3A_331 : memref<1x64x448xf32, #tpu.memory_space<hbm>> -> memref<64x448xf32, #tpu.memory_space<hbm>>
    tpu.wait_dma2 semaphore(%arg12 : memref<!tpu.dma_semaphore, #tpu.memory_space<semaphore_mem>>) src(%dma_wait3A_332 : memref<64x448xf32, #tpu.memory_space<hbm>>) dst(%arg7 : memref<64x448xf32, #tpu.memory_space<vmem>>)
    %dma_start3A_333 = arith.constant 10 : i32
    %dma_start3A_334 = arith.constant 0 : i32
    %dma_start3A_335 = tpu.memref_slice %arg9[%dma_start3A_333, %dma_start3A_334] : memref<42x64xi32, #tpu.memory_space<vmem>> -> memref<1x64xi32, #tpu.memory_space<vmem>>
    %dma_start3A_336 = tpu.memref_squeeze %dma_start3A_335 : memref<1x64xi32, #tpu.memory_space<vmem>> -> memref<64xi32, #tpu.memory_space<vmem>>
    %dma_start3A_337 = arith.constant 0 : i32
    %dma_start3A_338 = arith.constant 0 : i32
    %dma_start3A_339 = tpu.memref_slice %arg4[%dma_start3A_337, %dma_start3A_338] : memref<86016x448xf32, #tpu.memory_space<hbm>> -> memref<86016x448xf32, #tpu.memory_space<hbm>>
    tpu.enqueue_indirect_dma source(%arg7 : memref<64x448xf32, #tpu.memory_space<vmem>>) target(%dma_start3A_339 : memref<86016x448xf32, #tpu.memory_space<hbm>>) offsets(%dma_start3A_336 : memref<64xi32, #tpu.memory_space<vmem>>) semaphore(%arg16 : memref<!tpu.dma_semaphore, #tpu.memory_space<semaphore_mem>>)
    %dma_wait3A_340 = arith.constant 8 : i32
    %dma_wait3A_341 = arith.constant 0 : i32
    %dma_wait3A_342 = tpu.memref_slice %arg9[%dma_wait3A_340, %dma_wait3A_341] : memref<42x64xi32, #tpu.memory_space<vmem>> -> memref<1x64xi32, #tpu.memory_space<vmem>>
    %dma_wait3A_343 = tpu.memref_squeeze %dma_wait3A_342 : memref<1x64xi32, #tpu.memory_space<vmem>> -> memref<64xi32, #tpu.memory_space<vmem>>
    %dma_wait3A_344 = arith.constant 0 : i32
    %dma_wait3A_345 = arith.constant 0 : i32
    %dma_wait3A_346 = tpu.memref_slice %arg4[%dma_wait3A_344, %dma_wait3A_345] : memref<86016x448xf32, #tpu.memory_space<hbm>> -> memref<86016x448xf32, #tpu.memory_space<hbm>>
    tpu.wait_indirect_dma semaphore(%arg14 : memref<!tpu.dma_semaphore, #tpu.memory_space<semaphore_mem>>) src(%arg5 : memref<64x448xf32, #tpu.memory_space<vmem>>) dst(%dma_wait3A_346 : memref<86016x448xf32, #tpu.memory_space<hbm>>)
    %dma_start3A_347 = arith.constant 352 : i32
    %dma_start3A_348 = arith.constant 32 : i32
    %dma_start3A_349 = tpu.memref_slice %arg2[%add3A_8, %dma_start3A_347, %dma_start3A_348] : memref<192x512x512xf32, #tpu.memory_space<hbm>> -> memref<1x64x448xf32, #tpu.memory_space<hbm>>
    %dma_start3A_350 = tpu.memref_squeeze %dma_start3A_349 : memref<1x64x448xf32, #tpu.memory_space<hbm>> -> memref<64x448xf32, #tpu.memory_space<hbm>>
    %dma_start3A_351 = arith.constant 352 : i32
    %dma_start3A_352 = arith.constant 32 : i32
    %dma_start3A_353 = tpu.memref_slice %arg2[%add3A_8, %dma_start3A_351, %dma_start3A_352] : memref<192x512x512xf32, #tpu.memory_space<hbm>> -> memref<1x64x448xf32, #tpu.memory_space<hbm>>
    %dma_start3A_354 = tpu.memref_squeeze %dma_start3A_353 : memref<1x64x448xf32, #tpu.memory_space<hbm>> -> memref<64x448xf32, #tpu.memory_space<hbm>>
    tpu.enqueue_dma source(%dma_start3A_354 : memref<64x448xf32, #tpu.memory_space<hbm>>) target(%arg5 : memref<64x448xf32, #tpu.memory_space<vmem>>) target_semaphore(%arg10 : memref<!tpu.dma_semaphore, #tpu.memory_space<semaphore_mem>>)
    %dma_wait3A_355 = arith.constant 288 : i32
    %dma_wait3A_356 = arith.constant 32 : i32
    %dma_wait3A_357 = tpu.memref_slice %arg2[%add3A_8, %dma_wait3A_355, %dma_wait3A_356] : memref<192x512x512xf32, #tpu.memory_space<hbm>> -> memref<1x64x448xf32, #tpu.memory_space<hbm>>
    %dma_wait3A_358 = tpu.memref_squeeze %dma_wait3A_357 : memref<1x64x448xf32, #tpu.memory_space<hbm>> -> memref<64x448xf32, #tpu.memory_space<hbm>>
    %dma_wait3A_359 = arith.constant 288 : i32
    %dma_wait3A_360 = arith.constant 32 : i32
    %dma_wait3A_361 = tpu.memref_slice %arg2[%add3A_8, %dma_wait3A_359, %dma_wait3A_360] : memref<192x512x512xf32, #tpu.memory_space<hbm>> -> memref<1x64x448xf32, #tpu.memory_space<hbm>>
    %dma_wait3A_362 = tpu.memref_squeeze %dma_wait3A_361 : memref<1x64x448xf32, #tpu.memory_space<hbm>> -> memref<64x448xf32, #tpu.memory_space<hbm>>
    tpu.wait_dma2 semaphore(%arg13 : memref<!tpu.dma_semaphore, #tpu.memory_space<semaphore_mem>>) src(%dma_wait3A_362 : memref<64x448xf32, #tpu.memory_space<hbm>>) dst(%arg8 : memref<64x448xf32, #tpu.memory_space<vmem>>)
    %dma_start3A_363 = arith.constant 11 : i32
    %dma_start3A_364 = arith.constant 0 : i32
    %dma_start3A_365 = tpu.memref_slice %arg9[%dma_start3A_363, %dma_start3A_364] : memref<42x64xi32, #tpu.memory_space<vmem>> -> memref<1x64xi32, #tpu.memory_space<vmem>>
    %dma_start3A_366 = tpu.memref_squeeze %dma_start3A_365 : memref<1x64xi32, #tpu.memory_space<vmem>> -> memref<64xi32, #tpu.memory_space<vmem>>
    %dma_start3A_367 = arith.constant 0 : i32
    %dma_start3A_368 = arith.constant 0 : i32
    %dma_start3A_369 = tpu.memref_slice %arg4[%dma_start3A_367, %dma_start3A_368] : memref<86016x448xf32, #tpu.memory_space<hbm>> -> memref<86016x448xf32, #tpu.memory_space<hbm>>
    tpu.enqueue_indirect_dma source(%arg8 : memref<64x448xf32, #tpu.memory_space<vmem>>) target(%dma_start3A_369 : memref<86016x448xf32, #tpu.memory_space<hbm>>) offsets(%dma_start3A_366 : memref<64xi32, #tpu.memory_space<vmem>>) semaphore(%arg17 : memref<!tpu.dma_semaphore, #tpu.memory_space<semaphore_mem>>)
    %dma_wait3A_370 = arith.constant 9 : i32
    %dma_wait3A_371 = arith.constant 0 : i32
    %dma_wait3A_372 = tpu.memref_slice %arg9[%dma_wait3A_370, %dma_wait3A_371] : memref<42x64xi32, #tpu.memory_space<vmem>> -> memref<1x64xi32, #tpu.memory_space<vmem>>
    %dma_wait3A_373 = tpu.memref_squeeze %dma_wait3A_372 : memref<1x64xi32, #tpu.memory_space<vmem>> -> memref<64xi32, #tpu.memory_space<vmem>>
    %dma_wait3A_374 = arith.constant 0 : i32
    %dma_wait3A_375 = arith.constant 0 : i32
    %dma_wait3A_376 = tpu.memref_slice %arg4[%dma_wait3A_374, %dma_wait3A_375] : memref<86016x448xf32, #tpu.memory_space<hbm>> -> memref<86016x448xf32, #tpu.memory_space<hbm>>
    tpu.wait_indirect_dma semaphore(%arg15 : memref<!tpu.dma_semaphore, #tpu.memory_space<semaphore_mem>>) src(%arg6 : memref<64x448xf32, #tpu.memory_space<vmem>>) dst(%dma_wait3A_376 : memref<86016x448xf32, #tpu.memory_space<hbm>>)
    %dma_start3A_377 = arith.constant 416 : i32
    %dma_start3A_378 = arith.constant 32 : i32
    %dma_start3A_379 = tpu.memref_slice %arg2[%add3A_8, %dma_start3A_377, %dma_start3A_378] : memref<192x512x512xf32, #tpu.memory_space<hbm>> -> memref<1x64x448xf32, #tpu.memory_space<hbm>>
    %dma_start3A_380 = tpu.memref_squeeze %dma_start3A_379 : memref<1x64x448xf32, #tpu.memory_space<hbm>> -> memref<64x448xf32, #tpu.memory_space<hbm>>
    %dma_start3A_381 = arith.constant 416 : i32
    %dma_start3A_382 = arith.constant 32 : i32
    %dma_start3A_383 = tpu.memref_slice %arg2[%add3A_8, %dma_start3A_381, %dma_start3A_382] : memref<192x512x512xf32, #tpu.memory_space<hbm>> -> memref<1x64x448xf32, #tpu.memory_space<hbm>>
    %dma_start3A_384 = tpu.memref_squeeze %dma_start3A_383 : memref<1x64x448xf32, #tpu.memory_space<hbm>> -> memref<64x448xf32, #tpu.memory_space<hbm>>
    tpu.enqueue_dma source(%dma_start3A_384 : memref<64x448xf32, #tpu.memory_space<hbm>>) target(%arg6 : memref<64x448xf32, #tpu.memory_space<vmem>>) target_semaphore(%arg11 : memref<!tpu.dma_semaphore, #tpu.memory_space<semaphore_mem>>)
    %dma_wait3A_385 = arith.constant 352 : i32
    %dma_wait3A_386 = arith.constant 32 : i32
    %dma_wait3A_387 = tpu.memref_slice %arg2[%add3A_8, %dma_wait3A_385, %dma_wait3A_386] : memref<192x512x512xf32, #tpu.memory_space<hbm>> -> memref<1x64x448xf32, #tpu.memory_space<hbm>>
    %dma_wait3A_388 = tpu.memref_squeeze %dma_wait3A_387 : memref<1x64x448xf32, #tpu.memory_space<hbm>> -> memref<64x448xf32, #tpu.memory_space<hbm>>
    %dma_wait3A_389 = arith.constant 352 : i32
    %dma_wait3A_390 = arith.constant 32 : i32
    %dma_wait3A_391 = tpu.memref_slice %arg2[%add3A_8, %dma_wait3A_389, %dma_wait3A_390] : memref<192x512x512xf32, #tpu.memory_space<hbm>> -> memref<1x64x448xf32, #tpu.memory_space<hbm>>
    %dma_wait3A_392 = tpu.memref_squeeze %dma_wait3A_391 : memref<1x64x448xf32, #tpu.memory_space<hbm>> -> memref<64x448xf32, #tpu.memory_space<hbm>>
    tpu.wait_dma2 semaphore(%arg10 : memref<!tpu.dma_semaphore, #tpu.memory_space<semaphore_mem>>) src(%dma_wait3A_392 : memref<64x448xf32, #tpu.memory_space<hbm>>) dst(%arg5 : memref<64x448xf32, #tpu.memory_space<vmem>>)
    %dma_start3A_393 = arith.constant 12 : i32
    %dma_start3A_394 = arith.constant 0 : i32
    %dma_start3A_395 = tpu.memref_slice %arg9[%dma_start3A_393, %dma_start3A_394] : memref<42x64xi32, #tpu.memory_space<vmem>> -> memref<1x64xi32, #tpu.memory_space<vmem>>
    %dma_start3A_396 = tpu.memref_squeeze %dma_start3A_395 : memref<1x64xi32, #tpu.memory_space<vmem>> -> memref<64xi32, #tpu.memory_space<vmem>>
    %dma_start3A_397 = arith.constant 0 : i32
    %dma_start3A_398 = arith.constant 0 : i32
    %dma_start3A_399 = tpu.memref_slice %arg4[%dma_start3A_397, %dma_start3A_398] : memref<86016x448xf32, #tpu.memory_space<hbm>> -> memref<86016x448xf32, #tpu.memory_space<hbm>>
    tpu.enqueue_indirect_dma source(%arg5 : memref<64x448xf32, #tpu.memory_space<vmem>>) target(%dma_start3A_399 : memref<86016x448xf32, #tpu.memory_space<hbm>>) offsets(%dma_start3A_396 : memref<64xi32, #tpu.memory_space<vmem>>) semaphore(%arg14 : memref<!tpu.dma_semaphore, #tpu.memory_space<semaphore_mem>>)
    %dma_wait3A_400 = arith.constant 10 : i32
    %dma_wait3A_401 = arith.constant 0 : i32
    %dma_wait3A_402 = tpu.memref_slice %arg9[%dma_wait3A_400, %dma_wait3A_401] : memref<42x64xi32, #tpu.memory_space<vmem>> -> memref<1x64xi32, #tpu.memory_space<vmem>>
    %dma_wait3A_403 = tpu.memref_squeeze %dma_wait3A_402 : memref<1x64xi32, #tpu.memory_space<vmem>> -> memref<64xi32, #tpu.memory_space<vmem>>
    %dma_wait3A_404 = arith.constant 0 : i32
    %dma_wait3A_405 = arith.constant 0 : i32
    %dma_wait3A_406 = tpu.memref_slice %arg4[%dma_wait3A_404, %dma_wait3A_405] : memref<86016x448xf32, #tpu.memory_space<hbm>> -> memref<86016x448xf32, #tpu.memory_space<hbm>>
    tpu.wait_indirect_dma semaphore(%arg16 : memref<!tpu.dma_semaphore, #tpu.memory_space<semaphore_mem>>) src(%arg7 : memref<64x448xf32, #tpu.memory_space<vmem>>) dst(%dma_wait3A_406 : memref<86016x448xf32, #tpu.memory_space<hbm>>)
    %dma_start3A_407 = arith.constant 32 : i32
    %dma_start3A_408 = arith.constant 32 : i32
    %dma_start3A_409 = tpu.memref_slice %arg2[%add3A_12, %dma_start3A_407, %dma_start3A_408] : memref<192x512x512xf32, #tpu.memory_space<hbm>> -> memref<1x64x448xf32, #tpu.memory_space<hbm>>
    %dma_start3A_410 = tpu.memref_squeeze %dma_start3A_409 : memref<1x64x448xf32, #tpu.memory_space<hbm>> -> memref<64x448xf32, #tpu.memory_space<hbm>>
    %dma_start3A_411 = arith.constant 32 : i32
    %dma_start3A_412 = arith.constant 32 : i32
    %dma_start3A_413 = tpu.memref_slice %arg2[%add3A_12, %dma_start3A_411, %dma_start3A_412] : memref<192x512x512xf32, #tpu.memory_space<hbm>> -> memref<1x64x448xf32, #tpu.memory_space<hbm>>
    %dma_start3A_414 = tpu.memref_squeeze %dma_start3A_413 : memref<1x64x448xf32, #tpu.memory_space<hbm>> -> memref<64x448xf32, #tpu.memory_space<hbm>>
    tpu.enqueue_dma source(%dma_start3A_414 : memref<64x448xf32, #tpu.memory_space<hbm>>) target(%arg7 : memref<64x448xf32, #tpu.memory_space<vmem>>) target_semaphore(%arg12 : memref<!tpu.dma_semaphore, #tpu.memory_space<semaphore_mem>>)
    %dma_wait3A_415 = arith.constant 416 : i32
    %dma_wait3A_416 = arith.constant 32 : i32
    %dma_wait3A_417 = tpu.memref_slice %arg2[%add3A_8, %dma_wait3A_415, %dma_wait3A_416] : memref<192x512x512xf32, #tpu.memory_space<hbm>> -> memref<1x64x448xf32, #tpu.memory_space<hbm>>
    %dma_wait3A_418 = tpu.memref_squeeze %dma_wait3A_417 : memref<1x64x448xf32, #tpu.memory_space<hbm>> -> memref<64x448xf32, #tpu.memory_space<hbm>>
    %dma_wait3A_419 = arith.constant 416 : i32
    %dma_wait3A_420 = arith.constant 32 : i32
    %dma_wait3A_421 = tpu.memref_slice %arg2[%add3A_8, %dma_wait3A_419, %dma_wait3A_420] : memref<192x512x512xf32, #tpu.memory_space<hbm>> -> memref<1x64x448xf32, #tpu.memory_space<hbm>>
    %dma_wait3A_422 = tpu.memref_squeeze %dma_wait3A_421 : memref<1x64x448xf32, #tpu.memory_space<hbm>> -> memref<64x448xf32, #tpu.memory_space<hbm>>
    tpu.wait_dma2 semaphore(%arg11 : memref<!tpu.dma_semaphore, #tpu.memory_space<semaphore_mem>>) src(%dma_wait3A_422 : memref<64x448xf32, #tpu.memory_space<hbm>>) dst(%arg6 : memref<64x448xf32, #tpu.memory_space<vmem>>)
    %dma_start3A_423 = arith.constant 13 : i32
    %dma_start3A_424 = arith.constant 0 : i32
    %dma_start3A_425 = tpu.memref_slice %arg9[%dma_start3A_423, %dma_start3A_424] : memref<42x64xi32, #tpu.memory_space<vmem>> -> memref<1x64xi32, #tpu.memory_space<vmem>>
    %dma_start3A_426 = tpu.memref_squeeze %dma_start3A_425 : memref<1x64xi32, #tpu.memory_space<vmem>> -> memref<64xi32, #tpu.memory_space<vmem>>
    %dma_start3A_427 = arith.constant 0 : i32
    %dma_start3A_428 = arith.constant 0 : i32
    %dma_start3A_429 = tpu.memref_slice %arg4[%dma_start3A_427, %dma_start3A_428] : memref<86016x448xf32, #tpu.memory_space<hbm>> -> memref<86016x448xf32, #tpu.memory_space<hbm>>
    tpu.enqueue_indirect_dma source(%arg6 : memref<64x448xf32, #tpu.memory_space<vmem>>) target(%dma_start3A_429 : memref<86016x448xf32, #tpu.memory_space<hbm>>) offsets(%dma_start3A_426 : memref<64xi32, #tpu.memory_space<vmem>>) semaphore(%arg15 : memref<!tpu.dma_semaphore, #tpu.memory_space<semaphore_mem>>)
    %dma_wait3A_430 = arith.constant 11 : i32
    %dma_wait3A_431 = arith.constant 0 : i32
    %dma_wait3A_432 = tpu.memref_slice %arg9[%dma_wait3A_430, %dma_wait3A_431] : memref<42x64xi32, #tpu.memory_space<vmem>> -> memref<1x64xi32, #tpu.memory_space<vmem>>
    %dma_wait3A_433 = tpu.memref_squeeze %dma_wait3A_432 : memref<1x64xi32, #tpu.memory_space<vmem>> -> memref<64xi32, #tpu.memory_space<vmem>>
    %dma_wait3A_434 = arith.constant 0 : i32
    %dma_wait3A_435 = arith.constant 0 : i32
    %dma_wait3A_436 = tpu.memref_slice %arg4[%dma_wait3A_434, %dma_wait3A_435] : memref<86016x448xf32, #tpu.memory_space<hbm>> -> memref<86016x448xf32, #tpu.memory_space<hbm>>
    tpu.wait_indirect_dma semaphore(%arg17 : memref<!tpu.dma_semaphore, #tpu.memory_space<semaphore_mem>>) src(%arg8 : memref<64x448xf32, #tpu.memory_space<vmem>>) dst(%dma_wait3A_436 : memref<86016x448xf32, #tpu.memory_space<hbm>>)
    %dma_start3A_437 = arith.constant 96 : i32
    %dma_start3A_438 = arith.constant 32 : i32
    %dma_start3A_439 = tpu.memref_slice %arg2[%add3A_12, %dma_start3A_437, %dma_start3A_438] : memref<192x512x512xf32, #tpu.memory_space<hbm>> -> memref<1x64x448xf32, #tpu.memory_space<hbm>>
    %dma_start3A_440 = tpu.memref_squeeze %dma_start3A_439 : memref<1x64x448xf32, #tpu.memory_space<hbm>> -> memref<64x448xf32, #tpu.memory_space<hbm>>
    %dma_start3A_441 = arith.constant 96 : i32
    %dma_start3A_442 = arith.constant 32 : i32
    %dma_start3A_443 = tpu.memref_slice %arg2[%add3A_12, %dma_start3A_441, %dma_start3A_442] : memref<192x512x512xf32, #tpu.memory_space<hbm>> -> memref<1x64x448xf32, #tpu.memory_space<hbm>>
    %dma_start3A_444 = tpu.memref_squeeze %dma_start3A_443 : memref<1x64x448xf32, #tpu.memory_space<hbm>> -> memref<64x448xf32, #tpu.memory_space<hbm>>
    tpu.enqueue_dma source(%dma_start3A_444 : memref<64x448xf32, #tpu.memory_space<hbm>>) target(%arg8 : memref<64x448xf32, #tpu.memory_space<vmem>>) target_semaphore(%arg13 : memref<!tpu.dma_semaphore, #tpu.memory_space<semaphore_mem>>)
    %dma_wait3A_445 = arith.constant 32 : i32
    %dma_wait3A_446 = arith.constant 32 : i32
    %dma_wait3A_447 = tpu.memref_slice %arg2[%add3A_12, %dma_wait3A_445, %dma_wait3A_446] : memref<192x512x512xf32, #tpu.memory_space<hbm>> -> memref<1x64x448xf32, #tpu.memory_space<hbm>>
    %dma_wait3A_448 = tpu.memref_squeeze %dma_wait3A_447 : memref<1x64x448xf32, #tpu.memory_space<hbm>> -> memref<64x448xf32, #tpu.memory_space<hbm>>
    %dma_wait3A_449 = arith.constant 32 : i32
    %dma_wait3A_450 = arith.constant 32 : i32
    %dma_wait3A_451 = tpu.memref_slice %arg2[%add3A_12, %dma_wait3A_449, %dma_wait3A_450] : memref<192x512x512xf32, #tpu.memory_space<hbm>> -> memref<1x64x448xf32, #tpu.memory_space<hbm>>
    %dma_wait3A_452 = tpu.memref_squeeze %dma_wait3A_451 : memref<1x64x448xf32, #tpu.memory_space<hbm>> -> memref<64x448xf32, #tpu.memory_space<hbm>>
    tpu.wait_dma2 semaphore(%arg12 : memref<!tpu.dma_semaphore, #tpu.memory_space<semaphore_mem>>) src(%dma_wait3A_452 : memref<64x448xf32, #tpu.memory_space<hbm>>) dst(%arg7 : memref<64x448xf32, #tpu.memory_space<vmem>>)
    %dma_start3A_453 = arith.constant 14 : i32
    %dma_start3A_454 = arith.constant 0 : i32
    %dma_start3A_455 = tpu.memref_slice %arg9[%dma_start3A_453, %dma_start3A_454] : memref<42x64xi32, #tpu.memory_space<vmem>> -> memref<1x64xi32, #tpu.memory_space<vmem>>
    %dma_start3A_456 = tpu.memref_squeeze %dma_start3A_455 : memref<1x64xi32, #tpu.memory_space<vmem>> -> memref<64xi32, #tpu.memory_space<vmem>>
    %dma_start3A_457 = arith.constant 0 : i32
    %dma_start3A_458 = arith.constant 0 : i32
    %dma_start3A_459 = tpu.memref_slice %arg4[%dma_start3A_457, %dma_start3A_458] : memref<86016x448xf32, #tpu.memory_space<hbm>> -> memref<86016x448xf32, #tpu.memory_space<hbm>>
    tpu.enqueue_indirect_dma source(%arg7 : memref<64x448xf32, #tpu.memory_space<vmem>>) target(%dma_start3A_459 : memref<86016x448xf32, #tpu.memory_space<hbm>>) offsets(%dma_start3A_456 : memref<64xi32, #tpu.memory_space<vmem>>) semaphore(%arg16 : memref<!tpu.dma_semaphore, #tpu.memory_space<semaphore_mem>>)
    %dma_wait3A_460 = arith.constant 12 : i32
    %dma_wait3A_461 = arith.constant 0 : i32
    %dma_wait3A_462 = tpu.memref_slice %arg9[%dma_wait3A_460, %dma_wait3A_461] : memref<42x64xi32, #tpu.memory_space<vmem>> -> memref<1x64xi32, #tpu.memory_space<vmem>>
    %dma_wait3A_463 = tpu.memref_squeeze %dma_wait3A_462 : memref<1x64xi32, #tpu.memory_space<vmem>> -> memref<64xi32, #tpu.memory_space<vmem>>
    %dma_wait3A_464 = arith.constant 0 : i32
    %dma_wait3A_465 = arith.constant 0 : i32
    %dma_wait3A_466 = tpu.memref_slice %arg4[%dma_wait3A_464, %dma_wait3A_465] : memref<86016x448xf32, #tpu.memory_space<hbm>> -> memref<86016x448xf32, #tpu.memory_space<hbm>>
    tpu.wait_indirect_dma semaphore(%arg14 : memref<!tpu.dma_semaphore, #tpu.memory_space<semaphore_mem>>) src(%arg5 : memref<64x448xf32, #tpu.memory_space<vmem>>) dst(%dma_wait3A_466 : memref<86016x448xf32, #tpu.memory_space<hbm>>)
    %dma_start3A_467 = arith.constant 160 : i32
    %dma_start3A_468 = arith.constant 32 : i32
    %dma_start3A_469 = tpu.memref_slice %arg2[%add3A_12, %dma_start3A_467, %dma_start3A_468] : memref<192x512x512xf32, #tpu.memory_space<hbm>> -> memref<1x64x448xf32, #tpu.memory_space<hbm>>
    %dma_start3A_470 = tpu.memref_squeeze %dma_start3A_469 : memref<1x64x448xf32, #tpu.memory_space<hbm>> -> memref<64x448xf32, #tpu.memory_space<hbm>>
    %dma_start3A_471 = arith.constant 160 : i32
    %dma_start3A_472 = arith.constant 32 : i32
    %dma_start3A_473 = tpu.memref_slice %arg2[%add3A_12, %dma_start3A_471, %dma_start3A_472] : memref<192x512x512xf32, #tpu.memory_space<hbm>> -> memref<1x64x448xf32, #tpu.memory_space<hbm>>
    %dma_start3A_474 = tpu.memref_squeeze %dma_start3A_473 : memref<1x64x448xf32, #tpu.memory_space<hbm>> -> memref<64x448xf32, #tpu.memory_space<hbm>>
    tpu.enqueue_dma source(%dma_start3A_474 : memref<64x448xf32, #tpu.memory_space<hbm>>) target(%arg5 : memref<64x448xf32, #tpu.memory_space<vmem>>) target_semaphore(%arg10 : memref<!tpu.dma_semaphore, #tpu.memory_space<semaphore_mem>>)
    %dma_wait3A_475 = arith.constant 96 : i32
    %dma_wait3A_476 = arith.constant 32 : i32
    %dma_wait3A_477 = tpu.memref_slice %arg2[%add3A_12, %dma_wait3A_475, %dma_wait3A_476] : memref<192x512x512xf32, #tpu.memory_space<hbm>> -> memref<1x64x448xf32, #tpu.memory_space<hbm>>
    %dma_wait3A_478 = tpu.memref_squeeze %dma_wait3A_477 : memref<1x64x448xf32, #tpu.memory_space<hbm>> -> memref<64x448xf32, #tpu.memory_space<hbm>>
    %dma_wait3A_479 = arith.constant 96 : i32
    %dma_wait3A_480 = arith.constant 32 : i32
    %dma_wait3A_481 = tpu.memref_slice %arg2[%add3A_12, %dma_wait3A_479, %dma_wait3A_480] : memref<192x512x512xf32, #tpu.memory_space<hbm>> -> memref<1x64x448xf32, #tpu.memory_space<hbm>>
    %dma_wait3A_482 = tpu.memref_squeeze %dma_wait3A_481 : memref<1x64x448xf32, #tpu.memory_space<hbm>> -> memref<64x448xf32, #tpu.memory_space<hbm>>
    tpu.wait_dma2 semaphore(%arg13 : memref<!tpu.dma_semaphore, #tpu.memory_space<semaphore_mem>>) src(%dma_wait3A_482 : memref<64x448xf32, #tpu.memory_space<hbm>>) dst(%arg8 : memref<64x448xf32, #tpu.memory_space<vmem>>)
    %dma_start3A_483 = arith.constant 15 : i32
    %dma_start3A_484 = arith.constant 0 : i32
    %dma_start3A_485 = tpu.memref_slice %arg9[%dma_start3A_483, %dma_start3A_484] : memref<42x64xi32, #tpu.memory_space<vmem>> -> memref<1x64xi32, #tpu.memory_space<vmem>>
    %dma_start3A_486 = tpu.memref_squeeze %dma_start3A_485 : memref<1x64xi32, #tpu.memory_space<vmem>> -> memref<64xi32, #tpu.memory_space<vmem>>
    %dma_start3A_487 = arith.constant 0 : i32
    %dma_start3A_488 = arith.constant 0 : i32
    %dma_start3A_489 = tpu.memref_slice %arg4[%dma_start3A_487, %dma_start3A_488] : memref<86016x448xf32, #tpu.memory_space<hbm>> -> memref<86016x448xf32, #tpu.memory_space<hbm>>
    tpu.enqueue_indirect_dma source(%arg8 : memref<64x448xf32, #tpu.memory_space<vmem>>) target(%dma_start3A_489 : memref<86016x448xf32, #tpu.memory_space<hbm>>) offsets(%dma_start3A_486 : memref<64xi32, #tpu.memory_space<vmem>>) semaphore(%arg17 : memref<!tpu.dma_semaphore, #tpu.memory_space<semaphore_mem>>)
    %dma_wait3A_490 = arith.constant 13 : i32
    %dma_wait3A_491 = arith.constant 0 : i32
    %dma_wait3A_492 = tpu.memref_slice %arg9[%dma_wait3A_490, %dma_wait3A_491] : memref<42x64xi32, #tpu.memory_space<vmem>> -> memref<1x64xi32, #tpu.memory_space<vmem>>
    %dma_wait3A_493 = tpu.memref_squeeze %dma_wait3A_492 : memref<1x64xi32, #tpu.memory_space<vmem>> -> memref<64xi32, #tpu.memory_space<vmem>>
    %dma_wait3A_494 = arith.constant 0 : i32
    %dma_wait3A_495 = arith.constant 0 : i32
    %dma_wait3A_496 = tpu.memref_slice %arg4[%dma_wait3A_494, %dma_wait3A_495] : memref<86016x448xf32, #tpu.memory_space<hbm>> -> memref<86016x448xf32, #tpu.memory_space<hbm>>
    tpu.wait_indirect_dma semaphore(%arg15 : memref<!tpu.dma_semaphore, #tpu.memory_space<semaphore_mem>>) src(%arg6 : memref<64x448xf32, #tpu.memory_space<vmem>>) dst(%dma_wait3A_496 : memref<86016x448xf32, #tpu.memory_space<hbm>>)
    %dma_start3A_497 = arith.constant 224 : i32
    %dma_start3A_498 = arith.constant 32 : i32
    %dma_start3A_499 = tpu.memref_slice %arg2[%add3A_12, %dma_start3A_497, %dma_start3A_498] : memref<192x512x512xf32, #tpu.memory_space<hbm>> -> memref<1x64x448xf32, #tpu.memory_space<hbm>>
    %dma_start3A_500 = tpu.memref_squeeze %dma_start3A_499 : memref<1x64x448xf32, #tpu.memory_space<hbm>> -> memref<64x448xf32, #tpu.memory_space<hbm>>
    %dma_start3A_501 = arith.constant 224 : i32
    %dma_start3A_502 = arith.constant 32 : i32
    %dma_start3A_503 = tpu.memref_slice %arg2[%add3A_12, %dma_start3A_501, %dma_start3A_502] : memref<192x512x512xf32, #tpu.memory_space<hbm>> -> memref<1x64x448xf32, #tpu.memory_space<hbm>>
    %dma_start3A_504 = tpu.memref_squeeze %dma_start3A_503 : memref<1x64x448xf32, #tpu.memory_space<hbm>> -> memref<64x448xf32, #tpu.memory_space<hbm>>
    tpu.enqueue_dma source(%dma_start3A_504 : memref<64x448xf32, #tpu.memory_space<hbm>>) target(%arg6 : memref<64x448xf32, #tpu.memory_space<vmem>>) target_semaphore(%arg11 : memref<!tpu.dma_semaphore, #tpu.memory_space<semaphore_mem>>)
    %dma_wait3A_505 = arith.constant 160 : i32
    %dma_wait3A_506 = arith.constant 32 : i32
    %dma_wait3A_507 = tpu.memref_slice %arg2[%add3A_12, %dma_wait3A_505, %dma_wait3A_506] : memref<192x512x512xf32, #tpu.memory_space<hbm>> -> memref<1x64x448xf32, #tpu.memory_space<hbm>>
    %dma_wait3A_508 = tpu.memref_squeeze %dma_wait3A_507 : memref<1x64x448xf32, #tpu.memory_space<hbm>> -> memref<64x448xf32, #tpu.memory_space<hbm>>
    %dma_wait3A_509 = arith.constant 160 : i32
    %dma_wait3A_510 = arith.constant 32 : i32
    %dma_wait3A_511 = tpu.memref_slice %arg2[%add3A_12, %dma_wait3A_509, %dma_wait3A_510] : memref<192x512x512xf32, #tpu.memory_space<hbm>> -> memref<1x64x448xf32, #tpu.memory_space<hbm>>
    %dma_wait3A_512 = tpu.memref_squeeze %dma_wait3A_511 : memref<1x64x448xf32, #tpu.memory_space<hbm>> -> memref<64x448xf32, #tpu.memory_space<hbm>>
    tpu.wait_dma2 semaphore(%arg10 : memref<!tpu.dma_semaphore, #tpu.memory_space<semaphore_mem>>) src(%dma_wait3A_512 : memref<64x448xf32, #tpu.memory_space<hbm>>) dst(%arg5 : memref<64x448xf32, #tpu.memory_space<vmem>>)
    %dma_start3A_513 = arith.constant 16 : i32
    %dma_start3A_514 = arith.constant 0 : i32
    %dma_start3A_515 = tpu.memref_slice %arg9[%dma_start3A_513, %dma_start3A_514] : memref<42x64xi32, #tpu.memory_space<vmem>> -> memref<1x64xi32, #tpu.memory_space<vmem>>
    %dma_start3A_516 = tpu.memref_squeeze %dma_start3A_515 : memref<1x64xi32, #tpu.memory_space<vmem>> -> memref<64xi32, #tpu.memory_space<vmem>>
    %dma_start3A_517 = arith.constant 0 : i32
    %dma_start3A_518 = arith.constant 0 : i32
    %dma_start3A_519 = tpu.memref_slice %arg4[%dma_start3A_517, %dma_start3A_518] : memref<86016x448xf32, #tpu.memory_space<hbm>> -> memref<86016x448xf32, #tpu.memory_space<hbm>>
    tpu.enqueue_indirect_dma source(%arg5 : memref<64x448xf32, #tpu.memory_space<vmem>>) target(%dma_start3A_519 : memref<86016x448xf32, #tpu.memory_space<hbm>>) offsets(%dma_start3A_516 : memref<64xi32, #tpu.memory_space<vmem>>) semaphore(%arg14 : memref<!tpu.dma_semaphore, #tpu.memory_space<semaphore_mem>>)
    %dma_wait3A_520 = arith.constant 14 : i32
    %dma_wait3A_521 = arith.constant 0 : i32
    %dma_wait3A_522 = tpu.memref_slice %arg9[%dma_wait3A_520, %dma_wait3A_521] : memref<42x64xi32, #tpu.memory_space<vmem>> -> memref<1x64xi32, #tpu.memory_space<vmem>>
    %dma_wait3A_523 = tpu.memref_squeeze %dma_wait3A_522 : memref<1x64xi32, #tpu.memory_space<vmem>> -> memref<64xi32, #tpu.memory_space<vmem>>
    %dma_wait3A_524 = arith.constant 0 : i32
    %dma_wait3A_525 = arith.constant 0 : i32
    %dma_wait3A_526 = tpu.memref_slice %arg4[%dma_wait3A_524, %dma_wait3A_525] : memref<86016x448xf32, #tpu.memory_space<hbm>> -> memref<86016x448xf32, #tpu.memory_space<hbm>>
    tpu.wait_indirect_dma semaphore(%arg16 : memref<!tpu.dma_semaphore, #tpu.memory_space<semaphore_mem>>) src(%arg7 : memref<64x448xf32, #tpu.memory_space<vmem>>) dst(%dma_wait3A_526 : memref<86016x448xf32, #tpu.memory_space<hbm>>)
    %dma_start3A_527 = arith.constant 288 : i32
    %dma_start3A_528 = arith.constant 32 : i32
    %dma_start3A_529 = tpu.memref_slice %arg2[%add3A_12, %dma_start3A_527, %dma_start3A_528] : memref<192x512x512xf32, #tpu.memory_space<hbm>> -> memref<1x64x448xf32, #tpu.memory_space<hbm>>
    %dma_start3A_530 = tpu.memref_squeeze %dma_start3A_529 : memref<1x64x448xf32, #tpu.memory_space<hbm>> -> memref<64x448xf32, #tpu.memory_space<hbm>>
    %dma_start3A_531 = arith.constant 288 : i32
    %dma_start3A_532 = arith.constant 32 : i32
    %dma_start3A_533 = tpu.memref_slice %arg2[%add3A_12, %dma_start3A_531, %dma_start3A_532] : memref<192x512x512xf32, #tpu.memory_space<hbm>> -> memref<1x64x448xf32, #tpu.memory_space<hbm>>
    %dma_start3A_534 = tpu.memref_squeeze %dma_start3A_533 : memref<1x64x448xf32, #tpu.memory_space<hbm>> -> memref<64x448xf32, #tpu.memory_space<hbm>>
    tpu.enqueue_dma source(%dma_start3A_534 : memref<64x448xf32, #tpu.memory_space<hbm>>) target(%arg7 : memref<64x448xf32, #tpu.memory_space<vmem>>) target_semaphore(%arg12 : memref<!tpu.dma_semaphore, #tpu.memory_space<semaphore_mem>>)
    %dma_wait3A_535 = arith.constant 224 : i32
    %dma_wait3A_536 = arith.constant 32 : i32
    %dma_wait3A_537 = tpu.memref_slice %arg2[%add3A_12, %dma_wait3A_535, %dma_wait3A_536] : memref<192x512x512xf32, #tpu.memory_space<hbm>> -> memref<1x64x448xf32, #tpu.memory_space<hbm>>
    %dma_wait3A_538 = tpu.memref_squeeze %dma_wait3A_537 : memref<1x64x448xf32, #tpu.memory_space<hbm>> -> memref<64x448xf32, #tpu.memory_space<hbm>>
    %dma_wait3A_539 = arith.constant 224 : i32
    %dma_wait3A_540 = arith.constant 32 : i32
    %dma_wait3A_541 = tpu.memref_slice %arg2[%add3A_12, %dma_wait3A_539, %dma_wait3A_540] : memref<192x512x512xf32, #tpu.memory_space<hbm>> -> memref<1x64x448xf32, #tpu.memory_space<hbm>>
    %dma_wait3A_542 = tpu.memref_squeeze %dma_wait3A_541 : memref<1x64x448xf32, #tpu.memory_space<hbm>> -> memref<64x448xf32, #tpu.memory_space<hbm>>
    tpu.wait_dma2 semaphore(%arg11 : memref<!tpu.dma_semaphore, #tpu.memory_space<semaphore_mem>>) src(%dma_wait3A_542 : memref<64x448xf32, #tpu.memory_space<hbm>>) dst(%arg6 : memref<64x448xf32, #tpu.memory_space<vmem>>)
    %dma_start3A_543 = arith.constant 17 : i32
    %dma_start3A_544 = arith.constant 0 : i32
    %dma_start3A_545 = tpu.memref_slice %arg9[%dma_start3A_543, %dma_start3A_544] : memref<42x64xi32, #tpu.memory_space<vmem>> -> memref<1x64xi32, #tpu.memory_space<vmem>>
    %dma_start3A_546 = tpu.memref_squeeze %dma_start3A_545 : memref<1x64xi32, #tpu.memory_space<vmem>> -> memref<64xi32, #tpu.memory_space<vmem>>
    %dma_start3A_547 = arith.constant 0 : i32
    %dma_start3A_548 = arith.constant 0 : i32
    %dma_start3A_549 = tpu.memref_slice %arg4[%dma_start3A_547, %dma_start3A_548] : memref<86016x448xf32, #tpu.memory_space<hbm>> -> memref<86016x448xf32, #tpu.memory_space<hbm>>
    tpu.enqueue_indirect_dma source(%arg6 : memref<64x448xf32, #tpu.memory_space<vmem>>) target(%dma_start3A_549 : memref<86016x448xf32, #tpu.memory_space<hbm>>) offsets(%dma_start3A_546 : memref<64xi32, #tpu.memory_space<vmem>>) semaphore(%arg15 : memref<!tpu.dma_semaphore, #tpu.memory_space<semaphore_mem>>)
    %dma_wait3A_550 = arith.constant 15 : i32
    %dma_wait3A_551 = arith.constant 0 : i32
    %dma_wait3A_552 = tpu.memref_slice %arg9[%dma_wait3A_550, %dma_wait3A_551] : memref<42x64xi32, #tpu.memory_space<vmem>> -> memref<1x64xi32, #tpu.memory_space<vmem>>
    %dma_wait3A_553 = tpu.memref_squeeze %dma_wait3A_552 : memref<1x64xi32, #tpu.memory_space<vmem>> -> memref<64xi32, #tpu.memory_space<vmem>>
    %dma_wait3A_554 = arith.constant 0 : i32
    %dma_wait3A_555 = arith.constant 0 : i32
    %dma_wait3A_556 = tpu.memref_slice %arg4[%dma_wait3A_554, %dma_wait3A_555] : memref<86016x448xf32, #tpu.memory_space<hbm>> -> memref<86016x448xf32, #tpu.memory_space<hbm>>
    tpu.wait_indirect_dma semaphore(%arg17 : memref<!tpu.dma_semaphore, #tpu.memory_space<semaphore_mem>>) src(%arg8 : memref<64x448xf32, #tpu.memory_space<vmem>>) dst(%dma_wait3A_556 : memref<86016x448xf32, #tpu.memory_space<hbm>>)
    %dma_start3A_557 = arith.constant 352 : i32
    %dma_start3A_558 = arith.constant 32 : i32
    %dma_start3A_559 = tpu.memref_slice %arg2[%add3A_12, %dma_start3A_557, %dma_start3A_558] : memref<192x512x512xf32, #tpu.memory_space<hbm>> -> memref<1x64x448xf32, #tpu.memory_space<hbm>>
    %dma_start3A_560 = tpu.memref_squeeze %dma_start3A_559 : memref<1x64x448xf32, #tpu.memory_space<hbm>> -> memref<64x448xf32, #tpu.memory_space<hbm>>
    %dma_start3A_561 = arith.constant 352 : i32
    %dma_start3A_562 = arith.constant 32 : i32
    %dma_start3A_563 = tpu.memref_slice %arg2[%add3A_12, %dma_start3A_561, %dma_start3A_562] : memref<192x512x512xf32, #tpu.memory_space<hbm>> -> memref<1x64x448xf32, #tpu.memory_space<hbm>>
    %dma_start3A_564 = tpu.memref_squeeze %dma_start3A_563 : memref<1x64x448xf32, #tpu.memory_space<hbm>> -> memref<64x448xf32, #tpu.memory_space<hbm>>
    tpu.enqueue_dma source(%dma_start3A_564 : memref<64x448xf32, #tpu.memory_space<hbm>>) target(%arg8 : memref<64x448xf32, #tpu.memory_space<vmem>>) target_semaphore(%arg13 : memref<!tpu.dma_semaphore, #tpu.memory_space<semaphore_mem>>)
    %dma_wait3A_565 = arith.constant 288 : i32
    %dma_wait3A_566 = arith.constant 32 : i32
    %dma_wait3A_567 = tpu.memref_slice %arg2[%add3A_12, %dma_wait3A_565, %dma_wait3A_566] : memref<192x512x512xf32, #tpu.memory_space<hbm>> -> memref<1x64x448xf32, #tpu.memory_space<hbm>>
    %dma_wait3A_568 = tpu.memref_squeeze %dma_wait3A_567 : memref<1x64x448xf32, #tpu.memory_space<hbm>> -> memref<64x448xf32, #tpu.memory_space<hbm>>
    %dma_wait3A_569 = arith.constant 288 : i32
    %dma_wait3A_570 = arith.constant 32 : i32
    %dma_wait3A_571 = tpu.memref_slice %arg2[%add3A_12, %dma_wait3A_569, %dma_wait3A_570] : memref<192x512x512xf32, #tpu.memory_space<hbm>> -> memref<1x64x448xf32, #tpu.memory_space<hbm>>
    %dma_wait3A_572 = tpu.memref_squeeze %dma_wait3A_571 : memref<1x64x448xf32, #tpu.memory_space<hbm>> -> memref<64x448xf32, #tpu.memory_space<hbm>>
    tpu.wait_dma2 semaphore(%arg12 : memref<!tpu.dma_semaphore, #tpu.memory_space<semaphore_mem>>) src(%dma_wait3A_572 : memref<64x448xf32, #tpu.memory_space<hbm>>) dst(%arg7 : memref<64x448xf32, #tpu.memory_space<vmem>>)
    %dma_start3A_573 = arith.constant 18 : i32
    %dma_start3A_574 = arith.constant 0 : i32
    %dma_start3A_575 = tpu.memref_slice %arg9[%dma_start3A_573, %dma_start3A_574] : memref<42x64xi32, #tpu.memory_space<vmem>> -> memref<1x64xi32, #tpu.memory_space<vmem>>
    %dma_start3A_576 = tpu.memref_squeeze %dma_start3A_575 : memref<1x64xi32, #tpu.memory_space<vmem>> -> memref<64xi32, #tpu.memory_space<vmem>>
    %dma_start3A_577 = arith.constant 0 : i32
    %dma_start3A_578 = arith.constant 0 : i32
    %dma_start3A_579 = tpu.memref_slice %arg4[%dma_start3A_577, %dma_start3A_578] : memref<86016x448xf32, #tpu.memory_space<hbm>> -> memref<86016x448xf32, #tpu.memory_space<hbm>>
    tpu.enqueue_indirect_dma source(%arg7 : memref<64x448xf32, #tpu.memory_space<vmem>>) target(%dma_start3A_579 : memref<86016x448xf32, #tpu.memory_space<hbm>>) offsets(%dma_start3A_576 : memref<64xi32, #tpu.memory_space<vmem>>) semaphore(%arg16 : memref<!tpu.dma_semaphore, #tpu.memory_space<semaphore_mem>>)
    %dma_wait3A_580 = arith.constant 16 : i32
    %dma_wait3A_581 = arith.constant 0 : i32
    %dma_wait3A_582 = tpu.memref_slice %arg9[%dma_wait3A_580, %dma_wait3A_581] : memref<42x64xi32, #tpu.memory_space<vmem>> -> memref<1x64xi32, #tpu.memory_space<vmem>>
    %dma_wait3A_583 = tpu.memref_squeeze %dma_wait3A_582 : memref<1x64xi32, #tpu.memory_space<vmem>> -> memref<64xi32, #tpu.memory_space<vmem>>
    %dma_wait3A_584 = arith.constant 0 : i32
    %dma_wait3A_585 = arith.constant 0 : i32
    %dma_wait3A_586 = tpu.memref_slice %arg4[%dma_wait3A_584, %dma_wait3A_585] : memref<86016x448xf32, #tpu.memory_space<hbm>> -> memref<86016x448xf32, #tpu.memory_space<hbm>>
    tpu.wait_indirect_dma semaphore(%arg14 : memref<!tpu.dma_semaphore, #tpu.memory_space<semaphore_mem>>) src(%arg5 : memref<64x448xf32, #tpu.memory_space<vmem>>) dst(%dma_wait3A_586 : memref<86016x448xf32, #tpu.memory_space<hbm>>)
    %dma_start3A_587 = arith.constant 416 : i32
    %dma_start3A_588 = arith.constant 32 : i32
    %dma_start3A_589 = tpu.memref_slice %arg2[%add3A_12, %dma_start3A_587, %dma_start3A_588] : memref<192x512x512xf32, #tpu.memory_space<hbm>> -> memref<1x64x448xf32, #tpu.memory_space<hbm>>
    %dma_start3A_590 = tpu.memref_squeeze %dma_start3A_589 : memref<1x64x448xf32, #tpu.memory_space<hbm>> -> memref<64x448xf32, #tpu.memory_space<hbm>>
    %dma_start3A_591 = arith.constant 416 : i32
    %dma_start3A_592 = arith.constant 32 : i32
    %dma_start3A_593 = tpu.memref_slice %arg2[%add3A_12, %dma_start3A_591, %dma_start3A_592] : memref<192x512x512xf32, #tpu.memory_space<hbm>> -> memref<1x64x448xf32, #tpu.memory_space<hbm>>
    %dma_start3A_594 = tpu.memref_squeeze %dma_start3A_593 : memref<1x64x448xf32, #tpu.memory_space<hbm>> -> memref<64x448xf32, #tpu.memory_space<hbm>>
    tpu.enqueue_dma source(%dma_start3A_594 : memref<64x448xf32, #tpu.memory_space<hbm>>) target(%arg5 : memref<64x448xf32, #tpu.memory_space<vmem>>) target_semaphore(%arg10 : memref<!tpu.dma_semaphore, #tpu.memory_space<semaphore_mem>>)
    %dma_wait3A_595 = arith.constant 352 : i32
    %dma_wait3A_596 = arith.constant 32 : i32
    %dma_wait3A_597 = tpu.memref_slice %arg2[%add3A_12, %dma_wait3A_595, %dma_wait3A_596] : memref<192x512x512xf32, #tpu.memory_space<hbm>> -> memref<1x64x448xf32, #tpu.memory_space<hbm>>
    %dma_wait3A_598 = tpu.memref_squeeze %dma_wait3A_597 : memref<1x64x448xf32, #tpu.memory_space<hbm>> -> memref<64x448xf32, #tpu.memory_space<hbm>>
    %dma_wait3A_599 = arith.constant 352 : i32
    %dma_wait3A_600 = arith.constant 32 : i32
    %dma_wait3A_601 = tpu.memref_slice %arg2[%add3A_12, %dma_wait3A_599, %dma_wait3A_600] : memref<192x512x512xf32, #tpu.memory_space<hbm>> -> memref<1x64x448xf32, #tpu.memory_space<hbm>>
    %dma_wait3A_602 = tpu.memref_squeeze %dma_wait3A_601 : memref<1x64x448xf32, #tpu.memory_space<hbm>> -> memref<64x448xf32, #tpu.memory_space<hbm>>
    tpu.wait_dma2 semaphore(%arg13 : memref<!tpu.dma_semaphore, #tpu.memory_space<semaphore_mem>>) src(%dma_wait3A_602 : memref<64x448xf32, #tpu.memory_space<hbm>>) dst(%arg8 : memref<64x448xf32, #tpu.memory_space<vmem>>)
    %dma_start3A_603 = arith.constant 19 : i32
    %dma_start3A_604 = arith.constant 0 : i32
    %dma_start3A_605 = tpu.memref_slice %arg9[%dma_start3A_603, %dma_start3A_604] : memref<42x64xi32, #tpu.memory_space<vmem>> -> memref<1x64xi32, #tpu.memory_space<vmem>>
    %dma_start3A_606 = tpu.memref_squeeze %dma_start3A_605 : memref<1x64xi32, #tpu.memory_space<vmem>> -> memref<64xi32, #tpu.memory_space<vmem>>
    %dma_start3A_607 = arith.constant 0 : i32
    %dma_start3A_608 = arith.constant 0 : i32
    %dma_start3A_609 = tpu.memref_slice %arg4[%dma_start3A_607, %dma_start3A_608] : memref<86016x448xf32, #tpu.memory_space<hbm>> -> memref<86016x448xf32, #tpu.memory_space<hbm>>
    tpu.enqueue_indirect_dma source(%arg8 : memref<64x448xf32, #tpu.memory_space<vmem>>) target(%dma_start3A_609 : memref<86016x448xf32, #tpu.memory_space<hbm>>) offsets(%dma_start3A_606 : memref<64xi32, #tpu.memory_space<vmem>>) semaphore(%arg17 : memref<!tpu.dma_semaphore, #tpu.memory_space<semaphore_mem>>)
    %dma_wait3A_610 = arith.constant 17 : i32
    %dma_wait3A_611 = arith.constant 0 : i32
    %dma_wait3A_612 = tpu.memref_slice %arg9[%dma_wait3A_610, %dma_wait3A_611] : memref<42x64xi32, #tpu.memory_space<vmem>> -> memref<1x64xi32, #tpu.memory_space<vmem>>
    %dma_wait3A_613 = tpu.memref_squeeze %dma_wait3A_612 : memref<1x64xi32, #tpu.memory_space<vmem>> -> memref<64xi32, #tpu.memory_space<vmem>>
    %dma_wait3A_614 = arith.constant 0 : i32
    %dma_wait3A_615 = arith.constant 0 : i32
    %dma_wait3A_616 = tpu.memref_slice %arg4[%dma_wait3A_614, %dma_wait3A_615] : memref<86016x448xf32, #tpu.memory_space<hbm>> -> memref<86016x448xf32, #tpu.memory_space<hbm>>
    tpu.wait_indirect_dma semaphore(%arg15 : memref<!tpu.dma_semaphore, #tpu.memory_space<semaphore_mem>>) src(%arg6 : memref<64x448xf32, #tpu.memory_space<vmem>>) dst(%dma_wait3A_616 : memref<86016x448xf32, #tpu.memory_space<hbm>>)
    %dma_start3A_617 = arith.constant 32 : i32
    %dma_start3A_618 = arith.constant 32 : i32
    %dma_start3A_619 = tpu.memref_slice %arg2[%add3A_16, %dma_start3A_617, %dma_start3A_618] : memref<192x512x512xf32, #tpu.memory_space<hbm>> -> memref<1x64x448xf32, #tpu.memory_space<hbm>>
    %dma_start3A_620 = tpu.memref_squeeze %dma_start3A_619 : memref<1x64x448xf32, #tpu.memory_space<hbm>> -> memref<64x448xf32, #tpu.memory_space<hbm>>
    %dma_start3A_621 = arith.constant 32 : i32
    %dma_start3A_622 = arith.constant 32 : i32
    %dma_start3A_623 = tpu.memref_slice %arg2[%add3A_16, %dma_start3A_621, %dma_start3A_622] : memref<192x512x512xf32, #tpu.memory_space<hbm>> -> memref<1x64x448xf32, #tpu.memory_space<hbm>>
    %dma_start3A_624 = tpu.memref_squeeze %dma_start3A_623 : memref<1x64x448xf32, #tpu.memory_space<hbm>> -> memref<64x448xf32, #tpu.memory_space<hbm>>
    tpu.enqueue_dma source(%dma_start3A_624 : memref<64x448xf32, #tpu.memory_space<hbm>>) target(%arg6 : memref<64x448xf32, #tpu.memory_space<vmem>>) target_semaphore(%arg11 : memref<!tpu.dma_semaphore, #tpu.memory_space<semaphore_mem>>)
    %dma_wait3A_625 = arith.constant 416 : i32
    %dma_wait3A_626 = arith.constant 32 : i32
    %dma_wait3A_627 = tpu.memref_slice %arg2[%add3A_12, %dma_wait3A_625, %dma_wait3A_626] : memref<192x512x512xf32, #tpu.memory_space<hbm>> -> memref<1x64x448xf32, #tpu.memory_space<hbm>>
    %dma_wait3A_628 = tpu.memref_squeeze %dma_wait3A_627 : memref<1x64x448xf32, #tpu.memory_space<hbm>> -> memref<64x448xf32, #tpu.memory_space<hbm>>
    %dma_wait3A_629 = arith.constant 416 : i32
    %dma_wait3A_630 = arith.constant 32 : i32
    %dma_wait3A_631 = tpu.memref_slice %arg2[%add3A_12, %dma_wait3A_629, %dma_wait3A_630] : memref<192x512x512xf32, #tpu.memory_space<hbm>> -> memref<1x64x448xf32, #tpu.memory_space<hbm>>
    %dma_wait3A_632 = tpu.memref_squeeze %dma_wait3A_631 : memref<1x64x448xf32, #tpu.memory_space<hbm>> -> memref<64x448xf32, #tpu.memory_space<hbm>>
    tpu.wait_dma2 semaphore(%arg10 : memref<!tpu.dma_semaphore, #tpu.memory_space<semaphore_mem>>) src(%dma_wait3A_632 : memref<64x448xf32, #tpu.memory_space<hbm>>) dst(%arg5 : memref<64x448xf32, #tpu.memory_space<vmem>>)
    %dma_start3A_633 = arith.constant 20 : i32
    %dma_start3A_634 = arith.constant 0 : i32
    %dma_start3A_635 = tpu.memref_slice %arg9[%dma_start3A_633, %dma_start3A_634] : memref<42x64xi32, #tpu.memory_space<vmem>> -> memref<1x64xi32, #tpu.memory_space<vmem>>
    %dma_start3A_636 = tpu.memref_squeeze %dma_start3A_635 : memref<1x64xi32, #tpu.memory_space<vmem>> -> memref<64xi32, #tpu.memory_space<vmem>>
    %dma_start3A_637 = arith.constant 0 : i32
    %dma_start3A_638 = arith.constant 0 : i32
    %dma_start3A_639 = tpu.memref_slice %arg4[%dma_start3A_637, %dma_start3A_638] : memref<86016x448xf32, #tpu.memory_space<hbm>> -> memref<86016x448xf32, #tpu.memory_space<hbm>>
    tpu.enqueue_indirect_dma source(%arg5 : memref<64x448xf32, #tpu.memory_space<vmem>>) target(%dma_start3A_639 : memref<86016x448xf32, #tpu.memory_space<hbm>>) offsets(%dma_start3A_636 : memref<64xi32, #tpu.memory_space<vmem>>) semaphore(%arg14 : memref<!tpu.dma_semaphore, #tpu.memory_space<semaphore_mem>>)
    %dma_wait3A_640 = arith.constant 18 : i32
    %dma_wait3A_641 = arith.constant 0 : i32
    %dma_wait3A_642 = tpu.memref_slice %arg9[%dma_wait3A_640, %dma_wait3A_641] : memref<42x64xi32, #tpu.memory_space<vmem>> -> memref<1x64xi32, #tpu.memory_space<vmem>>
    %dma_wait3A_643 = tpu.memref_squeeze %dma_wait3A_642 : memref<1x64xi32, #tpu.memory_space<vmem>> -> memref<64xi32, #tpu.memory_space<vmem>>
    %dma_wait3A_644 = arith.constant 0 : i32
    %dma_wait3A_645 = arith.constant 0 : i32
    %dma_wait3A_646 = tpu.memref_slice %arg4[%dma_wait3A_644, %dma_wait3A_645] : memref<86016x448xf32, #tpu.memory_space<hbm>> -> memref<86016x448xf32, #tpu.memory_space<hbm>>
    tpu.wait_indirect_dma semaphore(%arg16 : memref<!tpu.dma_semaphore, #tpu.memory_space<semaphore_mem>>) src(%arg7 : memref<64x448xf32, #tpu.memory_space<vmem>>) dst(%dma_wait3A_646 : memref<86016x448xf32, #tpu.memory_space<hbm>>)
    %dma_start3A_647 = arith.constant 96 : i32
    %dma_start3A_648 = arith.constant 32 : i32
    %dma_start3A_649 = tpu.memref_slice %arg2[%add3A_16, %dma_start3A_647, %dma_start3A_648] : memref<192x512x512xf32, #tpu.memory_space<hbm>> -> memref<1x64x448xf32, #tpu.memory_space<hbm>>
    %dma_start3A_650 = tpu.memref_squeeze %dma_start3A_649 : memref<1x64x448xf32, #tpu.memory_space<hbm>> -> memref<64x448xf32, #tpu.memory_space<hbm>>
    %dma_start3A_651 = arith.constant 96 : i32
    %dma_start3A_652 = arith.constant 32 : i32
    %dma_start3A_653 = tpu.memref_slice %arg2[%add3A_16, %dma_start3A_651, %dma_start3A_652] : memref<192x512x512xf32, #tpu.memory_space<hbm>> -> memref<1x64x448xf32, #tpu.memory_space<hbm>>
    %dma_start3A_654 = tpu.memref_squeeze %dma_start3A_653 : memref<1x64x448xf32, #tpu.memory_space<hbm>> -> memref<64x448xf32, #tpu.memory_space<hbm>>
    tpu.enqueue_dma source(%dma_start3A_654 : memref<64x448xf32, #tpu.memory_space<hbm>>) target(%arg7 : memref<64x448xf32, #tpu.memory_space<vmem>>) target_semaphore(%arg12 : memref<!tpu.dma_semaphore, #tpu.memory_space<semaphore_mem>>)
    %dma_wait3A_655 = arith.constant 32 : i32
    %dma_wait3A_656 = arith.constant 32 : i32
    %dma_wait3A_657 = tpu.memref_slice %arg2[%add3A_16, %dma_wait3A_655, %dma_wait3A_656] : memref<192x512x512xf32, #tpu.memory_space<hbm>> -> memref<1x64x448xf32, #tpu.memory_space<hbm>>
    %dma_wait3A_658 = tpu.memref_squeeze %dma_wait3A_657 : memref<1x64x448xf32, #tpu.memory_space<hbm>> -> memref<64x448xf32, #tpu.memory_space<hbm>>
    %dma_wait3A_659 = arith.constant 32 : i32
    %dma_wait3A_660 = arith.constant 32 : i32
    %dma_wait3A_661 = tpu.memref_slice %arg2[%add3A_16, %dma_wait3A_659, %dma_wait3A_660] : memref<192x512x512xf32, #tpu.memory_space<hbm>> -> memref<1x64x448xf32, #tpu.memory_space<hbm>>
    %dma_wait3A_662 = tpu.memref_squeeze %dma_wait3A_661 : memref<1x64x448xf32, #tpu.memory_space<hbm>> -> memref<64x448xf32, #tpu.memory_space<hbm>>
    tpu.wait_dma2 semaphore(%arg11 : memref<!tpu.dma_semaphore, #tpu.memory_space<semaphore_mem>>) src(%dma_wait3A_662 : memref<64x448xf32, #tpu.memory_space<hbm>>) dst(%arg6 : memref<64x448xf32, #tpu.memory_space<vmem>>)
    %dma_start3A_663 = arith.constant 21 : i32
    %dma_start3A_664 = arith.constant 0 : i32
    %dma_start3A_665 = tpu.memref_slice %arg9[%dma_start3A_663, %dma_start3A_664] : memref<42x64xi32, #tpu.memory_space<vmem>> -> memref<1x64xi32, #tpu.memory_space<vmem>>
    %dma_start3A_666 = tpu.memref_squeeze %dma_start3A_665 : memref<1x64xi32, #tpu.memory_space<vmem>> -> memref<64xi32, #tpu.memory_space<vmem>>
    %dma_start3A_667 = arith.constant 0 : i32
    %dma_start3A_668 = arith.constant 0 : i32
    %dma_start3A_669 = tpu.memref_slice %arg4[%dma_start3A_667, %dma_start3A_668] : memref<86016x448xf32, #tpu.memory_space<hbm>> -> memref<86016x448xf32, #tpu.memory_space<hbm>>
    tpu.enqueue_indirect_dma source(%arg6 : memref<64x448xf32, #tpu.memory_space<vmem>>) target(%dma_start3A_669 : memref<86016x448xf32, #tpu.memory_space<hbm>>) offsets(%dma_start3A_666 : memref<64xi32, #tpu.memory_space<vmem>>) semaphore(%arg15 : memref<!tpu.dma_semaphore, #tpu.memory_space<semaphore_mem>>)
    %dma_wait3A_670 = arith.constant 19 : i32
    %dma_wait3A_671 = arith.constant 0 : i32
    %dma_wait3A_672 = tpu.memref_slice %arg9[%dma_wait3A_670, %dma_wait3A_671] : memref<42x64xi32, #tpu.memory_space<vmem>> -> memref<1x64xi32, #tpu.memory_space<vmem>>
    %dma_wait3A_673 = tpu.memref_squeeze %dma_wait3A_672 : memref<1x64xi32, #tpu.memory_space<vmem>> -> memref<64xi32, #tpu.memory_space<vmem>>
    %dma_wait3A_674 = arith.constant 0 : i32
    %dma_wait3A_675 = arith.constant 0 : i32
    %dma_wait3A_676 = tpu.memref_slice %arg4[%dma_wait3A_674, %dma_wait3A_675] : memref<86016x448xf32, #tpu.memory_space<hbm>> -> memref<86016x448xf32, #tpu.memory_space<hbm>>
    tpu.wait_indirect_dma semaphore(%arg17 : memref<!tpu.dma_semaphore, #tpu.memory_space<semaphore_mem>>) src(%arg8 : memref<64x448xf32, #tpu.memory_space<vmem>>) dst(%dma_wait3A_676 : memref<86016x448xf32, #tpu.memory_space<hbm>>)
    %dma_start3A_677 = arith.constant 160 : i32
    %dma_start3A_678 = arith.constant 32 : i32
    %dma_start3A_679 = tpu.memref_slice %arg2[%add3A_16, %dma_start3A_677, %dma_start3A_678] : memref<192x512x512xf32, #tpu.memory_space<hbm>> -> memref<1x64x448xf32, #tpu.memory_space<hbm>>
    %dma_start3A_680 = tpu.memref_squeeze %dma_start3A_679 : memref<1x64x448xf32, #tpu.memory_space<hbm>> -> memref<64x448xf32, #tpu.memory_space<hbm>>
    %dma_start3A_681 = arith.constant 160 : i32
    %dma_start3A_682 = arith.constant 32 : i32
    %dma_start3A_683 = tpu.memref_slice %arg2[%add3A_16, %dma_start3A_681, %dma_start3A_682] : memref<192x512x512xf32, #tpu.memory_space<hbm>> -> memref<1x64x448xf32, #tpu.memory_space<hbm>>
    %dma_start3A_684 = tpu.memref_squeeze %dma_start3A_683 : memref<1x64x448xf32, #tpu.memory_space<hbm>> -> memref<64x448xf32, #tpu.memory_space<hbm>>
    tpu.enqueue_dma source(%dma_start3A_684 : memref<64x448xf32, #tpu.memory_space<hbm>>) target(%arg8 : memref<64x448xf32, #tpu.memory_space<vmem>>) target_semaphore(%arg13 : memref<!tpu.dma_semaphore, #tpu.memory_space<semaphore_mem>>)
    %dma_wait3A_685 = arith.constant 96 : i32
    %dma_wait3A_686 = arith.constant 32 : i32
    %dma_wait3A_687 = tpu.memref_slice %arg2[%add3A_16, %dma_wait3A_685, %dma_wait3A_686] : memref<192x512x512xf32, #tpu.memory_space<hbm>> -> memref<1x64x448xf32, #tpu.memory_space<hbm>>
    %dma_wait3A_688 = tpu.memref_squeeze %dma_wait3A_687 : memref<1x64x448xf32, #tpu.memory_space<hbm>> -> memref<64x448xf32, #tpu.memory_space<hbm>>
    %dma_wait3A_689 = arith.constant 96 : i32
    %dma_wait3A_690 = arith.constant 32 : i32
    %dma_wait3A_691 = tpu.memref_slice %arg2[%add3A_16, %dma_wait3A_689, %dma_wait3A_690] : memref<192x512x512xf32, #tpu.memory_space<hbm>> -> memref<1x64x448xf32, #tpu.memory_space<hbm>>
    %dma_wait3A_692 = tpu.memref_squeeze %dma_wait3A_691 : memref<1x64x448xf32, #tpu.memory_space<hbm>> -> memref<64x448xf32, #tpu.memory_space<hbm>>
    tpu.wait_dma2 semaphore(%arg12 : memref<!tpu.dma_semaphore, #tpu.memory_space<semaphore_mem>>) src(%dma_wait3A_692 : memref<64x448xf32, #tpu.memory_space<hbm>>) dst(%arg7 : memref<64x448xf32, #tpu.memory_space<vmem>>)
    %dma_start3A_693 = arith.constant 22 : i32
    %dma_start3A_694 = arith.constant 0 : i32
    %dma_start3A_695 = tpu.memref_slice %arg9[%dma_start3A_693, %dma_start3A_694] : memref<42x64xi32, #tpu.memory_space<vmem>> -> memref<1x64xi32, #tpu.memory_space<vmem>>
    %dma_start3A_696 = tpu.memref_squeeze %dma_start3A_695 : memref<1x64xi32, #tpu.memory_space<vmem>> -> memref<64xi32, #tpu.memory_space<vmem>>
    %dma_start3A_697 = arith.constant 0 : i32
    %dma_start3A_698 = arith.constant 0 : i32
    %dma_start3A_699 = tpu.memref_slice %arg4[%dma_start3A_697, %dma_start3A_698] : memref<86016x448xf32, #tpu.memory_space<hbm>> -> memref<86016x448xf32, #tpu.memory_space<hbm>>
    tpu.enqueue_indirect_dma source(%arg7 : memref<64x448xf32, #tpu.memory_space<vmem>>) target(%dma_start3A_699 : memref<86016x448xf32, #tpu.memory_space<hbm>>) offsets(%dma_start3A_696 : memref<64xi32, #tpu.memory_space<vmem>>) semaphore(%arg16 : memref<!tpu.dma_semaphore, #tpu.memory_space<semaphore_mem>>)
    %dma_wait3A_700 = arith.constant 20 : i32
    %dma_wait3A_701 = arith.constant 0 : i32
    %dma_wait3A_702 = tpu.memref_slice %arg9[%dma_wait3A_700, %dma_wait3A_701] : memref<42x64xi32, #tpu.memory_space<vmem>> -> memref<1x64xi32, #tpu.memory_space<vmem>>
    %dma_wait3A_703 = tpu.memref_squeeze %dma_wait3A_702 : memref<1x64xi32, #tpu.memory_space<vmem>> -> memref<64xi32, #tpu.memory_space<vmem>>
    %dma_wait3A_704 = arith.constant 0 : i32
    %dma_wait3A_705 = arith.constant 0 : i32
    %dma_wait3A_706 = tpu.memref_slice %arg4[%dma_wait3A_704, %dma_wait3A_705] : memref<86016x448xf32, #tpu.memory_space<hbm>> -> memref<86016x448xf32, #tpu.memory_space<hbm>>
    tpu.wait_indirect_dma semaphore(%arg14 : memref<!tpu.dma_semaphore, #tpu.memory_space<semaphore_mem>>) src(%arg5 : memref<64x448xf32, #tpu.memory_space<vmem>>) dst(%dma_wait3A_706 : memref<86016x448xf32, #tpu.memory_space<hbm>>)
    %dma_start3A_707 = arith.constant 224 : i32
    %dma_start3A_708 = arith.constant 32 : i32
    %dma_start3A_709 = tpu.memref_slice %arg2[%add3A_16, %dma_start3A_707, %dma_start3A_708] : memref<192x512x512xf32, #tpu.memory_space<hbm>> -> memref<1x64x448xf32, #tpu.memory_space<hbm>>
    %dma_start3A_710 = tpu.memref_squeeze %dma_start3A_709 : memref<1x64x448xf32, #tpu.memory_space<hbm>> -> memref<64x448xf32, #tpu.memory_space<hbm>>
    %dma_start3A_711 = arith.constant 224 : i32
    %dma_start3A_712 = arith.constant 32 : i32
    %dma_start3A_713 = tpu.memref_slice %arg2[%add3A_16, %dma_start3A_711, %dma_start3A_712] : memref<192x512x512xf32, #tpu.memory_space<hbm>> -> memref<1x64x448xf32, #tpu.memory_space<hbm>>
    %dma_start3A_714 = tpu.memref_squeeze %dma_start3A_713 : memref<1x64x448xf32, #tpu.memory_space<hbm>> -> memref<64x448xf32, #tpu.memory_space<hbm>>
    tpu.enqueue_dma source(%dma_start3A_714 : memref<64x448xf32, #tpu.memory_space<hbm>>) target(%arg5 : memref<64x448xf32, #tpu.memory_space<vmem>>) target_semaphore(%arg10 : memref<!tpu.dma_semaphore, #tpu.memory_space<semaphore_mem>>)
    %dma_wait3A_715 = arith.constant 160 : i32
    %dma_wait3A_716 = arith.constant 32 : i32
    %dma_wait3A_717 = tpu.memref_slice %arg2[%add3A_16, %dma_wait3A_715, %dma_wait3A_716] : memref<192x512x512xf32, #tpu.memory_space<hbm>> -> memref<1x64x448xf32, #tpu.memory_space<hbm>>
    %dma_wait3A_718 = tpu.memref_squeeze %dma_wait3A_717 : memref<1x64x448xf32, #tpu.memory_space<hbm>> -> memref<64x448xf32, #tpu.memory_space<hbm>>
    %dma_wait3A_719 = arith.constant 160 : i32
    %dma_wait3A_720 = arith.constant 32 : i32
    %dma_wait3A_721 = tpu.memref_slice %arg2[%add3A_16, %dma_wait3A_719, %dma_wait3A_720] : memref<192x512x512xf32, #tpu.memory_space<hbm>> -> memref<1x64x448xf32, #tpu.memory_space<hbm>>
    %dma_wait3A_722 = tpu.memref_squeeze %dma_wait3A_721 : memref<1x64x448xf32, #tpu.memory_space<hbm>> -> memref<64x448xf32, #tpu.memory_space<hbm>>
    tpu.wait_dma2 semaphore(%arg13 : memref<!tpu.dma_semaphore, #tpu.memory_space<semaphore_mem>>) src(%dma_wait3A_722 : memref<64x448xf32, #tpu.memory_space<hbm>>) dst(%arg8 : memref<64x448xf32, #tpu.memory_space<vmem>>)
    %dma_start3A_723 = arith.constant 23 : i32
    %dma_start3A_724 = arith.constant 0 : i32
    %dma_start3A_725 = tpu.memref_slice %arg9[%dma_start3A_723, %dma_start3A_724] : memref<42x64xi32, #tpu.memory_space<vmem>> -> memref<1x64xi32, #tpu.memory_space<vmem>>
    %dma_start3A_726 = tpu.memref_squeeze %dma_start3A_725 : memref<1x64xi32, #tpu.memory_space<vmem>> -> memref<64xi32, #tpu.memory_space<vmem>>
    %dma_start3A_727 = arith.constant 0 : i32
    %dma_start3A_728 = arith.constant 0 : i32
    %dma_start3A_729 = tpu.memref_slice %arg4[%dma_start3A_727, %dma_start3A_728] : memref<86016x448xf32, #tpu.memory_space<hbm>> -> memref<86016x448xf32, #tpu.memory_space<hbm>>
    tpu.enqueue_indirect_dma source(%arg8 : memref<64x448xf32, #tpu.memory_space<vmem>>) target(%dma_start3A_729 : memref<86016x448xf32, #tpu.memory_space<hbm>>) offsets(%dma_start3A_726 : memref<64xi32, #tpu.memory_space<vmem>>) semaphore(%arg17 : memref<!tpu.dma_semaphore, #tpu.memory_space<semaphore_mem>>)
    %dma_wait3A_730 = arith.constant 21 : i32
    %dma_wait3A_731 = arith.constant 0 : i32
    %dma_wait3A_732 = tpu.memref_slice %arg9[%dma_wait3A_730, %dma_wait3A_731] : memref<42x64xi32, #tpu.memory_space<vmem>> -> memref<1x64xi32, #tpu.memory_space<vmem>>
    %dma_wait3A_733 = tpu.memref_squeeze %dma_wait3A_732 : memref<1x64xi32, #tpu.memory_space<vmem>> -> memref<64xi32, #tpu.memory_space<vmem>>
    %dma_wait3A_734 = arith.constant 0 : i32
    %dma_wait3A_735 = arith.constant 0 : i32
    %dma_wait3A_736 = tpu.memref_slice %arg4[%dma_wait3A_734, %dma_wait3A_735] : memref<86016x448xf32, #tpu.memory_space<hbm>> -> memref<86016x448xf32, #tpu.memory_space<hbm>>
    tpu.wait_indirect_dma semaphore(%arg15 : memref<!tpu.dma_semaphore, #tpu.memory_space<semaphore_mem>>) src(%arg6 : memref<64x448xf32, #tpu.memory_space<vmem>>) dst(%dma_wait3A_736 : memref<86016x448xf32, #tpu.memory_space<hbm>>)
    %dma_start3A_737 = arith.constant 288 : i32
    %dma_start3A_738 = arith.constant 32 : i32
    %dma_start3A_739 = tpu.memref_slice %arg2[%add3A_16, %dma_start3A_737, %dma_start3A_738] : memref<192x512x512xf32, #tpu.memory_space<hbm>> -> memref<1x64x448xf32, #tpu.memory_space<hbm>>
    %dma_start3A_740 = tpu.memref_squeeze %dma_start3A_739 : memref<1x64x448xf32, #tpu.memory_space<hbm>> -> memref<64x448xf32, #tpu.memory_space<hbm>>
    %dma_start3A_741 = arith.constant 288 : i32
    %dma_start3A_742 = arith.constant 32 : i32
    %dma_start3A_743 = tpu.memref_slice %arg2[%add3A_16, %dma_start3A_741, %dma_start3A_742] : memref<192x512x512xf32, #tpu.memory_space<hbm>> -> memref<1x64x448xf32, #tpu.memory_space<hbm>>
    %dma_start3A_744 = tpu.memref_squeeze %dma_start3A_743 : memref<1x64x448xf32, #tpu.memory_space<hbm>> -> memref<64x448xf32, #tpu.memory_space<hbm>>
    tpu.enqueue_dma source(%dma_start3A_744 : memref<64x448xf32, #tpu.memory_space<hbm>>) target(%arg6 : memref<64x448xf32, #tpu.memory_space<vmem>>) target_semaphore(%arg11 : memref<!tpu.dma_semaphore, #tpu.memory_space<semaphore_mem>>)
    %dma_wait3A_745 = arith.constant 224 : i32
    %dma_wait3A_746 = arith.constant 32 : i32
    %dma_wait3A_747 = tpu.memref_slice %arg2[%add3A_16, %dma_wait3A_745, %dma_wait3A_746] : memref<192x512x512xf32, #tpu.memory_space<hbm>> -> memref<1x64x448xf32, #tpu.memory_space<hbm>>
    %dma_wait3A_748 = tpu.memref_squeeze %dma_wait3A_747 : memref<1x64x448xf32, #tpu.memory_space<hbm>> -> memref<64x448xf32, #tpu.memory_space<hbm>>
    %dma_wait3A_749 = arith.constant 224 : i32
    %dma_wait3A_750 = arith.constant 32 : i32
    %dma_wait3A_751 = tpu.memref_slice %arg2[%add3A_16, %dma_wait3A_749, %dma_wait3A_750] : memref<192x512x512xf32, #tpu.memory_space<hbm>> -> memref<1x64x448xf32, #tpu.memory_space<hbm>>
    %dma_wait3A_752 = tpu.memref_squeeze %dma_wait3A_751 : memref<1x64x448xf32, #tpu.memory_space<hbm>> -> memref<64x448xf32, #tpu.memory_space<hbm>>
    tpu.wait_dma2 semaphore(%arg10 : memref<!tpu.dma_semaphore, #tpu.memory_space<semaphore_mem>>) src(%dma_wait3A_752 : memref<64x448xf32, #tpu.memory_space<hbm>>) dst(%arg5 : memref<64x448xf32, #tpu.memory_space<vmem>>)
    %dma_start3A_753 = arith.constant 24 : i32
    %dma_start3A_754 = arith.constant 0 : i32
    %dma_start3A_755 = tpu.memref_slice %arg9[%dma_start3A_753, %dma_start3A_754] : memref<42x64xi32, #tpu.memory_space<vmem>> -> memref<1x64xi32, #tpu.memory_space<vmem>>
    %dma_start3A_756 = tpu.memref_squeeze %dma_start3A_755 : memref<1x64xi32, #tpu.memory_space<vmem>> -> memref<64xi32, #tpu.memory_space<vmem>>
    %dma_start3A_757 = arith.constant 0 : i32
    %dma_start3A_758 = arith.constant 0 : i32
    %dma_start3A_759 = tpu.memref_slice %arg4[%dma_start3A_757, %dma_start3A_758] : memref<86016x448xf32, #tpu.memory_space<hbm>> -> memref<86016x448xf32, #tpu.memory_space<hbm>>
    tpu.enqueue_indirect_dma source(%arg5 : memref<64x448xf32, #tpu.memory_space<vmem>>) target(%dma_start3A_759 : memref<86016x448xf32, #tpu.memory_space<hbm>>) offsets(%dma_start3A_756 : memref<64xi32, #tpu.memory_space<vmem>>) semaphore(%arg14 : memref<!tpu.dma_semaphore, #tpu.memory_space<semaphore_mem>>)
    %dma_wait3A_760 = arith.constant 22 : i32
    %dma_wait3A_761 = arith.constant 0 : i32
    %dma_wait3A_762 = tpu.memref_slice %arg9[%dma_wait3A_760, %dma_wait3A_761] : memref<42x64xi32, #tpu.memory_space<vmem>> -> memref<1x64xi32, #tpu.memory_space<vmem>>
    %dma_wait3A_763 = tpu.memref_squeeze %dma_wait3A_762 : memref<1x64xi32, #tpu.memory_space<vmem>> -> memref<64xi32, #tpu.memory_space<vmem>>
    %dma_wait3A_764 = arith.constant 0 : i32
    %dma_wait3A_765 = arith.constant 0 : i32
    %dma_wait3A_766 = tpu.memref_slice %arg4[%dma_wait3A_764, %dma_wait3A_765] : memref<86016x448xf32, #tpu.memory_space<hbm>> -> memref<86016x448xf32, #tpu.memory_space<hbm>>
    tpu.wait_indirect_dma semaphore(%arg16 : memref<!tpu.dma_semaphore, #tpu.memory_space<semaphore_mem>>) src(%arg7 : memref<64x448xf32, #tpu.memory_space<vmem>>) dst(%dma_wait3A_766 : memref<86016x448xf32, #tpu.memory_space<hbm>>)
    %dma_start3A_767 = arith.constant 352 : i32
    %dma_start3A_768 = arith.constant 32 : i32
    %dma_start3A_769 = tpu.memref_slice %arg2[%add3A_16, %dma_start3A_767, %dma_start3A_768] : memref<192x512x512xf32, #tpu.memory_space<hbm>> -> memref<1x64x448xf32, #tpu.memory_space<hbm>>
    %dma_start3A_770 = tpu.memref_squeeze %dma_start3A_769 : memref<1x64x448xf32, #tpu.memory_space<hbm>> -> memref<64x448xf32, #tpu.memory_space<hbm>>
    %dma_start3A_771 = arith.constant 352 : i32
    %dma_start3A_772 = arith.constant 32 : i32
    %dma_start3A_773 = tpu.memref_slice %arg2[%add3A_16, %dma_start3A_771, %dma_start3A_772] : memref<192x512x512xf32, #tpu.memory_space<hbm>> -> memref<1x64x448xf32, #tpu.memory_space<hbm>>
    %dma_start3A_774 = tpu.memref_squeeze %dma_start3A_773 : memref<1x64x448xf32, #tpu.memory_space<hbm>> -> memref<64x448xf32, #tpu.memory_space<hbm>>
    tpu.enqueue_dma source(%dma_start3A_774 : memref<64x448xf32, #tpu.memory_space<hbm>>) target(%arg7 : memref<64x448xf32, #tpu.memory_space<vmem>>) target_semaphore(%arg12 : memref<!tpu.dma_semaphore, #tpu.memory_space<semaphore_mem>>)
    %dma_wait3A_775 = arith.constant 288 : i32
    %dma_wait3A_776 = arith.constant 32 : i32
    %dma_wait3A_777 = tpu.memref_slice %arg2[%add3A_16, %dma_wait3A_775, %dma_wait3A_776] : memref<192x512x512xf32, #tpu.memory_space<hbm>> -> memref<1x64x448xf32, #tpu.memory_space<hbm>>
    %dma_wait3A_778 = tpu.memref_squeeze %dma_wait3A_777 : memref<1x64x448xf32, #tpu.memory_space<hbm>> -> memref<64x448xf32, #tpu.memory_space<hbm>>
    %dma_wait3A_779 = arith.constant 288 : i32
    %dma_wait3A_780 = arith.constant 32 : i32
    %dma_wait3A_781 = tpu.memref_slice %arg2[%add3A_16, %dma_wait3A_779, %dma_wait3A_780] : memref<192x512x512xf32, #tpu.memory_space<hbm>> -> memref<1x64x448xf32, #tpu.memory_space<hbm>>
    %dma_wait3A_782 = tpu.memref_squeeze %dma_wait3A_781 : memref<1x64x448xf32, #tpu.memory_space<hbm>> -> memref<64x448xf32, #tpu.memory_space<hbm>>
    tpu.wait_dma2 semaphore(%arg11 : memref<!tpu.dma_semaphore, #tpu.memory_space<semaphore_mem>>) src(%dma_wait3A_782 : memref<64x448xf32, #tpu.memory_space<hbm>>) dst(%arg6 : memref<64x448xf32, #tpu.memory_space<vmem>>)
    %dma_start3A_783 = arith.constant 25 : i32
    %dma_start3A_784 = arith.constant 0 : i32
    %dma_start3A_785 = tpu.memref_slice %arg9[%dma_start3A_783, %dma_start3A_784] : memref<42x64xi32, #tpu.memory_space<vmem>> -> memref<1x64xi32, #tpu.memory_space<vmem>>
    %dma_start3A_786 = tpu.memref_squeeze %dma_start3A_785 : memref<1x64xi32, #tpu.memory_space<vmem>> -> memref<64xi32, #tpu.memory_space<vmem>>
    %dma_start3A_787 = arith.constant 0 : i32
    %dma_start3A_788 = arith.constant 0 : i32
    %dma_start3A_789 = tpu.memref_slice %arg4[%dma_start3A_787, %dma_start3A_788] : memref<86016x448xf32, #tpu.memory_space<hbm>> -> memref<86016x448xf32, #tpu.memory_space<hbm>>
    tpu.enqueue_indirect_dma source(%arg6 : memref<64x448xf32, #tpu.memory_space<vmem>>) target(%dma_start3A_789 : memref<86016x448xf32, #tpu.memory_space<hbm>>) offsets(%dma_start3A_786 : memref<64xi32, #tpu.memory_space<vmem>>) semaphore(%arg15 : memref<!tpu.dma_semaphore, #tpu.memory_space<semaphore_mem>>)
    %dma_wait3A_790 = arith.constant 23 : i32
    %dma_wait3A_791 = arith.constant 0 : i32
    %dma_wait3A_792 = tpu.memref_slice %arg9[%dma_wait3A_790, %dma_wait3A_791] : memref<42x64xi32, #tpu.memory_space<vmem>> -> memref<1x64xi32, #tpu.memory_space<vmem>>
    %dma_wait3A_793 = tpu.memref_squeeze %dma_wait3A_792 : memref<1x64xi32, #tpu.memory_space<vmem>> -> memref<64xi32, #tpu.memory_space<vmem>>
    %dma_wait3A_794 = arith.constant 0 : i32
    %dma_wait3A_795 = arith.constant 0 : i32
    %dma_wait3A_796 = tpu.memref_slice %arg4[%dma_wait3A_794, %dma_wait3A_795] : memref<86016x448xf32, #tpu.memory_space<hbm>> -> memref<86016x448xf32, #tpu.memory_space<hbm>>
    tpu.wait_indirect_dma semaphore(%arg17 : memref<!tpu.dma_semaphore, #tpu.memory_space<semaphore_mem>>) src(%arg8 : memref<64x448xf32, #tpu.memory_space<vmem>>) dst(%dma_wait3A_796 : memref<86016x448xf32, #tpu.memory_space<hbm>>)
    %dma_start3A_797 = arith.constant 416 : i32
    %dma_start3A_798 = arith.constant 32 : i32
    %dma_start3A_799 = tpu.memref_slice %arg2[%add3A_16, %dma_start3A_797, %dma_start3A_798] : memref<192x512x512xf32, #tpu.memory_space<hbm>> -> memref<1x64x448xf32, #tpu.memory_space<hbm>>
    %dma_start3A_800 = tpu.memref_squeeze %dma_start3A_799 : memref<1x64x448xf32, #tpu.memory_space<hbm>> -> memref<64x448xf32, #tpu.memory_space<hbm>>
    %dma_start3A_801 = arith.constant 416 : i32
    %dma_start3A_802 = arith.constant 32 : i32
    %dma_start3A_803 = tpu.memref_slice %arg2[%add3A_16, %dma_start3A_801, %dma_start3A_802] : memref<192x512x512xf32, #tpu.memory_space<hbm>> -> memref<1x64x448xf32, #tpu.memory_space<hbm>>
    %dma_start3A_804 = tpu.memref_squeeze %dma_start3A_803 : memref<1x64x448xf32, #tpu.memory_space<hbm>> -> memref<64x448xf32, #tpu.memory_space<hbm>>
    tpu.enqueue_dma source(%dma_start3A_804 : memref<64x448xf32, #tpu.memory_space<hbm>>) target(%arg8 : memref<64x448xf32, #tpu.memory_space<vmem>>) target_semaphore(%arg13 : memref<!tpu.dma_semaphore, #tpu.memory_space<semaphore_mem>>)
    %dma_wait3A_805 = arith.constant 352 : i32
    %dma_wait3A_806 = arith.constant 32 : i32
    %dma_wait3A_807 = tpu.memref_slice %arg2[%add3A_16, %dma_wait3A_805, %dma_wait3A_806] : memref<192x512x512xf32, #tpu.memory_space<hbm>> -> memref<1x64x448xf32, #tpu.memory_space<hbm>>
    %dma_wait3A_808 = tpu.memref_squeeze %dma_wait3A_807 : memref<1x64x448xf32, #tpu.memory_space<hbm>> -> memref<64x448xf32, #tpu.memory_space<hbm>>
    %dma_wait3A_809 = arith.constant 352 : i32
    %dma_wait3A_810 = arith.constant 32 : i32
    %dma_wait3A_811 = tpu.memref_slice %arg2[%add3A_16, %dma_wait3A_809, %dma_wait3A_810] : memref<192x512x512xf32, #tpu.memory_space<hbm>> -> memref<1x64x448xf32, #tpu.memory_space<hbm>>
    %dma_wait3A_812 = tpu.memref_squeeze %dma_wait3A_811 : memref<1x64x448xf32, #tpu.memory_space<hbm>> -> memref<64x448xf32, #tpu.memory_space<hbm>>
    tpu.wait_dma2 semaphore(%arg12 : memref<!tpu.dma_semaphore, #tpu.memory_space<semaphore_mem>>) src(%dma_wait3A_812 : memref<64x448xf32, #tpu.memory_space<hbm>>) dst(%arg7 : memref<64x448xf32, #tpu.memory_space<vmem>>)
    %dma_start3A_813 = arith.constant 26 : i32
    %dma_start3A_814 = arith.constant 0 : i32
    %dma_start3A_815 = tpu.memref_slice %arg9[%dma_start3A_813, %dma_start3A_814] : memref<42x64xi32, #tpu.memory_space<vmem>> -> memref<1x64xi32, #tpu.memory_space<vmem>>
    %dma_start3A_816 = tpu.memref_squeeze %dma_start3A_815 : memref<1x64xi32, #tpu.memory_space<vmem>> -> memref<64xi32, #tpu.memory_space<vmem>>
    %dma_start3A_817 = arith.constant 0 : i32
    %dma_start3A_818 = arith.constant 0 : i32
    %dma_start3A_819 = tpu.memref_slice %arg4[%dma_start3A_817, %dma_start3A_818] : memref<86016x448xf32, #tpu.memory_space<hbm>> -> memref<86016x448xf32, #tpu.memory_space<hbm>>
    tpu.enqueue_indirect_dma source(%arg7 : memref<64x448xf32, #tpu.memory_space<vmem>>) target(%dma_start3A_819 : memref<86016x448xf32, #tpu.memory_space<hbm>>) offsets(%dma_start3A_816 : memref<64xi32, #tpu.memory_space<vmem>>) semaphore(%arg16 : memref<!tpu.dma_semaphore, #tpu.memory_space<semaphore_mem>>)
    %dma_wait3A_820 = arith.constant 24 : i32
    %dma_wait3A_821 = arith.constant 0 : i32
    %dma_wait3A_822 = tpu.memref_slice %arg9[%dma_wait3A_820, %dma_wait3A_821] : memref<42x64xi32, #tpu.memory_space<vmem>> -> memref<1x64xi32, #tpu.memory_space<vmem>>
    %dma_wait3A_823 = tpu.memref_squeeze %dma_wait3A_822 : memref<1x64xi32, #tpu.memory_space<vmem>> -> memref<64xi32, #tpu.memory_space<vmem>>
    %dma_wait3A_824 = arith.constant 0 : i32
    %dma_wait3A_825 = arith.constant 0 : i32
    %dma_wait3A_826 = tpu.memref_slice %arg4[%dma_wait3A_824, %dma_wait3A_825] : memref<86016x448xf32, #tpu.memory_space<hbm>> -> memref<86016x448xf32, #tpu.memory_space<hbm>>
    tpu.wait_indirect_dma semaphore(%arg14 : memref<!tpu.dma_semaphore, #tpu.memory_space<semaphore_mem>>) src(%arg5 : memref<64x448xf32, #tpu.memory_space<vmem>>) dst(%dma_wait3A_826 : memref<86016x448xf32, #tpu.memory_space<hbm>>)
    %dma_start3A_827 = arith.constant 32 : i32
    %dma_start3A_828 = arith.constant 32 : i32
    %dma_start3A_829 = tpu.memref_slice %arg2[%add3A_20, %dma_start3A_827, %dma_start3A_828] : memref<192x512x512xf32, #tpu.memory_space<hbm>> -> memref<1x64x448xf32, #tpu.memory_space<hbm>>
    %dma_start3A_830 = tpu.memref_squeeze %dma_start3A_829 : memref<1x64x448xf32, #tpu.memory_space<hbm>> -> memref<64x448xf32, #tpu.memory_space<hbm>>
    %dma_start3A_831 = arith.constant 32 : i32
    %dma_start3A_832 = arith.constant 32 : i32
    %dma_start3A_833 = tpu.memref_slice %arg2[%add3A_20, %dma_start3A_831, %dma_start3A_832] : memref<192x512x512xf32, #tpu.memory_space<hbm>> -> memref<1x64x448xf32, #tpu.memory_space<hbm>>
    %dma_start3A_834 = tpu.memref_squeeze %dma_start3A_833 : memref<1x64x448xf32, #tpu.memory_space<hbm>> -> memref<64x448xf32, #tpu.memory_space<hbm>>
    tpu.enqueue_dma source(%dma_start3A_834 : memref<64x448xf32, #tpu.memory_space<hbm>>) target(%arg5 : memref<64x448xf32, #tpu.memory_space<vmem>>) target_semaphore(%arg10 : memref<!tpu.dma_semaphore, #tpu.memory_space<semaphore_mem>>)
    %dma_wait3A_835 = arith.constant 416 : i32
    %dma_wait3A_836 = arith.constant 32 : i32
    %dma_wait3A_837 = tpu.memref_slice %arg2[%add3A_16, %dma_wait3A_835, %dma_wait3A_836] : memref<192x512x512xf32, #tpu.memory_space<hbm>> -> memref<1x64x448xf32, #tpu.memory_space<hbm>>
    %dma_wait3A_838 = tpu.memref_squeeze %dma_wait3A_837 : memref<1x64x448xf32, #tpu.memory_space<hbm>> -> memref<64x448xf32, #tpu.memory_space<hbm>>
    %dma_wait3A_839 = arith.constant 416 : i32
    %dma_wait3A_840 = arith.constant 32 : i32
    %dma_wait3A_841 = tpu.memref_slice %arg2[%add3A_16, %dma_wait3A_839, %dma_wait3A_840] : memref<192x512x512xf32, #tpu.memory_space<hbm>> -> memref<1x64x448xf32, #tpu.memory_space<hbm>>
    %dma_wait3A_842 = tpu.memref_squeeze %dma_wait3A_841 : memref<1x64x448xf32, #tpu.memory_space<hbm>> -> memref<64x448xf32, #tpu.memory_space<hbm>>
    tpu.wait_dma2 semaphore(%arg13 : memref<!tpu.dma_semaphore, #tpu.memory_space<semaphore_mem>>) src(%dma_wait3A_842 : memref<64x448xf32, #tpu.memory_space<hbm>>) dst(%arg8 : memref<64x448xf32, #tpu.memory_space<vmem>>)
    %dma_start3A_843 = arith.constant 27 : i32
    %dma_start3A_844 = arith.constant 0 : i32
    %dma_start3A_845 = tpu.memref_slice %arg9[%dma_start3A_843, %dma_start3A_844] : memref<42x64xi32, #tpu.memory_space<vmem>> -> memref<1x64xi32, #tpu.memory_space<vmem>>
    %dma_start3A_846 = tpu.memref_squeeze %dma_start3A_845 : memref<1x64xi32, #tpu.memory_space<vmem>> -> memref<64xi32, #tpu.memory_space<vmem>>
    %dma_start3A_847 = arith.constant 0 : i32
    %dma_start3A_848 = arith.constant 0 : i32
    %dma_start3A_849 = tpu.memref_slice %arg4[%dma_start3A_847, %dma_start3A_848] : memref<86016x448xf32, #tpu.memory_space<hbm>> -> memref<86016x448xf32, #tpu.memory_space<hbm>>
    tpu.enqueue_indirect_dma source(%arg8 : memref<64x448xf32, #tpu.memory_space<vmem>>) target(%dma_start3A_849 : memref<86016x448xf32, #tpu.memory_space<hbm>>) offsets(%dma_start3A_846 : memref<64xi32, #tpu.memory_space<vmem>>) semaphore(%arg17 : memref<!tpu.dma_semaphore, #tpu.memory_space<semaphore_mem>>)
    %dma_wait3A_850 = arith.constant 25 : i32
    %dma_wait3A_851 = arith.constant 0 : i32
    %dma_wait3A_852 = tpu.memref_slice %arg9[%dma_wait3A_850, %dma_wait3A_851] : memref<42x64xi32, #tpu.memory_space<vmem>> -> memref<1x64xi32, #tpu.memory_space<vmem>>
    %dma_wait3A_853 = tpu.memref_squeeze %dma_wait3A_852 : memref<1x64xi32, #tpu.memory_space<vmem>> -> memref<64xi32, #tpu.memory_space<vmem>>
    %dma_wait3A_854 = arith.constant 0 : i32
    %dma_wait3A_855 = arith.constant 0 : i32
    %dma_wait3A_856 = tpu.memref_slice %arg4[%dma_wait3A_854, %dma_wait3A_855] : memref<86016x448xf32, #tpu.memory_space<hbm>> -> memref<86016x448xf32, #tpu.memory_space<hbm>>
    tpu.wait_indirect_dma semaphore(%arg15 : memref<!tpu.dma_semaphore, #tpu.memory_space<semaphore_mem>>) src(%arg6 : memref<64x448xf32, #tpu.memory_space<vmem>>) dst(%dma_wait3A_856 : memref<86016x448xf32, #tpu.memory_space<hbm>>)
    %dma_start3A_857 = arith.constant 96 : i32
    %dma_start3A_858 = arith.constant 32 : i32
    %dma_start3A_859 = tpu.memref_slice %arg2[%add3A_20, %dma_start3A_857, %dma_start3A_858] : memref<192x512x512xf32, #tpu.memory_space<hbm>> -> memref<1x64x448xf32, #tpu.memory_space<hbm>>
    %dma_start3A_860 = tpu.memref_squeeze %dma_start3A_859 : memref<1x64x448xf32, #tpu.memory_space<hbm>> -> memref<64x448xf32, #tpu.memory_space<hbm>>
    %dma_start3A_861 = arith.constant 96 : i32
    %dma_start3A_862 = arith.constant 32 : i32
    %dma_start3A_863 = tpu.memref_slice %arg2[%add3A_20, %dma_start3A_861, %dma_start3A_862] : memref<192x512x512xf32, #tpu.memory_space<hbm>> -> memref<1x64x448xf32, #tpu.memory_space<hbm>>
    %dma_start3A_864 = tpu.memref_squeeze %dma_start3A_863 : memref<1x64x448xf32, #tpu.memory_space<hbm>> -> memref<64x448xf32, #tpu.memory_space<hbm>>
    tpu.enqueue_dma source(%dma_start3A_864 : memref<64x448xf32, #tpu.memory_space<hbm>>) target(%arg6 : memref<64x448xf32, #tpu.memory_space<vmem>>) target_semaphore(%arg11 : memref<!tpu.dma_semaphore, #tpu.memory_space<semaphore_mem>>)
    %dma_wait3A_865 = arith.constant 32 : i32
    %dma_wait3A_866 = arith.constant 32 : i32
    %dma_wait3A_867 = tpu.memref_slice %arg2[%add3A_20, %dma_wait3A_865, %dma_wait3A_866] : memref<192x512x512xf32, #tpu.memory_space<hbm>> -> memref<1x64x448xf32, #tpu.memory_space<hbm>>
    %dma_wait3A_868 = tpu.memref_squeeze %dma_wait3A_867 : memref<1x64x448xf32, #tpu.memory_space<hbm>> -> memref<64x448xf32, #tpu.memory_space<hbm>>
    %dma_wait3A_869 = arith.constant 32 : i32
    %dma_wait3A_870 = arith.constant 32 : i32
    %dma_wait3A_871 = tpu.memref_slice %arg2[%add3A_20, %dma_wait3A_869, %dma_wait3A_870] : memref<192x512x512xf32, #tpu.memory_space<hbm>> -> memref<1x64x448xf32, #tpu.memory_space<hbm>>
    %dma_wait3A_872 = tpu.memref_squeeze %dma_wait3A_871 : memref<1x64x448xf32, #tpu.memory_space<hbm>> -> memref<64x448xf32, #tpu.memory_space<hbm>>
    tpu.wait_dma2 semaphore(%arg10 : memref<!tpu.dma_semaphore, #tpu.memory_space<semaphore_mem>>) src(%dma_wait3A_872 : memref<64x448xf32, #tpu.memory_space<hbm>>) dst(%arg5 : memref<64x448xf32, #tpu.memory_space<vmem>>)
    %dma_start3A_873 = arith.constant 28 : i32
    %dma_start3A_874 = arith.constant 0 : i32
    %dma_start3A_875 = tpu.memref_slice %arg9[%dma_start3A_873, %dma_start3A_874] : memref<42x64xi32, #tpu.memory_space<vmem>> -> memref<1x64xi32, #tpu.memory_space<vmem>>
    %dma_start3A_876 = tpu.memref_squeeze %dma_start3A_875 : memref<1x64xi32, #tpu.memory_space<vmem>> -> memref<64xi32, #tpu.memory_space<vmem>>
    %dma_start3A_877 = arith.constant 0 : i32
    %dma_start3A_878 = arith.constant 0 : i32
    %dma_start3A_879 = tpu.memref_slice %arg4[%dma_start3A_877, %dma_start3A_878] : memref<86016x448xf32, #tpu.memory_space<hbm>> -> memref<86016x448xf32, #tpu.memory_space<hbm>>
    tpu.enqueue_indirect_dma source(%arg5 : memref<64x448xf32, #tpu.memory_space<vmem>>) target(%dma_start3A_879 : memref<86016x448xf32, #tpu.memory_space<hbm>>) offsets(%dma_start3A_876 : memref<64xi32, #tpu.memory_space<vmem>>) semaphore(%arg14 : memref<!tpu.dma_semaphore, #tpu.memory_space<semaphore_mem>>)
    %dma_wait3A_880 = arith.constant 26 : i32
    %dma_wait3A_881 = arith.constant 0 : i32
    %dma_wait3A_882 = tpu.memref_slice %arg9[%dma_wait3A_880, %dma_wait3A_881] : memref<42x64xi32, #tpu.memory_space<vmem>> -> memref<1x64xi32, #tpu.memory_space<vmem>>
    %dma_wait3A_883 = tpu.memref_squeeze %dma_wait3A_882 : memref<1x64xi32, #tpu.memory_space<vmem>> -> memref<64xi32, #tpu.memory_space<vmem>>
    %dma_wait3A_884 = arith.constant 0 : i32
    %dma_wait3A_885 = arith.constant 0 : i32
    %dma_wait3A_886 = tpu.memref_slice %arg4[%dma_wait3A_884, %dma_wait3A_885] : memref<86016x448xf32, #tpu.memory_space<hbm>> -> memref<86016x448xf32, #tpu.memory_space<hbm>>
    tpu.wait_indirect_dma semaphore(%arg16 : memref<!tpu.dma_semaphore, #tpu.memory_space<semaphore_mem>>) src(%arg7 : memref<64x448xf32, #tpu.memory_space<vmem>>) dst(%dma_wait3A_886 : memref<86016x448xf32, #tpu.memory_space<hbm>>)
    %dma_start3A_887 = arith.constant 160 : i32
    %dma_start3A_888 = arith.constant 32 : i32
    %dma_start3A_889 = tpu.memref_slice %arg2[%add3A_20, %dma_start3A_887, %dma_start3A_888] : memref<192x512x512xf32, #tpu.memory_space<hbm>> -> memref<1x64x448xf32, #tpu.memory_space<hbm>>
    %dma_start3A_890 = tpu.memref_squeeze %dma_start3A_889 : memref<1x64x448xf32, #tpu.memory_space<hbm>> -> memref<64x448xf32, #tpu.memory_space<hbm>>
    %dma_start3A_891 = arith.constant 160 : i32
    %dma_start3A_892 = arith.constant 32 : i32
    %dma_start3A_893 = tpu.memref_slice %arg2[%add3A_20, %dma_start3A_891, %dma_start3A_892] : memref<192x512x512xf32, #tpu.memory_space<hbm>> -> memref<1x64x448xf32, #tpu.memory_space<hbm>>
    %dma_start3A_894 = tpu.memref_squeeze %dma_start3A_893 : memref<1x64x448xf32, #tpu.memory_space<hbm>> -> memref<64x448xf32, #tpu.memory_space<hbm>>
    tpu.enqueue_dma source(%dma_start3A_894 : memref<64x448xf32, #tpu.memory_space<hbm>>) target(%arg7 : memref<64x448xf32, #tpu.memory_space<vmem>>) target_semaphore(%arg12 : memref<!tpu.dma_semaphore, #tpu.memory_space<semaphore_mem>>)
    %dma_wait3A_895 = arith.constant 96 : i32
    %dma_wait3A_896 = arith.constant 32 : i32
    %dma_wait3A_897 = tpu.memref_slice %arg2[%add3A_20, %dma_wait3A_895, %dma_wait3A_896] : memref<192x512x512xf32, #tpu.memory_space<hbm>> -> memref<1x64x448xf32, #tpu.memory_space<hbm>>
    %dma_wait3A_898 = tpu.memref_squeeze %dma_wait3A_897 : memref<1x64x448xf32, #tpu.memory_space<hbm>> -> memref<64x448xf32, #tpu.memory_space<hbm>>
    %dma_wait3A_899 = arith.constant 96 : i32
    %dma_wait3A_900 = arith.constant 32 : i32
    %dma_wait3A_901 = tpu.memref_slice %arg2[%add3A_20, %dma_wait3A_899, %dma_wait3A_900] : memref<192x512x512xf32, #tpu.memory_space<hbm>> -> memref<1x64x448xf32, #tpu.memory_space<hbm>>
    %dma_wait3A_902 = tpu.memref_squeeze %dma_wait3A_901 : memref<1x64x448xf32, #tpu.memory_space<hbm>> -> memref<64x448xf32, #tpu.memory_space<hbm>>
    tpu.wait_dma2 semaphore(%arg11 : memref<!tpu.dma_semaphore, #tpu.memory_space<semaphore_mem>>) src(%dma_wait3A_902 : memref<64x448xf32, #tpu.memory_space<hbm>>) dst(%arg6 : memref<64x448xf32, #tpu.memory_space<vmem>>)
    %dma_start3A_903 = arith.constant 29 : i32
    %dma_start3A_904 = arith.constant 0 : i32
    %dma_start3A_905 = tpu.memref_slice %arg9[%dma_start3A_903, %dma_start3A_904] : memref<42x64xi32, #tpu.memory_space<vmem>> -> memref<1x64xi32, #tpu.memory_space<vmem>>
    %dma_start3A_906 = tpu.memref_squeeze %dma_start3A_905 : memref<1x64xi32, #tpu.memory_space<vmem>> -> memref<64xi32, #tpu.memory_space<vmem>>
    %dma_start3A_907 = arith.constant 0 : i32
    %dma_start3A_908 = arith.constant 0 : i32
    %dma_start3A_909 = tpu.memref_slice %arg4[%dma_start3A_907, %dma_start3A_908] : memref<86016x448xf32, #tpu.memory_space<hbm>> -> memref<86016x448xf32, #tpu.memory_space<hbm>>
    tpu.enqueue_indirect_dma source(%arg6 : memref<64x448xf32, #tpu.memory_space<vmem>>) target(%dma_start3A_909 : memref<86016x448xf32, #tpu.memory_space<hbm>>) offsets(%dma_start3A_906 : memref<64xi32, #tpu.memory_space<vmem>>) semaphore(%arg15 : memref<!tpu.dma_semaphore, #tpu.memory_space<semaphore_mem>>)
    %dma_wait3A_910 = arith.constant 27 : i32
    %dma_wait3A_911 = arith.constant 0 : i32
    %dma_wait3A_912 = tpu.memref_slice %arg9[%dma_wait3A_910, %dma_wait3A_911] : memref<42x64xi32, #tpu.memory_space<vmem>> -> memref<1x64xi32, #tpu.memory_space<vmem>>
    %dma_wait3A_913 = tpu.memref_squeeze %dma_wait3A_912 : memref<1x64xi32, #tpu.memory_space<vmem>> -> memref<64xi32, #tpu.memory_space<vmem>>
    %dma_wait3A_914 = arith.constant 0 : i32
    %dma_wait3A_915 = arith.constant 0 : i32
    %dma_wait3A_916 = tpu.memref_slice %arg4[%dma_wait3A_914, %dma_wait3A_915] : memref<86016x448xf32, #tpu.memory_space<hbm>> -> memref<86016x448xf32, #tpu.memory_space<hbm>>
    tpu.wait_indirect_dma semaphore(%arg17 : memref<!tpu.dma_semaphore, #tpu.memory_space<semaphore_mem>>) src(%arg8 : memref<64x448xf32, #tpu.memory_space<vmem>>) dst(%dma_wait3A_916 : memref<86016x448xf32, #tpu.memory_space<hbm>>)
    %dma_start3A_917 = arith.constant 224 : i32
    %dma_start3A_918 = arith.constant 32 : i32
    %dma_start3A_919 = tpu.memref_slice %arg2[%add3A_20, %dma_start3A_917, %dma_start3A_918] : memref<192x512x512xf32, #tpu.memory_space<hbm>> -> memref<1x64x448xf32, #tpu.memory_space<hbm>>
    %dma_start3A_920 = tpu.memref_squeeze %dma_start3A_919 : memref<1x64x448xf32, #tpu.memory_space<hbm>> -> memref<64x448xf32, #tpu.memory_space<hbm>>
    %dma_start3A_921 = arith.constant 224 : i32
    %dma_start3A_922 = arith.constant 32 : i32
    %dma_start3A_923 = tpu.memref_slice %arg2[%add3A_20, %dma_start3A_921, %dma_start3A_922] : memref<192x512x512xf32, #tpu.memory_space<hbm>> -> memref<1x64x448xf32, #tpu.memory_space<hbm>>
    %dma_start3A_924 = tpu.memref_squeeze %dma_start3A_923 : memref<1x64x448xf32, #tpu.memory_space<hbm>> -> memref<64x448xf32, #tpu.memory_space<hbm>>
    tpu.enqueue_dma source(%dma_start3A_924 : memref<64x448xf32, #tpu.memory_space<hbm>>) target(%arg8 : memref<64x448xf32, #tpu.memory_space<vmem>>) target_semaphore(%arg13 : memref<!tpu.dma_semaphore, #tpu.memory_space<semaphore_mem>>)
    %dma_wait3A_925 = arith.constant 160 : i32
    %dma_wait3A_926 = arith.constant 32 : i32
    %dma_wait3A_927 = tpu.memref_slice %arg2[%add3A_20, %dma_wait3A_925, %dma_wait3A_926] : memref<192x512x512xf32, #tpu.memory_space<hbm>> -> memref<1x64x448xf32, #tpu.memory_space<hbm>>
    %dma_wait3A_928 = tpu.memref_squeeze %dma_wait3A_927 : memref<1x64x448xf32, #tpu.memory_space<hbm>> -> memref<64x448xf32, #tpu.memory_space<hbm>>
    %dma_wait3A_929 = arith.constant 160 : i32
    %dma_wait3A_930 = arith.constant 32 : i32
    %dma_wait3A_931 = tpu.memref_slice %arg2[%add3A_20, %dma_wait3A_929, %dma_wait3A_930] : memref<192x512x512xf32, #tpu.memory_space<hbm>> -> memref<1x64x448xf32, #tpu.memory_space<hbm>>
    %dma_wait3A_932 = tpu.memref_squeeze %dma_wait3A_931 : memref<1x64x448xf32, #tpu.memory_space<hbm>> -> memref<64x448xf32, #tpu.memory_space<hbm>>
    tpu.wait_dma2 semaphore(%arg12 : memref<!tpu.dma_semaphore, #tpu.memory_space<semaphore_mem>>) src(%dma_wait3A_932 : memref<64x448xf32, #tpu.memory_space<hbm>>) dst(%arg7 : memref<64x448xf32, #tpu.memory_space<vmem>>)
    %dma_start3A_933 = arith.constant 30 : i32
    %dma_start3A_934 = arith.constant 0 : i32
    %dma_start3A_935 = tpu.memref_slice %arg9[%dma_start3A_933, %dma_start3A_934] : memref<42x64xi32, #tpu.memory_space<vmem>> -> memref<1x64xi32, #tpu.memory_space<vmem>>
    %dma_start3A_936 = tpu.memref_squeeze %dma_start3A_935 : memref<1x64xi32, #tpu.memory_space<vmem>> -> memref<64xi32, #tpu.memory_space<vmem>>
    %dma_start3A_937 = arith.constant 0 : i32
    %dma_start3A_938 = arith.constant 0 : i32
    %dma_start3A_939 = tpu.memref_slice %arg4[%dma_start3A_937, %dma_start3A_938] : memref<86016x448xf32, #tpu.memory_space<hbm>> -> memref<86016x448xf32, #tpu.memory_space<hbm>>
    tpu.enqueue_indirect_dma source(%arg7 : memref<64x448xf32, #tpu.memory_space<vmem>>) target(%dma_start3A_939 : memref<86016x448xf32, #tpu.memory_space<hbm>>) offsets(%dma_start3A_936 : memref<64xi32, #tpu.memory_space<vmem>>) semaphore(%arg16 : memref<!tpu.dma_semaphore, #tpu.memory_space<semaphore_mem>>)
    %dma_wait3A_940 = arith.constant 28 : i32
    %dma_wait3A_941 = arith.constant 0 : i32
    %dma_wait3A_942 = tpu.memref_slice %arg9[%dma_wait3A_940, %dma_wait3A_941] : memref<42x64xi32, #tpu.memory_space<vmem>> -> memref<1x64xi32, #tpu.memory_space<vmem>>
    %dma_wait3A_943 = tpu.memref_squeeze %dma_wait3A_942 : memref<1x64xi32, #tpu.memory_space<vmem>> -> memref<64xi32, #tpu.memory_space<vmem>>
    %dma_wait3A_944 = arith.constant 0 : i32
    %dma_wait3A_945 = arith.constant 0 : i32
    %dma_wait3A_946 = tpu.memref_slice %arg4[%dma_wait3A_944, %dma_wait3A_945] : memref<86016x448xf32, #tpu.memory_space<hbm>> -> memref<86016x448xf32, #tpu.memory_space<hbm>>
    tpu.wait_indirect_dma semaphore(%arg14 : memref<!tpu.dma_semaphore, #tpu.memory_space<semaphore_mem>>) src(%arg5 : memref<64x448xf32, #tpu.memory_space<vmem>>) dst(%dma_wait3A_946 : memref<86016x448xf32, #tpu.memory_space<hbm>>)
    %dma_start3A_947 = arith.constant 288 : i32
    %dma_start3A_948 = arith.constant 32 : i32
    %dma_start3A_949 = tpu.memref_slice %arg2[%add3A_20, %dma_start3A_947, %dma_start3A_948] : memref<192x512x512xf32, #tpu.memory_space<hbm>> -> memref<1x64x448xf32, #tpu.memory_space<hbm>>
    %dma_start3A_950 = tpu.memref_squeeze %dma_start3A_949 : memref<1x64x448xf32, #tpu.memory_space<hbm>> -> memref<64x448xf32, #tpu.memory_space<hbm>>
    %dma_start3A_951 = arith.constant 288 : i32
    %dma_start3A_952 = arith.constant 32 : i32
    %dma_start3A_953 = tpu.memref_slice %arg2[%add3A_20, %dma_start3A_951, %dma_start3A_952] : memref<192x512x512xf32, #tpu.memory_space<hbm>> -> memref<1x64x448xf32, #tpu.memory_space<hbm>>
    %dma_start3A_954 = tpu.memref_squeeze %dma_start3A_953 : memref<1x64x448xf32, #tpu.memory_space<hbm>> -> memref<64x448xf32, #tpu.memory_space<hbm>>
    tpu.enqueue_dma source(%dma_start3A_954 : memref<64x448xf32, #tpu.memory_space<hbm>>) target(%arg5 : memref<64x448xf32, #tpu.memory_space<vmem>>) target_semaphore(%arg10 : memref<!tpu.dma_semaphore, #tpu.memory_space<semaphore_mem>>)
    %dma_wait3A_955 = arith.constant 224 : i32
    %dma_wait3A_956 = arith.constant 32 : i32
    %dma_wait3A_957 = tpu.memref_slice %arg2[%add3A_20, %dma_wait3A_955, %dma_wait3A_956] : memref<192x512x512xf32, #tpu.memory_space<hbm>> -> memref<1x64x448xf32, #tpu.memory_space<hbm>>
    %dma_wait3A_958 = tpu.memref_squeeze %dma_wait3A_957 : memref<1x64x448xf32, #tpu.memory_space<hbm>> -> memref<64x448xf32, #tpu.memory_space<hbm>>
    %dma_wait3A_959 = arith.constant 224 : i32
    %dma_wait3A_960 = arith.constant 32 : i32
    %dma_wait3A_961 = tpu.memref_slice %arg2[%add3A_20, %dma_wait3A_959, %dma_wait3A_960] : memref<192x512x512xf32, #tpu.memory_space<hbm>> -> memref<1x64x448xf32, #tpu.memory_space<hbm>>
    %dma_wait3A_962 = tpu.memref_squeeze %dma_wait3A_961 : memref<1x64x448xf32, #tpu.memory_space<hbm>> -> memref<64x448xf32, #tpu.memory_space<hbm>>
    tpu.wait_dma2 semaphore(%arg13 : memref<!tpu.dma_semaphore, #tpu.memory_space<semaphore_mem>>) src(%dma_wait3A_962 : memref<64x448xf32, #tpu.memory_space<hbm>>) dst(%arg8 : memref<64x448xf32, #tpu.memory_space<vmem>>)
    %dma_start3A_963 = arith.constant 31 : i32
    %dma_start3A_964 = arith.constant 0 : i32
    %dma_start3A_965 = tpu.memref_slice %arg9[%dma_start3A_963, %dma_start3A_964] : memref<42x64xi32, #tpu.memory_space<vmem>> -> memref<1x64xi32, #tpu.memory_space<vmem>>
    %dma_start3A_966 = tpu.memref_squeeze %dma_start3A_965 : memref<1x64xi32, #tpu.memory_space<vmem>> -> memref<64xi32, #tpu.memory_space<vmem>>
    %dma_start3A_967 = arith.constant 0 : i32
    %dma_start3A_968 = arith.constant 0 : i32
    %dma_start3A_969 = tpu.memref_slice %arg4[%dma_start3A_967, %dma_start3A_968] : memref<86016x448xf32, #tpu.memory_space<hbm>> -> memref<86016x448xf32, #tpu.memory_space<hbm>>
    tpu.enqueue_indirect_dma source(%arg8 : memref<64x448xf32, #tpu.memory_space<vmem>>) target(%dma_start3A_969 : memref<86016x448xf32, #tpu.memory_space<hbm>>) offsets(%dma_start3A_966 : memref<64xi32, #tpu.memory_space<vmem>>) semaphore(%arg17 : memref<!tpu.dma_semaphore, #tpu.memory_space<semaphore_mem>>)
    %dma_wait3A_970 = arith.constant 29 : i32
    %dma_wait3A_971 = arith.constant 0 : i32
    %dma_wait3A_972 = tpu.memref_slice %arg9[%dma_wait3A_970, %dma_wait3A_971] : memref<42x64xi32, #tpu.memory_space<vmem>> -> memref<1x64xi32, #tpu.memory_space<vmem>>
    %dma_wait3A_973 = tpu.memref_squeeze %dma_wait3A_972 : memref<1x64xi32, #tpu.memory_space<vmem>> -> memref<64xi32, #tpu.memory_space<vmem>>
    %dma_wait3A_974 = arith.constant 0 : i32
    %dma_wait3A_975 = arith.constant 0 : i32
    %dma_wait3A_976 = tpu.memref_slice %arg4[%dma_wait3A_974, %dma_wait3A_975] : memref<86016x448xf32, #tpu.memory_space<hbm>> -> memref<86016x448xf32, #tpu.memory_space<hbm>>
    tpu.wait_indirect_dma semaphore(%arg15 : memref<!tpu.dma_semaphore, #tpu.memory_space<semaphore_mem>>) src(%arg6 : memref<64x448xf32, #tpu.memory_space<vmem>>) dst(%dma_wait3A_976 : memref<86016x448xf32, #tpu.memory_space<hbm>>)
    %dma_start3A_977 = arith.constant 352 : i32
    %dma_start3A_978 = arith.constant 32 : i32
    %dma_start3A_979 = tpu.memref_slice %arg2[%add3A_20, %dma_start3A_977, %dma_start3A_978] : memref<192x512x512xf32, #tpu.memory_space<hbm>> -> memref<1x64x448xf32, #tpu.memory_space<hbm>>
    %dma_start3A_980 = tpu.memref_squeeze %dma_start3A_979 : memref<1x64x448xf32, #tpu.memory_space<hbm>> -> memref<64x448xf32, #tpu.memory_space<hbm>>
    %dma_start3A_981 = arith.constant 352 : i32
    %dma_start3A_982 = arith.constant 32 : i32
    %dma_start3A_983 = tpu.memref_slice %arg2[%add3A_20, %dma_start3A_981, %dma_start3A_982] : memref<192x512x512xf32, #tpu.memory_space<hbm>> -> memref<1x64x448xf32, #tpu.memory_space<hbm>>
    %dma_start3A_984 = tpu.memref_squeeze %dma_start3A_983 : memref<1x64x448xf32, #tpu.memory_space<hbm>> -> memref<64x448xf32, #tpu.memory_space<hbm>>
    tpu.enqueue_dma source(%dma_start3A_984 : memref<64x448xf32, #tpu.memory_space<hbm>>) target(%arg6 : memref<64x448xf32, #tpu.memory_space<vmem>>) target_semaphore(%arg11 : memref<!tpu.dma_semaphore, #tpu.memory_space<semaphore_mem>>)
    %dma_wait3A_985 = arith.constant 288 : i32
    %dma_wait3A_986 = arith.constant 32 : i32
    %dma_wait3A_987 = tpu.memref_slice %arg2[%add3A_20, %dma_wait3A_985, %dma_wait3A_986] : memref<192x512x512xf32, #tpu.memory_space<hbm>> -> memref<1x64x448xf32, #tpu.memory_space<hbm>>
    %dma_wait3A_988 = tpu.memref_squeeze %dma_wait3A_987 : memref<1x64x448xf32, #tpu.memory_space<hbm>> -> memref<64x448xf32, #tpu.memory_space<hbm>>
    %dma_wait3A_989 = arith.constant 288 : i32
    %dma_wait3A_990 = arith.constant 32 : i32
    %dma_wait3A_991 = tpu.memref_slice %arg2[%add3A_20, %dma_wait3A_989, %dma_wait3A_990] : memref<192x512x512xf32, #tpu.memory_space<hbm>> -> memref<1x64x448xf32, #tpu.memory_space<hbm>>
    %dma_wait3A_992 = tpu.memref_squeeze %dma_wait3A_991 : memref<1x64x448xf32, #tpu.memory_space<hbm>> -> memref<64x448xf32, #tpu.memory_space<hbm>>
    tpu.wait_dma2 semaphore(%arg10 : memref<!tpu.dma_semaphore, #tpu.memory_space<semaphore_mem>>) src(%dma_wait3A_992 : memref<64x448xf32, #tpu.memory_space<hbm>>) dst(%arg5 : memref<64x448xf32, #tpu.memory_space<vmem>>)
    %dma_start3A_993 = arith.constant 32 : i32
    %dma_start3A_994 = arith.constant 0 : i32
    %dma_start3A_995 = tpu.memref_slice %arg9[%dma_start3A_993, %dma_start3A_994] : memref<42x64xi32, #tpu.memory_space<vmem>> -> memref<1x64xi32, #tpu.memory_space<vmem>>
    %dma_start3A_996 = tpu.memref_squeeze %dma_start3A_995 : memref<1x64xi32, #tpu.memory_space<vmem>> -> memref<64xi32, #tpu.memory_space<vmem>>
    %dma_start3A_997 = arith.constant 0 : i32
    %dma_start3A_998 = arith.constant 0 : i32
    %dma_start3A_999 = tpu.memref_slice %arg4[%dma_start3A_997, %dma_start3A_998] : memref<86016x448xf32, #tpu.memory_space<hbm>> -> memref<86016x448xf32, #tpu.memory_space<hbm>>
    tpu.enqueue_indirect_dma source(%arg5 : memref<64x448xf32, #tpu.memory_space<vmem>>) target(%dma_start3A_999 : memref<86016x448xf32, #tpu.memory_space<hbm>>) offsets(%dma_start3A_996 : memref<64xi32, #tpu.memory_space<vmem>>) semaphore(%arg14 : memref<!tpu.dma_semaphore, #tpu.memory_space<semaphore_mem>>)
    %dma_wait3A_1000 = arith.constant 30 : i32
    %dma_wait3A_1001 = arith.constant 0 : i32
    %dma_wait3A_1002 = tpu.memref_slice %arg9[%dma_wait3A_1000, %dma_wait3A_1001] : memref<42x64xi32, #tpu.memory_space<vmem>> -> memref<1x64xi32, #tpu.memory_space<vmem>>
    %dma_wait3A_1003 = tpu.memref_squeeze %dma_wait3A_1002 : memref<1x64xi32, #tpu.memory_space<vmem>> -> memref<64xi32, #tpu.memory_space<vmem>>
    %dma_wait3A_1004 = arith.constant 0 : i32
    %dma_wait3A_1005 = arith.constant 0 : i32
    %dma_wait3A_1006 = tpu.memref_slice %arg4[%dma_wait3A_1004, %dma_wait3A_1005] : memref<86016x448xf32, #tpu.memory_space<hbm>> -> memref<86016x448xf32, #tpu.memory_space<hbm>>
    tpu.wait_indirect_dma semaphore(%arg16 : memref<!tpu.dma_semaphore, #tpu.memory_space<semaphore_mem>>) src(%arg7 : memref<64x448xf32, #tpu.memory_space<vmem>>) dst(%dma_wait3A_1006 : memref<86016x448xf32, #tpu.memory_space<hbm>>)
    %dma_start3A_1007 = arith.constant 416 : i32
    %dma_start3A_1008 = arith.constant 32 : i32
    %dma_start3A_1009 = tpu.memref_slice %arg2[%add3A_20, %dma_start3A_1007, %dma_start3A_1008] : memref<192x512x512xf32, #tpu.memory_space<hbm>> -> memref<1x64x448xf32, #tpu.memory_space<hbm>>
    %dma_start3A_1010 = tpu.memref_squeeze %dma_start3A_1009 : memref<1x64x448xf32, #tpu.memory_space<hbm>> -> memref<64x448xf32, #tpu.memory_space<hbm>>
    %dma_start3A_1011 = arith.constant 416 : i32
    %dma_start3A_1012 = arith.constant 32 : i32
    %dma_start3A_1013 = tpu.memref_slice %arg2[%add3A_20, %dma_start3A_1011, %dma_start3A_1012] : memref<192x512x512xf32, #tpu.memory_space<hbm>> -> memref<1x64x448xf32, #tpu.memory_space<hbm>>
    %dma_start3A_1014 = tpu.memref_squeeze %dma_start3A_1013 : memref<1x64x448xf32, #tpu.memory_space<hbm>> -> memref<64x448xf32, #tpu.memory_space<hbm>>
    tpu.enqueue_dma source(%dma_start3A_1014 : memref<64x448xf32, #tpu.memory_space<hbm>>) target(%arg7 : memref<64x448xf32, #tpu.memory_space<vmem>>) target_semaphore(%arg12 : memref<!tpu.dma_semaphore, #tpu.memory_space<semaphore_mem>>)
    %dma_wait3A_1015 = arith.constant 352 : i32
    %dma_wait3A_1016 = arith.constant 32 : i32
    %dma_wait3A_1017 = tpu.memref_slice %arg2[%add3A_20, %dma_wait3A_1015, %dma_wait3A_1016] : memref<192x512x512xf32, #tpu.memory_space<hbm>> -> memref<1x64x448xf32, #tpu.memory_space<hbm>>
    %dma_wait3A_1018 = tpu.memref_squeeze %dma_wait3A_1017 : memref<1x64x448xf32, #tpu.memory_space<hbm>> -> memref<64x448xf32, #tpu.memory_space<hbm>>
    %dma_wait3A_1019 = arith.constant 352 : i32
    %dma_wait3A_1020 = arith.constant 32 : i32
    %dma_wait3A_1021 = tpu.memref_slice %arg2[%add3A_20, %dma_wait3A_1019, %dma_wait3A_1020] : memref<192x512x512xf32, #tpu.memory_space<hbm>> -> memref<1x64x448xf32, #tpu.memory_space<hbm>>
    %dma_wait3A_1022 = tpu.memref_squeeze %dma_wait3A_1021 : memref<1x64x448xf32, #tpu.memory_space<hbm>> -> memref<64x448xf32, #tpu.memory_space<hbm>>
    tpu.wait_dma2 semaphore(%arg11 : memref<!tpu.dma_semaphore, #tpu.memory_space<semaphore_mem>>) src(%dma_wait3A_1022 : memref<64x448xf32, #tpu.memory_space<hbm>>) dst(%arg6 : memref<64x448xf32, #tpu.memory_space<vmem>>)
    %dma_start3A_1023 = arith.constant 33 : i32
    %dma_start3A_1024 = arith.constant 0 : i32
    %dma_start3A_1025 = tpu.memref_slice %arg9[%dma_start3A_1023, %dma_start3A_1024] : memref<42x64xi32, #tpu.memory_space<vmem>> -> memref<1x64xi32, #tpu.memory_space<vmem>>
    %dma_start3A_1026 = tpu.memref_squeeze %dma_start3A_1025 : memref<1x64xi32, #tpu.memory_space<vmem>> -> memref<64xi32, #tpu.memory_space<vmem>>
    %dma_start3A_1027 = arith.constant 0 : i32
    %dma_start3A_1028 = arith.constant 0 : i32
    %dma_start3A_1029 = tpu.memref_slice %arg4[%dma_start3A_1027, %dma_start3A_1028] : memref<86016x448xf32, #tpu.memory_space<hbm>> -> memref<86016x448xf32, #tpu.memory_space<hbm>>
    tpu.enqueue_indirect_dma source(%arg6 : memref<64x448xf32, #tpu.memory_space<vmem>>) target(%dma_start3A_1029 : memref<86016x448xf32, #tpu.memory_space<hbm>>) offsets(%dma_start3A_1026 : memref<64xi32, #tpu.memory_space<vmem>>) semaphore(%arg15 : memref<!tpu.dma_semaphore, #tpu.memory_space<semaphore_mem>>)
    %dma_wait3A_1030 = arith.constant 31 : i32
    %dma_wait3A_1031 = arith.constant 0 : i32
    %dma_wait3A_1032 = tpu.memref_slice %arg9[%dma_wait3A_1030, %dma_wait3A_1031] : memref<42x64xi32, #tpu.memory_space<vmem>> -> memref<1x64xi32, #tpu.memory_space<vmem>>
    %dma_wait3A_1033 = tpu.memref_squeeze %dma_wait3A_1032 : memref<1x64xi32, #tpu.memory_space<vmem>> -> memref<64xi32, #tpu.memory_space<vmem>>
    %dma_wait3A_1034 = arith.constant 0 : i32
    %dma_wait3A_1035 = arith.constant 0 : i32
    %dma_wait3A_1036 = tpu.memref_slice %arg4[%dma_wait3A_1034, %dma_wait3A_1035] : memref<86016x448xf32, #tpu.memory_space<hbm>> -> memref<86016x448xf32, #tpu.memory_space<hbm>>
    tpu.wait_indirect_dma semaphore(%arg17 : memref<!tpu.dma_semaphore, #tpu.memory_space<semaphore_mem>>) src(%arg8 : memref<64x448xf32, #tpu.memory_space<vmem>>) dst(%dma_wait3A_1036 : memref<86016x448xf32, #tpu.memory_space<hbm>>)
    %dma_start3A_1037 = arith.constant 32 : i32
    %dma_start3A_1038 = arith.constant 32 : i32
    %dma_start3A_1039 = tpu.memref_slice %arg2[%add3A_24, %dma_start3A_1037, %dma_start3A_1038] : memref<192x512x512xf32, #tpu.memory_space<hbm>> -> memref<1x64x448xf32, #tpu.memory_space<hbm>>
    %dma_start3A_1040 = tpu.memref_squeeze %dma_start3A_1039 : memref<1x64x448xf32, #tpu.memory_space<hbm>> -> memref<64x448xf32, #tpu.memory_space<hbm>>
    %dma_start3A_1041 = arith.constant 32 : i32
    %dma_start3A_1042 = arith.constant 32 : i32
    %dma_start3A_1043 = tpu.memref_slice %arg2[%add3A_24, %dma_start3A_1041, %dma_start3A_1042] : memref<192x512x512xf32, #tpu.memory_space<hbm>> -> memref<1x64x448xf32, #tpu.memory_space<hbm>>
    %dma_start3A_1044 = tpu.memref_squeeze %dma_start3A_1043 : memref<1x64x448xf32, #tpu.memory_space<hbm>> -> memref<64x448xf32, #tpu.memory_space<hbm>>
    tpu.enqueue_dma source(%dma_start3A_1044 : memref<64x448xf32, #tpu.memory_space<hbm>>) target(%arg8 : memref<64x448xf32, #tpu.memory_space<vmem>>) target_semaphore(%arg13 : memref<!tpu.dma_semaphore, #tpu.memory_space<semaphore_mem>>)
    %dma_wait3A_1045 = arith.constant 416 : i32
    %dma_wait3A_1046 = arith.constant 32 : i32
    %dma_wait3A_1047 = tpu.memref_slice %arg2[%add3A_20, %dma_wait3A_1045, %dma_wait3A_1046] : memref<192x512x512xf32, #tpu.memory_space<hbm>> -> memref<1x64x448xf32, #tpu.memory_space<hbm>>
    %dma_wait3A_1048 = tpu.memref_squeeze %dma_wait3A_1047 : memref<1x64x448xf32, #tpu.memory_space<hbm>> -> memref<64x448xf32, #tpu.memory_space<hbm>>
    %dma_wait3A_1049 = arith.constant 416 : i32
    %dma_wait3A_1050 = arith.constant 32 : i32
    %dma_wait3A_1051 = tpu.memref_slice %arg2[%add3A_20, %dma_wait3A_1049, %dma_wait3A_1050] : memref<192x512x512xf32, #tpu.memory_space<hbm>> -> memref<1x64x448xf32, #tpu.memory_space<hbm>>
    %dma_wait3A_1052 = tpu.memref_squeeze %dma_wait3A_1051 : memref<1x64x448xf32, #tpu.memory_space<hbm>> -> memref<64x448xf32, #tpu.memory_space<hbm>>
    tpu.wait_dma2 semaphore(%arg12 : memref<!tpu.dma_semaphore, #tpu.memory_space<semaphore_mem>>) src(%dma_wait3A_1052 : memref<64x448xf32, #tpu.memory_space<hbm>>) dst(%arg7 : memref<64x448xf32, #tpu.memory_space<vmem>>)
    %dma_start3A_1053 = arith.constant 34 : i32
    %dma_start3A_1054 = arith.constant 0 : i32
    %dma_start3A_1055 = tpu.memref_slice %arg9[%dma_start3A_1053, %dma_start3A_1054] : memref<42x64xi32, #tpu.memory_space<vmem>> -> memref<1x64xi32, #tpu.memory_space<vmem>>
    %dma_start3A_1056 = tpu.memref_squeeze %dma_start3A_1055 : memref<1x64xi32, #tpu.memory_space<vmem>> -> memref<64xi32, #tpu.memory_space<vmem>>
    %dma_start3A_1057 = arith.constant 0 : i32
    %dma_start3A_1058 = arith.constant 0 : i32
    %dma_start3A_1059 = tpu.memref_slice %arg4[%dma_start3A_1057, %dma_start3A_1058] : memref<86016x448xf32, #tpu.memory_space<hbm>> -> memref<86016x448xf32, #tpu.memory_space<hbm>>
    tpu.enqueue_indirect_dma source(%arg7 : memref<64x448xf32, #tpu.memory_space<vmem>>) target(%dma_start3A_1059 : memref<86016x448xf32, #tpu.memory_space<hbm>>) offsets(%dma_start3A_1056 : memref<64xi32, #tpu.memory_space<vmem>>) semaphore(%arg16 : memref<!tpu.dma_semaphore, #tpu.memory_space<semaphore_mem>>)
    %dma_wait3A_1060 = arith.constant 32 : i32
    %dma_wait3A_1061 = arith.constant 0 : i32
    %dma_wait3A_1062 = tpu.memref_slice %arg9[%dma_wait3A_1060, %dma_wait3A_1061] : memref<42x64xi32, #tpu.memory_space<vmem>> -> memref<1x64xi32, #tpu.memory_space<vmem>>
    %dma_wait3A_1063 = tpu.memref_squeeze %dma_wait3A_1062 : memref<1x64xi32, #tpu.memory_space<vmem>> -> memref<64xi32, #tpu.memory_space<vmem>>
    %dma_wait3A_1064 = arith.constant 0 : i32
    %dma_wait3A_1065 = arith.constant 0 : i32
    %dma_wait3A_1066 = tpu.memref_slice %arg4[%dma_wait3A_1064, %dma_wait3A_1065] : memref<86016x448xf32, #tpu.memory_space<hbm>> -> memref<86016x448xf32, #tpu.memory_space<hbm>>
    tpu.wait_indirect_dma semaphore(%arg14 : memref<!tpu.dma_semaphore, #tpu.memory_space<semaphore_mem>>) src(%arg5 : memref<64x448xf32, #tpu.memory_space<vmem>>) dst(%dma_wait3A_1066 : memref<86016x448xf32, #tpu.memory_space<hbm>>)
    %dma_start3A_1067 = arith.constant 96 : i32
    %dma_start3A_1068 = arith.constant 32 : i32
    %dma_start3A_1069 = tpu.memref_slice %arg2[%add3A_24, %dma_start3A_1067, %dma_start3A_1068] : memref<192x512x512xf32, #tpu.memory_space<hbm>> -> memref<1x64x448xf32, #tpu.memory_space<hbm>>
    %dma_start3A_1070 = tpu.memref_squeeze %dma_start3A_1069 : memref<1x64x448xf32, #tpu.memory_space<hbm>> -> memref<64x448xf32, #tpu.memory_space<hbm>>
    %dma_start3A_1071 = arith.constant 96 : i32
    %dma_start3A_1072 = arith.constant 32 : i32
    %dma_start3A_1073 = tpu.memref_slice %arg2[%add3A_24, %dma_start3A_1071, %dma_start3A_1072] : memref<192x512x512xf32, #tpu.memory_space<hbm>> -> memref<1x64x448xf32, #tpu.memory_space<hbm>>
    %dma_start3A_1074 = tpu.memref_squeeze %dma_start3A_1073 : memref<1x64x448xf32, #tpu.memory_space<hbm>> -> memref<64x448xf32, #tpu.memory_space<hbm>>
    tpu.enqueue_dma source(%dma_start3A_1074 : memref<64x448xf32, #tpu.memory_space<hbm>>) target(%arg5 : memref<64x448xf32, #tpu.memory_space<vmem>>) target_semaphore(%arg10 : memref<!tpu.dma_semaphore, #tpu.memory_space<semaphore_mem>>)
    %dma_wait3A_1075 = arith.constant 32 : i32
    %dma_wait3A_1076 = arith.constant 32 : i32
    %dma_wait3A_1077 = tpu.memref_slice %arg2[%add3A_24, %dma_wait3A_1075, %dma_wait3A_1076] : memref<192x512x512xf32, #tpu.memory_space<hbm>> -> memref<1x64x448xf32, #tpu.memory_space<hbm>>
    %dma_wait3A_1078 = tpu.memref_squeeze %dma_wait3A_1077 : memref<1x64x448xf32, #tpu.memory_space<hbm>> -> memref<64x448xf32, #tpu.memory_space<hbm>>
    %dma_wait3A_1079 = arith.constant 32 : i32
    %dma_wait3A_1080 = arith.constant 32 : i32
    %dma_wait3A_1081 = tpu.memref_slice %arg2[%add3A_24, %dma_wait3A_1079, %dma_wait3A_1080] : memref<192x512x512xf32, #tpu.memory_space<hbm>> -> memref<1x64x448xf32, #tpu.memory_space<hbm>>
    %dma_wait3A_1082 = tpu.memref_squeeze %dma_wait3A_1081 : memref<1x64x448xf32, #tpu.memory_space<hbm>> -> memref<64x448xf32, #tpu.memory_space<hbm>>
    tpu.wait_dma2 semaphore(%arg13 : memref<!tpu.dma_semaphore, #tpu.memory_space<semaphore_mem>>) src(%dma_wait3A_1082 : memref<64x448xf32, #tpu.memory_space<hbm>>) dst(%arg8 : memref<64x448xf32, #tpu.memory_space<vmem>>)
    %dma_start3A_1083 = arith.constant 35 : i32
    %dma_start3A_1084 = arith.constant 0 : i32
    %dma_start3A_1085 = tpu.memref_slice %arg9[%dma_start3A_1083, %dma_start3A_1084] : memref<42x64xi32, #tpu.memory_space<vmem>> -> memref<1x64xi32, #tpu.memory_space<vmem>>
    %dma_start3A_1086 = tpu.memref_squeeze %dma_start3A_1085 : memref<1x64xi32, #tpu.memory_space<vmem>> -> memref<64xi32, #tpu.memory_space<vmem>>
    %dma_start3A_1087 = arith.constant 0 : i32
    %dma_start3A_1088 = arith.constant 0 : i32
    %dma_start3A_1089 = tpu.memref_slice %arg4[%dma_start3A_1087, %dma_start3A_1088] : memref<86016x448xf32, #tpu.memory_space<hbm>> -> memref<86016x448xf32, #tpu.memory_space<hbm>>
    tpu.enqueue_indirect_dma source(%arg8 : memref<64x448xf32, #tpu.memory_space<vmem>>) target(%dma_start3A_1089 : memref<86016x448xf32, #tpu.memory_space<hbm>>) offsets(%dma_start3A_1086 : memref<64xi32, #tpu.memory_space<vmem>>) semaphore(%arg17 : memref<!tpu.dma_semaphore, #tpu.memory_space<semaphore_mem>>)
    %dma_wait3A_1090 = arith.constant 33 : i32
    %dma_wait3A_1091 = arith.constant 0 : i32
    %dma_wait3A_1092 = tpu.memref_slice %arg9[%dma_wait3A_1090, %dma_wait3A_1091] : memref<42x64xi32, #tpu.memory_space<vmem>> -> memref<1x64xi32, #tpu.memory_space<vmem>>
    %dma_wait3A_1093 = tpu.memref_squeeze %dma_wait3A_1092 : memref<1x64xi32, #tpu.memory_space<vmem>> -> memref<64xi32, #tpu.memory_space<vmem>>
    %dma_wait3A_1094 = arith.constant 0 : i32
    %dma_wait3A_1095 = arith.constant 0 : i32
    %dma_wait3A_1096 = tpu.memref_slice %arg4[%dma_wait3A_1094, %dma_wait3A_1095] : memref<86016x448xf32, #tpu.memory_space<hbm>> -> memref<86016x448xf32, #tpu.memory_space<hbm>>
    tpu.wait_indirect_dma semaphore(%arg15 : memref<!tpu.dma_semaphore, #tpu.memory_space<semaphore_mem>>) src(%arg6 : memref<64x448xf32, #tpu.memory_space<vmem>>) dst(%dma_wait3A_1096 : memref<86016x448xf32, #tpu.memory_space<hbm>>)
    %dma_start3A_1097 = arith.constant 160 : i32
    %dma_start3A_1098 = arith.constant 32 : i32
    %dma_start3A_1099 = tpu.memref_slice %arg2[%add3A_24, %dma_start3A_1097, %dma_start3A_1098] : memref<192x512x512xf32, #tpu.memory_space<hbm>> -> memref<1x64x448xf32, #tpu.memory_space<hbm>>
    %dma_start3A_1100 = tpu.memref_squeeze %dma_start3A_1099 : memref<1x64x448xf32, #tpu.memory_space<hbm>> -> memref<64x448xf32, #tpu.memory_space<hbm>>
    %dma_start3A_1101 = arith.constant 160 : i32
    %dma_start3A_1102 = arith.constant 32 : i32
    %dma_start3A_1103 = tpu.memref_slice %arg2[%add3A_24, %dma_start3A_1101, %dma_start3A_1102] : memref<192x512x512xf32, #tpu.memory_space<hbm>> -> memref<1x64x448xf32, #tpu.memory_space<hbm>>
    %dma_start3A_1104 = tpu.memref_squeeze %dma_start3A_1103 : memref<1x64x448xf32, #tpu.memory_space<hbm>> -> memref<64x448xf32, #tpu.memory_space<hbm>>
    tpu.enqueue_dma source(%dma_start3A_1104 : memref<64x448xf32, #tpu.memory_space<hbm>>) target(%arg6 : memref<64x448xf32, #tpu.memory_space<vmem>>) target_semaphore(%arg11 : memref<!tpu.dma_semaphore, #tpu.memory_space<semaphore_mem>>)
    %dma_wait3A_1105 = arith.constant 96 : i32
    %dma_wait3A_1106 = arith.constant 32 : i32
    %dma_wait3A_1107 = tpu.memref_slice %arg2[%add3A_24, %dma_wait3A_1105, %dma_wait3A_1106] : memref<192x512x512xf32, #tpu.memory_space<hbm>> -> memref<1x64x448xf32, #tpu.memory_space<hbm>>
    %dma_wait3A_1108 = tpu.memref_squeeze %dma_wait3A_1107 : memref<1x64x448xf32, #tpu.memory_space<hbm>> -> memref<64x448xf32, #tpu.memory_space<hbm>>
    %dma_wait3A_1109 = arith.constant 96 : i32
    %dma_wait3A_1110 = arith.constant 32 : i32
    %dma_wait3A_1111 = tpu.memref_slice %arg2[%add3A_24, %dma_wait3A_1109, %dma_wait3A_1110] : memref<192x512x512xf32, #tpu.memory_space<hbm>> -> memref<1x64x448xf32, #tpu.memory_space<hbm>>
    %dma_wait3A_1112 = tpu.memref_squeeze %dma_wait3A_1111 : memref<1x64x448xf32, #tpu.memory_space<hbm>> -> memref<64x448xf32, #tpu.memory_space<hbm>>
    tpu.wait_dma2 semaphore(%arg10 : memref<!tpu.dma_semaphore, #tpu.memory_space<semaphore_mem>>) src(%dma_wait3A_1112 : memref<64x448xf32, #tpu.memory_space<hbm>>) dst(%arg5 : memref<64x448xf32, #tpu.memory_space<vmem>>)
    %dma_start3A_1113 = arith.constant 36 : i32
    %dma_start3A_1114 = arith.constant 0 : i32
    %dma_start3A_1115 = tpu.memref_slice %arg9[%dma_start3A_1113, %dma_start3A_1114] : memref<42x64xi32, #tpu.memory_space<vmem>> -> memref<1x64xi32, #tpu.memory_space<vmem>>
    %dma_start3A_1116 = tpu.memref_squeeze %dma_start3A_1115 : memref<1x64xi32, #tpu.memory_space<vmem>> -> memref<64xi32, #tpu.memory_space<vmem>>
    %dma_start3A_1117 = arith.constant 0 : i32
    %dma_start3A_1118 = arith.constant 0 : i32
    %dma_start3A_1119 = tpu.memref_slice %arg4[%dma_start3A_1117, %dma_start3A_1118] : memref<86016x448xf32, #tpu.memory_space<hbm>> -> memref<86016x448xf32, #tpu.memory_space<hbm>>
    tpu.enqueue_indirect_dma source(%arg5 : memref<64x448xf32, #tpu.memory_space<vmem>>) target(%dma_start3A_1119 : memref<86016x448xf32, #tpu.memory_space<hbm>>) offsets(%dma_start3A_1116 : memref<64xi32, #tpu.memory_space<vmem>>) semaphore(%arg14 : memref<!tpu.dma_semaphore, #tpu.memory_space<semaphore_mem>>)
    %dma_wait3A_1120 = arith.constant 34 : i32
    %dma_wait3A_1121 = arith.constant 0 : i32
    %dma_wait3A_1122 = tpu.memref_slice %arg9[%dma_wait3A_1120, %dma_wait3A_1121] : memref<42x64xi32, #tpu.memory_space<vmem>> -> memref<1x64xi32, #tpu.memory_space<vmem>>
    %dma_wait3A_1123 = tpu.memref_squeeze %dma_wait3A_1122 : memref<1x64xi32, #tpu.memory_space<vmem>> -> memref<64xi32, #tpu.memory_space<vmem>>
    %dma_wait3A_1124 = arith.constant 0 : i32
    %dma_wait3A_1125 = arith.constant 0 : i32
    %dma_wait3A_1126 = tpu.memref_slice %arg4[%dma_wait3A_1124, %dma_wait3A_1125] : memref<86016x448xf32, #tpu.memory_space<hbm>> -> memref<86016x448xf32, #tpu.memory_space<hbm>>
    tpu.wait_indirect_dma semaphore(%arg16 : memref<!tpu.dma_semaphore, #tpu.memory_space<semaphore_mem>>) src(%arg7 : memref<64x448xf32, #tpu.memory_space<vmem>>) dst(%dma_wait3A_1126 : memref<86016x448xf32, #tpu.memory_space<hbm>>)
    %dma_start3A_1127 = arith.constant 224 : i32
    %dma_start3A_1128 = arith.constant 32 : i32
    %dma_start3A_1129 = tpu.memref_slice %arg2[%add3A_24, %dma_start3A_1127, %dma_start3A_1128] : memref<192x512x512xf32, #tpu.memory_space<hbm>> -> memref<1x64x448xf32, #tpu.memory_space<hbm>>
    %dma_start3A_1130 = tpu.memref_squeeze %dma_start3A_1129 : memref<1x64x448xf32, #tpu.memory_space<hbm>> -> memref<64x448xf32, #tpu.memory_space<hbm>>
    %dma_start3A_1131 = arith.constant 224 : i32
    %dma_start3A_1132 = arith.constant 32 : i32
    %dma_start3A_1133 = tpu.memref_slice %arg2[%add3A_24, %dma_start3A_1131, %dma_start3A_1132] : memref<192x512x512xf32, #tpu.memory_space<hbm>> -> memref<1x64x448xf32, #tpu.memory_space<hbm>>
    %dma_start3A_1134 = tpu.memref_squeeze %dma_start3A_1133 : memref<1x64x448xf32, #tpu.memory_space<hbm>> -> memref<64x448xf32, #tpu.memory_space<hbm>>
    tpu.enqueue_dma source(%dma_start3A_1134 : memref<64x448xf32, #tpu.memory_space<hbm>>) target(%arg7 : memref<64x448xf32, #tpu.memory_space<vmem>>) target_semaphore(%arg12 : memref<!tpu.dma_semaphore, #tpu.memory_space<semaphore_mem>>)
    %dma_wait3A_1135 = arith.constant 160 : i32
    %dma_wait3A_1136 = arith.constant 32 : i32
    %dma_wait3A_1137 = tpu.memref_slice %arg2[%add3A_24, %dma_wait3A_1135, %dma_wait3A_1136] : memref<192x512x512xf32, #tpu.memory_space<hbm>> -> memref<1x64x448xf32, #tpu.memory_space<hbm>>
    %dma_wait3A_1138 = tpu.memref_squeeze %dma_wait3A_1137 : memref<1x64x448xf32, #tpu.memory_space<hbm>> -> memref<64x448xf32, #tpu.memory_space<hbm>>
    %dma_wait3A_1139 = arith.constant 160 : i32
    %dma_wait3A_1140 = arith.constant 32 : i32
    %dma_wait3A_1141 = tpu.memref_slice %arg2[%add3A_24, %dma_wait3A_1139, %dma_wait3A_1140] : memref<192x512x512xf32, #tpu.memory_space<hbm>> -> memref<1x64x448xf32, #tpu.memory_space<hbm>>
    %dma_wait3A_1142 = tpu.memref_squeeze %dma_wait3A_1141 : memref<1x64x448xf32, #tpu.memory_space<hbm>> -> memref<64x448xf32, #tpu.memory_space<hbm>>
    tpu.wait_dma2 semaphore(%arg11 : memref<!tpu.dma_semaphore, #tpu.memory_space<semaphore_mem>>) src(%dma_wait3A_1142 : memref<64x448xf32, #tpu.memory_space<hbm>>) dst(%arg6 : memref<64x448xf32, #tpu.memory_space<vmem>>)
    %dma_start3A_1143 = arith.constant 37 : i32
    %dma_start3A_1144 = arith.constant 0 : i32
    %dma_start3A_1145 = tpu.memref_slice %arg9[%dma_start3A_1143, %dma_start3A_1144] : memref<42x64xi32, #tpu.memory_space<vmem>> -> memref<1x64xi32, #tpu.memory_space<vmem>>
    %dma_start3A_1146 = tpu.memref_squeeze %dma_start3A_1145 : memref<1x64xi32, #tpu.memory_space<vmem>> -> memref<64xi32, #tpu.memory_space<vmem>>
    %dma_start3A_1147 = arith.constant 0 : i32
    %dma_start3A_1148 = arith.constant 0 : i32
    %dma_start3A_1149 = tpu.memref_slice %arg4[%dma_start3A_1147, %dma_start3A_1148] : memref<86016x448xf32, #tpu.memory_space<hbm>> -> memref<86016x448xf32, #tpu.memory_space<hbm>>
    tpu.enqueue_indirect_dma source(%arg6 : memref<64x448xf32, #tpu.memory_space<vmem>>) target(%dma_start3A_1149 : memref<86016x448xf32, #tpu.memory_space<hbm>>) offsets(%dma_start3A_1146 : memref<64xi32, #tpu.memory_space<vmem>>) semaphore(%arg15 : memref<!tpu.dma_semaphore, #tpu.memory_space<semaphore_mem>>)
    %dma_wait3A_1150 = arith.constant 35 : i32
    %dma_wait3A_1151 = arith.constant 0 : i32
    %dma_wait3A_1152 = tpu.memref_slice %arg9[%dma_wait3A_1150, %dma_wait3A_1151] : memref<42x64xi32, #tpu.memory_space<vmem>> -> memref<1x64xi32, #tpu.memory_space<vmem>>
    %dma_wait3A_1153 = tpu.memref_squeeze %dma_wait3A_1152 : memref<1x64xi32, #tpu.memory_space<vmem>> -> memref<64xi32, #tpu.memory_space<vmem>>
    %dma_wait3A_1154 = arith.constant 0 : i32
    %dma_wait3A_1155 = arith.constant 0 : i32
    %dma_wait3A_1156 = tpu.memref_slice %arg4[%dma_wait3A_1154, %dma_wait3A_1155] : memref<86016x448xf32, #tpu.memory_space<hbm>> -> memref<86016x448xf32, #tpu.memory_space<hbm>>
    tpu.wait_indirect_dma semaphore(%arg17 : memref<!tpu.dma_semaphore, #tpu.memory_space<semaphore_mem>>) src(%arg8 : memref<64x448xf32, #tpu.memory_space<vmem>>) dst(%dma_wait3A_1156 : memref<86016x448xf32, #tpu.memory_space<hbm>>)
    %dma_start3A_1157 = arith.constant 288 : i32
    %dma_start3A_1158 = arith.constant 32 : i32
    %dma_start3A_1159 = tpu.memref_slice %arg2[%add3A_24, %dma_start3A_1157, %dma_start3A_1158] : memref<192x512x512xf32, #tpu.memory_space<hbm>> -> memref<1x64x448xf32, #tpu.memory_space<hbm>>
    %dma_start3A_1160 = tpu.memref_squeeze %dma_start3A_1159 : memref<1x64x448xf32, #tpu.memory_space<hbm>> -> memref<64x448xf32, #tpu.memory_space<hbm>>
    %dma_start3A_1161 = arith.constant 288 : i32
    %dma_start3A_1162 = arith.constant 32 : i32
    %dma_start3A_1163 = tpu.memref_slice %arg2[%add3A_24, %dma_start3A_1161, %dma_start3A_1162] : memref<192x512x512xf32, #tpu.memory_space<hbm>> -> memref<1x64x448xf32, #tpu.memory_space<hbm>>
    %dma_start3A_1164 = tpu.memref_squeeze %dma_start3A_1163 : memref<1x64x448xf32, #tpu.memory_space<hbm>> -> memref<64x448xf32, #tpu.memory_space<hbm>>
    tpu.enqueue_dma source(%dma_start3A_1164 : memref<64x448xf32, #tpu.memory_space<hbm>>) target(%arg8 : memref<64x448xf32, #tpu.memory_space<vmem>>) target_semaphore(%arg13 : memref<!tpu.dma_semaphore, #tpu.memory_space<semaphore_mem>>)
    %dma_wait3A_1165 = arith.constant 224 : i32
    %dma_wait3A_1166 = arith.constant 32 : i32
    %dma_wait3A_1167 = tpu.memref_slice %arg2[%add3A_24, %dma_wait3A_1165, %dma_wait3A_1166] : memref<192x512x512xf32, #tpu.memory_space<hbm>> -> memref<1x64x448xf32, #tpu.memory_space<hbm>>
    %dma_wait3A_1168 = tpu.memref_squeeze %dma_wait3A_1167 : memref<1x64x448xf32, #tpu.memory_space<hbm>> -> memref<64x448xf32, #tpu.memory_space<hbm>>
    %dma_wait3A_1169 = arith.constant 224 : i32
    %dma_wait3A_1170 = arith.constant 32 : i32
    %dma_wait3A_1171 = tpu.memref_slice %arg2[%add3A_24, %dma_wait3A_1169, %dma_wait3A_1170] : memref<192x512x512xf32, #tpu.memory_space<hbm>> -> memref<1x64x448xf32, #tpu.memory_space<hbm>>
    %dma_wait3A_1172 = tpu.memref_squeeze %dma_wait3A_1171 : memref<1x64x448xf32, #tpu.memory_space<hbm>> -> memref<64x448xf32, #tpu.memory_space<hbm>>
    tpu.wait_dma2 semaphore(%arg12 : memref<!tpu.dma_semaphore, #tpu.memory_space<semaphore_mem>>) src(%dma_wait3A_1172 : memref<64x448xf32, #tpu.memory_space<hbm>>) dst(%arg7 : memref<64x448xf32, #tpu.memory_space<vmem>>)
    %dma_start3A_1173 = arith.constant 38 : i32
    %dma_start3A_1174 = arith.constant 0 : i32
    %dma_start3A_1175 = tpu.memref_slice %arg9[%dma_start3A_1173, %dma_start3A_1174] : memref<42x64xi32, #tpu.memory_space<vmem>> -> memref<1x64xi32, #tpu.memory_space<vmem>>
    %dma_start3A_1176 = tpu.memref_squeeze %dma_start3A_1175 : memref<1x64xi32, #tpu.memory_space<vmem>> -> memref<64xi32, #tpu.memory_space<vmem>>
    %dma_start3A_1177 = arith.constant 0 : i32
    %dma_start3A_1178 = arith.constant 0 : i32
    %dma_start3A_1179 = tpu.memref_slice %arg4[%dma_start3A_1177, %dma_start3A_1178] : memref<86016x448xf32, #tpu.memory_space<hbm>> -> memref<86016x448xf32, #tpu.memory_space<hbm>>
    tpu.enqueue_indirect_dma source(%arg7 : memref<64x448xf32, #tpu.memory_space<vmem>>) target(%dma_start3A_1179 : memref<86016x448xf32, #tpu.memory_space<hbm>>) offsets(%dma_start3A_1176 : memref<64xi32, #tpu.memory_space<vmem>>) semaphore(%arg16 : memref<!tpu.dma_semaphore, #tpu.memory_space<semaphore_mem>>)
    %dma_wait3A_1180 = arith.constant 36 : i32
    %dma_wait3A_1181 = arith.constant 0 : i32
    %dma_wait3A_1182 = tpu.memref_slice %arg9[%dma_wait3A_1180, %dma_wait3A_1181] : memref<42x64xi32, #tpu.memory_space<vmem>> -> memref<1x64xi32, #tpu.memory_space<vmem>>
    %dma_wait3A_1183 = tpu.memref_squeeze %dma_wait3A_1182 : memref<1x64xi32, #tpu.memory_space<vmem>> -> memref<64xi32, #tpu.memory_space<vmem>>
    %dma_wait3A_1184 = arith.constant 0 : i32
    %dma_wait3A_1185 = arith.constant 0 : i32
    %dma_wait3A_1186 = tpu.memref_slice %arg4[%dma_wait3A_1184, %dma_wait3A_1185] : memref<86016x448xf32, #tpu.memory_space<hbm>> -> memref<86016x448xf32, #tpu.memory_space<hbm>>
    tpu.wait_indirect_dma semaphore(%arg14 : memref<!tpu.dma_semaphore, #tpu.memory_space<semaphore_mem>>) src(%arg5 : memref<64x448xf32, #tpu.memory_space<vmem>>) dst(%dma_wait3A_1186 : memref<86016x448xf32, #tpu.memory_space<hbm>>)
    %dma_start3A_1187 = arith.constant 352 : i32
    %dma_start3A_1188 = arith.constant 32 : i32
    %dma_start3A_1189 = tpu.memref_slice %arg2[%add3A_24, %dma_start3A_1187, %dma_start3A_1188] : memref<192x512x512xf32, #tpu.memory_space<hbm>> -> memref<1x64x448xf32, #tpu.memory_space<hbm>>
    %dma_start3A_1190 = tpu.memref_squeeze %dma_start3A_1189 : memref<1x64x448xf32, #tpu.memory_space<hbm>> -> memref<64x448xf32, #tpu.memory_space<hbm>>
    %dma_start3A_1191 = arith.constant 352 : i32
    %dma_start3A_1192 = arith.constant 32 : i32
    %dma_start3A_1193 = tpu.memref_slice %arg2[%add3A_24, %dma_start3A_1191, %dma_start3A_1192] : memref<192x512x512xf32, #tpu.memory_space<hbm>> -> memref<1x64x448xf32, #tpu.memory_space<hbm>>
    %dma_start3A_1194 = tpu.memref_squeeze %dma_start3A_1193 : memref<1x64x448xf32, #tpu.memory_space<hbm>> -> memref<64x448xf32, #tpu.memory_space<hbm>>
    tpu.enqueue_dma source(%dma_start3A_1194 : memref<64x448xf32, #tpu.memory_space<hbm>>) target(%arg5 : memref<64x448xf32, #tpu.memory_space<vmem>>) target_semaphore(%arg10 : memref<!tpu.dma_semaphore, #tpu.memory_space<semaphore_mem>>)
    %dma_wait3A_1195 = arith.constant 288 : i32
    %dma_wait3A_1196 = arith.constant 32 : i32
    %dma_wait3A_1197 = tpu.memref_slice %arg2[%add3A_24, %dma_wait3A_1195, %dma_wait3A_1196] : memref<192x512x512xf32, #tpu.memory_space<hbm>> -> memref<1x64x448xf32, #tpu.memory_space<hbm>>
    %dma_wait3A_1198 = tpu.memref_squeeze %dma_wait3A_1197 : memref<1x64x448xf32, #tpu.memory_space<hbm>> -> memref<64x448xf32, #tpu.memory_space<hbm>>
    %dma_wait3A_1199 = arith.constant 288 : i32
    %dma_wait3A_1200 = arith.constant 32 : i32
    %dma_wait3A_1201 = tpu.memref_slice %arg2[%add3A_24, %dma_wait3A_1199, %dma_wait3A_1200] : memref<192x512x512xf32, #tpu.memory_space<hbm>> -> memref<1x64x448xf32, #tpu.memory_space<hbm>>
    %dma_wait3A_1202 = tpu.memref_squeeze %dma_wait3A_1201 : memref<1x64x448xf32, #tpu.memory_space<hbm>> -> memref<64x448xf32, #tpu.memory_space<hbm>>
    tpu.wait_dma2 semaphore(%arg13 : memref<!tpu.dma_semaphore, #tpu.memory_space<semaphore_mem>>) src(%dma_wait3A_1202 : memref<64x448xf32, #tpu.memory_space<hbm>>) dst(%arg8 : memref<64x448xf32, #tpu.memory_space<vmem>>)
    %dma_start3A_1203 = arith.constant 39 : i32
    %dma_start3A_1204 = arith.constant 0 : i32
    %dma_start3A_1205 = tpu.memref_slice %arg9[%dma_start3A_1203, %dma_start3A_1204] : memref<42x64xi32, #tpu.memory_space<vmem>> -> memref<1x64xi32, #tpu.memory_space<vmem>>
    %dma_start3A_1206 = tpu.memref_squeeze %dma_start3A_1205 : memref<1x64xi32, #tpu.memory_space<vmem>> -> memref<64xi32, #tpu.memory_space<vmem>>
    %dma_start3A_1207 = arith.constant 0 : i32
    %dma_start3A_1208 = arith.constant 0 : i32
    %dma_start3A_1209 = tpu.memref_slice %arg4[%dma_start3A_1207, %dma_start3A_1208] : memref<86016x448xf32, #tpu.memory_space<hbm>> -> memref<86016x448xf32, #tpu.memory_space<hbm>>
    tpu.enqueue_indirect_dma source(%arg8 : memref<64x448xf32, #tpu.memory_space<vmem>>) target(%dma_start3A_1209 : memref<86016x448xf32, #tpu.memory_space<hbm>>) offsets(%dma_start3A_1206 : memref<64xi32, #tpu.memory_space<vmem>>) semaphore(%arg17 : memref<!tpu.dma_semaphore, #tpu.memory_space<semaphore_mem>>)
    %dma_wait3A_1210 = arith.constant 37 : i32
    %dma_wait3A_1211 = arith.constant 0 : i32
    %dma_wait3A_1212 = tpu.memref_slice %arg9[%dma_wait3A_1210, %dma_wait3A_1211] : memref<42x64xi32, #tpu.memory_space<vmem>> -> memref<1x64xi32, #tpu.memory_space<vmem>>
    %dma_wait3A_1213 = tpu.memref_squeeze %dma_wait3A_1212 : memref<1x64xi32, #tpu.memory_space<vmem>> -> memref<64xi32, #tpu.memory_space<vmem>>
    %dma_wait3A_1214 = arith.constant 0 : i32
    %dma_wait3A_1215 = arith.constant 0 : i32
    %dma_wait3A_1216 = tpu.memref_slice %arg4[%dma_wait3A_1214, %dma_wait3A_1215] : memref<86016x448xf32, #tpu.memory_space<hbm>> -> memref<86016x448xf32, #tpu.memory_space<hbm>>
    tpu.wait_indirect_dma semaphore(%arg15 : memref<!tpu.dma_semaphore, #tpu.memory_space<semaphore_mem>>) src(%arg6 : memref<64x448xf32, #tpu.memory_space<vmem>>) dst(%dma_wait3A_1216 : memref<86016x448xf32, #tpu.memory_space<hbm>>)
    %dma_start3A_1217 = arith.constant 416 : i32
    %dma_start3A_1218 = arith.constant 32 : i32
    %dma_start3A_1219 = tpu.memref_slice %arg2[%add3A_24, %dma_start3A_1217, %dma_start3A_1218] : memref<192x512x512xf32, #tpu.memory_space<hbm>> -> memref<1x64x448xf32, #tpu.memory_space<hbm>>
    %dma_start3A_1220 = tpu.memref_squeeze %dma_start3A_1219 : memref<1x64x448xf32, #tpu.memory_space<hbm>> -> memref<64x448xf32, #tpu.memory_space<hbm>>
    %dma_start3A_1221 = arith.constant 416 : i32
    %dma_start3A_1222 = arith.constant 32 : i32
    %dma_start3A_1223 = tpu.memref_slice %arg2[%add3A_24, %dma_start3A_1221, %dma_start3A_1222] : memref<192x512x512xf32, #tpu.memory_space<hbm>> -> memref<1x64x448xf32, #tpu.memory_space<hbm>>
    %dma_start3A_1224 = tpu.memref_squeeze %dma_start3A_1223 : memref<1x64x448xf32, #tpu.memory_space<hbm>> -> memref<64x448xf32, #tpu.memory_space<hbm>>
    tpu.enqueue_dma source(%dma_start3A_1224 : memref<64x448xf32, #tpu.memory_space<hbm>>) target(%arg6 : memref<64x448xf32, #tpu.memory_space<vmem>>) target_semaphore(%arg11 : memref<!tpu.dma_semaphore, #tpu.memory_space<semaphore_mem>>)
    %dma_wait3A_1225 = arith.constant 352 : i32
    %dma_wait3A_1226 = arith.constant 32 : i32
    %dma_wait3A_1227 = tpu.memref_slice %arg2[%add3A_24, %dma_wait3A_1225, %dma_wait3A_1226] : memref<192x512x512xf32, #tpu.memory_space<hbm>> -> memref<1x64x448xf32, #tpu.memory_space<hbm>>
    %dma_wait3A_1228 = tpu.memref_squeeze %dma_wait3A_1227 : memref<1x64x448xf32, #tpu.memory_space<hbm>> -> memref<64x448xf32, #tpu.memory_space<hbm>>
    %dma_wait3A_1229 = arith.constant 352 : i32
    %dma_wait3A_1230 = arith.constant 32 : i32
    %dma_wait3A_1231 = tpu.memref_slice %arg2[%add3A_24, %dma_wait3A_1229, %dma_wait3A_1230] : memref<192x512x512xf32, #tpu.memory_space<hbm>> -> memref<1x64x448xf32, #tpu.memory_space<hbm>>
    %dma_wait3A_1232 = tpu.memref_squeeze %dma_wait3A_1231 : memref<1x64x448xf32, #tpu.memory_space<hbm>> -> memref<64x448xf32, #tpu.memory_space<hbm>>
    tpu.wait_dma2 semaphore(%arg10 : memref<!tpu.dma_semaphore, #tpu.memory_space<semaphore_mem>>) src(%dma_wait3A_1232 : memref<64x448xf32, #tpu.memory_space<hbm>>) dst(%arg5 : memref<64x448xf32, #tpu.memory_space<vmem>>)
    %dma_start3A_1233 = arith.constant 40 : i32
    %dma_start3A_1234 = arith.constant 0 : i32
    %dma_start3A_1235 = tpu.memref_slice %arg9[%dma_start3A_1233, %dma_start3A_1234] : memref<42x64xi32, #tpu.memory_space<vmem>> -> memref<1x64xi32, #tpu.memory_space<vmem>>
    %dma_start3A_1236 = tpu.memref_squeeze %dma_start3A_1235 : memref<1x64xi32, #tpu.memory_space<vmem>> -> memref<64xi32, #tpu.memory_space<vmem>>
    %dma_start3A_1237 = arith.constant 0 : i32
    %dma_start3A_1238 = arith.constant 0 : i32
    %dma_start3A_1239 = tpu.memref_slice %arg4[%dma_start3A_1237, %dma_start3A_1238] : memref<86016x448xf32, #tpu.memory_space<hbm>> -> memref<86016x448xf32, #tpu.memory_space<hbm>>
    tpu.enqueue_indirect_dma source(%arg5 : memref<64x448xf32, #tpu.memory_space<vmem>>) target(%dma_start3A_1239 : memref<86016x448xf32, #tpu.memory_space<hbm>>) offsets(%dma_start3A_1236 : memref<64xi32, #tpu.memory_space<vmem>>) semaphore(%arg14 : memref<!tpu.dma_semaphore, #tpu.memory_space<semaphore_mem>>)
    %dma_wait3A_1240 = arith.constant 416 : i32
    %dma_wait3A_1241 = arith.constant 32 : i32
    %dma_wait3A_1242 = tpu.memref_slice %arg2[%add3A_24, %dma_wait3A_1240, %dma_wait3A_1241] : memref<192x512x512xf32, #tpu.memory_space<hbm>> -> memref<1x64x448xf32, #tpu.memory_space<hbm>>
    %dma_wait3A_1243 = tpu.memref_squeeze %dma_wait3A_1242 : memref<1x64x448xf32, #tpu.memory_space<hbm>> -> memref<64x448xf32, #tpu.memory_space<hbm>>
    %dma_wait3A_1244 = arith.constant 416 : i32
    %dma_wait3A_1245 = arith.constant 32 : i32
    %dma_wait3A_1246 = tpu.memref_slice %arg2[%add3A_24, %dma_wait3A_1244, %dma_wait3A_1245] : memref<192x512x512xf32, #tpu.memory_space<hbm>> -> memref<1x64x448xf32, #tpu.memory_space<hbm>>
    %dma_wait3A_1247 = tpu.memref_squeeze %dma_wait3A_1246 : memref<1x64x448xf32, #tpu.memory_space<hbm>> -> memref<64x448xf32, #tpu.memory_space<hbm>>
    tpu.wait_dma2 semaphore(%arg11 : memref<!tpu.dma_semaphore, #tpu.memory_space<semaphore_mem>>) src(%dma_wait3A_1247 : memref<64x448xf32, #tpu.memory_space<hbm>>) dst(%arg6 : memref<64x448xf32, #tpu.memory_space<vmem>>)
    %dma_start3A_1248 = arith.constant 41 : i32
    %dma_start3A_1249 = arith.constant 0 : i32
    %dma_start3A_1250 = tpu.memref_slice %arg9[%dma_start3A_1248, %dma_start3A_1249] : memref<42x64xi32, #tpu.memory_space<vmem>> -> memref<1x64xi32, #tpu.memory_space<vmem>>
    %dma_start3A_1251 = tpu.memref_squeeze %dma_start3A_1250 : memref<1x64xi32, #tpu.memory_space<vmem>> -> memref<64xi32, #tpu.memory_space<vmem>>
    %dma_start3A_1252 = arith.constant 0 : i32
    %dma_start3A_1253 = arith.constant 0 : i32
    %dma_start3A_1254 = tpu.memref_slice %arg4[%dma_start3A_1252, %dma_start3A_1253] : memref<86016x448xf32, #tpu.memory_space<hbm>> -> memref<86016x448xf32, #tpu.memory_space<hbm>>
    tpu.enqueue_indirect_dma source(%arg6 : memref<64x448xf32, #tpu.memory_space<vmem>>) target(%dma_start3A_1254 : memref<86016x448xf32, #tpu.memory_space<hbm>>) offsets(%dma_start3A_1251 : memref<64xi32, #tpu.memory_space<vmem>>) semaphore(%arg15 : memref<!tpu.dma_semaphore, #tpu.memory_space<semaphore_mem>>)
    %dma_wait3A_1255 = arith.constant 38 : i32
    %dma_wait3A_1256 = arith.constant 0 : i32
    %dma_wait3A_1257 = tpu.memref_slice %arg9[%dma_wait3A_1255, %dma_wait3A_1256] : memref<42x64xi32, #tpu.memory_space<vmem>> -> memref<1x64xi32, #tpu.memory_space<vmem>>
    %dma_wait3A_1258 = tpu.memref_squeeze %dma_wait3A_1257 : memref<1x64xi32, #tpu.memory_space<vmem>> -> memref<64xi32, #tpu.memory_space<vmem>>
    %dma_wait3A_1259 = arith.constant 0 : i32
    %dma_wait3A_1260 = arith.constant 0 : i32
    %dma_wait3A_1261 = tpu.memref_slice %arg4[%dma_wait3A_1259, %dma_wait3A_1260] : memref<86016x448xf32, #tpu.memory_space<hbm>> -> memref<86016x448xf32, #tpu.memory_space<hbm>>
    tpu.wait_indirect_dma semaphore(%arg16 : memref<!tpu.dma_semaphore, #tpu.memory_space<semaphore_mem>>) src(%arg7 : memref<64x448xf32, #tpu.memory_space<vmem>>) dst(%dma_wait3A_1261 : memref<86016x448xf32, #tpu.memory_space<hbm>>)
    %dma_wait3A_1262 = arith.constant 39 : i32
    %dma_wait3A_1263 = arith.constant 0 : i32
    %dma_wait3A_1264 = tpu.memref_slice %arg9[%dma_wait3A_1262, %dma_wait3A_1263] : memref<42x64xi32, #tpu.memory_space<vmem>> -> memref<1x64xi32, #tpu.memory_space<vmem>>
    %dma_wait3A_1265 = tpu.memref_squeeze %dma_wait3A_1264 : memref<1x64xi32, #tpu.memory_space<vmem>> -> memref<64xi32, #tpu.memory_space<vmem>>
    %dma_wait3A_1266 = arith.constant 0 : i32
    %dma_wait3A_1267 = arith.constant 0 : i32
    %dma_wait3A_1268 = tpu.memref_slice %arg4[%dma_wait3A_1266, %dma_wait3A_1267] : memref<86016x448xf32, #tpu.memory_space<hbm>> -> memref<86016x448xf32, #tpu.memory_space<hbm>>
    tpu.wait_indirect_dma semaphore(%arg17 : memref<!tpu.dma_semaphore, #tpu.memory_space<semaphore_mem>>) src(%arg8 : memref<64x448xf32, #tpu.memory_space<vmem>>) dst(%dma_wait3A_1268 : memref<86016x448xf32, #tpu.memory_space<hbm>>)
    %dma_wait3A_1269 = arith.constant 40 : i32
    %dma_wait3A_1270 = arith.constant 0 : i32
    %dma_wait3A_1271 = tpu.memref_slice %arg9[%dma_wait3A_1269, %dma_wait3A_1270] : memref<42x64xi32, #tpu.memory_space<vmem>> -> memref<1x64xi32, #tpu.memory_space<vmem>>
    %dma_wait3A_1272 = tpu.memref_squeeze %dma_wait3A_1271 : memref<1x64xi32, #tpu.memory_space<vmem>> -> memref<64xi32, #tpu.memory_space<vmem>>
    %dma_wait3A_1273 = arith.constant 0 : i32
    %dma_wait3A_1274 = arith.constant 0 : i32
    %dma_wait3A_1275 = tpu.memref_slice %arg4[%dma_wait3A_1273, %dma_wait3A_1274] : memref<86016x448xf32, #tpu.memory_space<hbm>> -> memref<86016x448xf32, #tpu.memory_space<hbm>>
    tpu.wait_indirect_dma semaphore(%arg14 : memref<!tpu.dma_semaphore, #tpu.memory_space<semaphore_mem>>) src(%arg5 : memref<64x448xf32, #tpu.memory_space<vmem>>) dst(%dma_wait3A_1275 : memref<86016x448xf32, #tpu.memory_space<hbm>>)
    %dma_wait3A_1276 = arith.constant 41 : i32
    %dma_wait3A_1277 = arith.constant 0 : i32
    %dma_wait3A_1278 = tpu.memref_slice %arg9[%dma_wait3A_1276, %dma_wait3A_1277] : memref<42x64xi32, #tpu.memory_space<vmem>> -> memref<1x64xi32, #tpu.memory_space<vmem>>
    %dma_wait3A_1279 = tpu.memref_squeeze %dma_wait3A_1278 : memref<1x64xi32, #tpu.memory_space<vmem>> -> memref<64xi32, #tpu.memory_space<vmem>>
    %dma_wait3A_1280 = arith.constant 0 : i32
    %dma_wait3A_1281 = arith.constant 0 : i32
    %dma_wait3A_1282 = tpu.memref_slice %arg4[%dma_wait3A_1280, %dma_wait3A_1281] : memref<86016x448xf32, #tpu.memory_space<hbm>> -> memref<86016x448xf32, #tpu.memory_space<hbm>>
    tpu.wait_indirect_dma semaphore(%arg15 : memref<!tpu.dma_semaphore, #tpu.memory_space<semaphore_mem>>) src(%arg6 : memref<64x448xf32, #tpu.memory_space<vmem>>) dst(%dma_wait3A_1282 : memref<86016x448xf32, #tpu.memory_space<hbm>>)
    return
  }
}

</mosaic_0001>

<sc_bundles>
// kernel: kernel.3.cloned.1.call-start
scs
__scs_entry_jumppad:
0x0: {  	(pc) =	sbr.rel $0x88, $3  }
0x1: {  	(tag) =	ssettag $0x0;
	lr =	simm.s32 $0x1  }
0x2: {  	[smem:$0x3FA0] =	sst lr;
	_ =	strace $0xD0000000  }
0x3: {  	_ = 	snop  }
0x4: {  	_ = 	snop  }
0x5: {  	_ = 	snop  }
0x6: {  	_ = 	snop  }
0x7: {  	_ = 	snop  }
__scs_overlays_trampoline_lowered:
0x8: {  	[smem:$0x3FAF] =	sst s0  }
0x9: {  	[smem:$0x3FB0] =	sst s1  }
0xa: {  	[smem:$0x3FB1] =	sst s2  }
0xb: {  	[smem:$0x3FB2] =	sst s3  }
0xc: {  	[smem:$0x3FB3] =	sst s4  }
0xd: {  	[smem:$0x3FB4] =	sst s5  }
0xe: {  	[smem:$0x3FB5] =	sst s6  }
0xf: {  	[smem:$0x3FB6] =	sst s7  }
0x10: {  	[smem:$0x3FB7] =	sst s8  }
0x11: {  	[smem:$0x3FB8] =	sst s9;
	s0 =	simm.s32 @!p0 $0x0  }
0x12: {  	s1 =	sld [smem:$0x3F9E];
	s0 =	simm.s32 @p0 $0x1  }
0x13: {  	[smem:$0x3FB9] =	sst s0;
	s0 =	simm.s32 @!p1 $0x0  }
0x14: {  	s2 =	sld [smem:$0x3F9D];
	s0 =	simm.s32 @p1 $0x1  }
0x15: {  	[smem:$0x3FBA] =	sst s0;
	s0 =	simm.s32 @!p2 $0x0  }
0x16: {  	s3 =	sld [smem:$0x3FDB];
	s0 =	simm.s32 @p2 $0x1  }
0x17: {  	s4 =	simm.s32 $0x1BF5;
	[smem:$0x3FBC] =	sst s0  }
0x18: {  	s0 =	sld [smem:$0x3F9F];
	_ =	swait.ge [sflag:s4], $0x0  }
0x19: {  	s7 =	sld [smem:$0x3FA0]  }
0x1a: {  	s8 =	sadd.s32 $0xFFFFE003, lr  }
0x1b: {  	s9 =	sadd.s32 $0xFFFFFEF7, lr;
	s5 =	simm.s32 $0xFFFFFFFF;
	p2 =	slt.u32 s8, $0xFFFFF086  }
0x1c: {  	p1 =	slt.u32 s9, $0xF7A;
	s5 =	simm.s32 @!p2 $0x0  }
0x1d: {  	s5 =	simm.s32 @p1 $0x1;
	p0 =	seq.s32 s7, s2  }
0x1e: {  	s7 =	smul.u32 @!p0 $0xF7A, s2;
	p2 =	seq.s32 @!p0 s5, $0x0  }
0x1f: {  	s9 =	smul.u32 $0xF7A, s1;
	s8 =	simm.s32 @!p0 $0x1BF5;
	p2 =	por !p2, p0  }
0x20: {  	[sflag:s8] =	ssyncset.s32 @!p0 $0xFFFFF086;
	s6 =	sadd.s32 @!p0 s3, s7;
	s7 =	simm.s32 @!p0 $0x108  }
0x21: {  	s3 =	sadd.s32 s3, s9;
	s6 =	sadd.s32 @!p0 $0x88, s6;
	s7 =	simm.s32 @p2 $0x1082  }
0x22: {  	[simem:s7], [sflag:s8] =	dma.local @!p0 [hbm:s6], $0xF7A  }
0x23: {  	s9 =	sor.u32 $0xD0000000, s2;
	s6 =	simm.s32 $0x108;
	_ =	swait.ge @!p0 [sflag:s8], $0x0  }
0x24: {  	s3 =	sadd.s32 $0x88, s3;
	s6 =	simm.s32 @!p1 $0x1082;
	[sflag:s4] =	ssyncset.s32 $0xFFFFF086  }
0x25: {  	[simem:s6], [sflag:s4] =	dma.local [hbm:s3], $0xF7A  }
0x26: {  	[smem:$0x3FA0] =	sst s1;
	(tag) =	ssettag s2;
	_ =	strace s9  }
0x27: {  	s1 =	sld [smem:$0x3FB0]  }
0x28: {  	s2 =	sld [smem:$0x3FB1]  }
0x29: {  	s4 =	sld [smem:$0x3FB3]  }
0x2a: {  	p0 =	seq.s32 s5, $0x0;
	s5 =	sld [smem:$0x3FB4]  }
0x2b: {  	s6 =	sld [smem:$0x3FB5]  }
0x2c: {  	s7 =	sld [smem:$0x3FB6]  }
0x2d: {  	s3 =	simm.s32 $0x108;
	s8 =	sld [smem:$0x3FB7]  }
0x2e: {  	s3 =	simm.s32 @!p0 $0x1082;
	s9 =	sld [smem:$0x3FB8]  }
0x2f: {  	lr =	sadd.s32 s0, s3;
	s0 =	sld [smem:$0x3FAF]  }
0x30: {  	s3 =	sld [smem:$0x3FB2]  }
0x31: {  	[smem:$0x3FBB] =	sst s10  }
0x32: {  	s10 =	sld [smem:$0x3FB9];
	_ =	sdelay $0x3  }
0x33: {  	p0 =	seq.s32 s10, $0x1;
	s10 =	sld [smem:$0x3FBB];
	_ =	sdelay $0x3  }
0x34: {  	[smem:$0x3FBB] =	sst s10  }
0x35: {  	s10 =	sld [smem:$0x3FBA];
	_ =	sdelay $0x3  }
0x36: {  	p1 =	seq.s32 s10, $0x1;
	s10 =	sld [smem:$0x3FBB];
	_ =	sdelay $0x3  }
0x37: {  	[smem:$0x3FBB] =	sst s10  }
0x38: {  	s10 =	sld [smem:$0x3FBC]  }
0x39: {  	_ = 	snop;
	(pc) =	sbr.ind lr, $3  }
0x3a: {  	_ = 	snop  }
0x3b: {  	_ = 	snop  }
0x3c: {  	p2 =	seq.s32 s10, $0x1;
	s10 =	sld [smem:$0x3FBB]  }
0x3d: {  	_ =	shalt  }
0x3e: {  	_ =	shalt  }
0x3f: {  	_ =	shalt  }
0x40: {  	_ =	shalt  }
0x41: {  	_ =	shalt  }
0x42: {  	_ =	shalt  }
0x43: {  	_ =	shalt  }
0x44: {  	_ =	shalt  }
0x45: {  	_ =	shalt  }
0x46: {  	_ =	shalt  }
0x47: {  	_ =	shalt  }
0x48: {  	_ =	shalt  }
0x49: {  	_ =	shalt  }
0x4a: {  	_ =	shalt  }
0x4b: {  	_ =	shalt  }
0x4c: {  	_ =	shalt  }
0x4d: {  	_ =	shalt  }
0x4e: {  	_ =	shalt  }
0x4f: {  	_ =	shalt  }
0x50: {  	_ =	shalt  }
0x51: {  	_ =	shalt  }
0x52: {  	_ =	shalt  }
0x53: {  	_ =	shalt  }
0x54: {  	_ =	shalt  }
0x55: {  	_ =	shalt  }
0x56: {  	_ =	shalt  }
0x57: {  	_ =	shalt  }
0x58: {  	_ =	shalt  }
0x59: {  	_ =	shalt  }
0x5a: {  	_ =	shalt  }
0x5b: {  	_ =	shalt  }
0x5c: {  	_ =	shalt  }
0x5d: {  	_ =	shalt  }
0x5e: {  	_ =	shalt  }
0x5f: {  	_ =	shalt  }
0x60: {  	_ =	shalt  }
0x61: {  	_ =	shalt  }
0x62: {  	_ =	shalt  }
0x63: {  	_ =	shalt  }
0x64: {  	_ =	shalt  }
0x65: {  	_ =	shalt  }
0x66: {  	_ =	shalt  }
0x67: {  	_ =	shalt  }
0x68: {  	_ =	shalt  }
0x69: {  	_ =	shalt  }
0x6a: {  	_ =	shalt  }
0x6b: {  	_ =	shalt  }
0x6c: {  	_ =	shalt  }
0x6d: {  	_ =	shalt  }
0x6e: {  	_ =	shalt  }
0x6f: {  	_ =	shalt  }
0x70: {  	_ =	shalt  }
0x71: {  	_ =	shalt  }
0x72: {  	_ =	shalt  }
0x73: {  	_ =	shalt  }
0x74: {  	_ =	shalt  }
0x75: {  	_ =	shalt  }
0x76: {  	_ =	shalt  }
0x77: {  	_ =	shalt  }
0x78: {  	_ =	shalt  }
0x79: {  	_ =	shalt  }
0x7a: {  	_ =	shalt  }
0x7b: {  	_ =	shalt  }
0x7c: {  	_ =	shalt  }
0x7d: {  	_ =	shalt  }
0x7e: {  	_ =	shalt  }
0x7f: {  	_ =	shalt  }
0x80: {  	_ =	shalt  }
0x81: {  	_ =	shalt  }
0x82: {  	_ =	shalt  }
0x83: {  	_ =	shalt  }
0x84: {  	_ =	shalt  }
0x85: {  	_ =	shalt  }
0x86: {  	_ =	shalt  }
0x87: {  	_ =	shalt  }
.Lfunc_end0:
.L_simem_size_0:
called_computation.1_lowered:
.L_overlay_start_0:
0x88: {  	s2 =	sld [smem:$0x3FD9]  }
0x89: {  	s3 =	sld [smem:$0x3FFE];
	_ =	sdelay $0x1  }
0x8a: {  	s1 =	srdreg.scid  }
0x8b: {  	s0 =	sand.u32 $0x1, s1  }
0x8c: {  	s17 =	sshll.u32 s0, $0xA;
	s2 =	sadd.s32 s3, s2  }
0x8d: {  	s2 =	sadd.s32 s2, s17  }
0x8e: {  	[smem:$0x3FC7] =	sst s2  }
0x8f: {  	_ = 	snop  }
0x90: {  	s2 =	sld [smem:$0x3FD0];
	(tm) =	ssettm $0x1  }
0x91: {  	s18 =	sld [smem:$0x3FFB];
	_ =	sdelay $0x3  }
0x92: {  	_ =	strace s18  }
0x93: {  	s3 =	sld [smem:$0x3FFC];
	_ =	sdelay $0x3  }
0x94: {  	_ =	strace s3  }
0x95: {  	s3 =	sld [smem:$0x3FFD];
	_ =	sdelay $0x3  }
0x96: {  	_ =	strace s3  }
0x97: {  	_ =	strace $0x8FFFFFFF  }
0x98: {  	s19 =	sld [smem:$0x3FDB];
	_ =	sdelay $0x1  }
0x99: {  	s4 =	simm.s32 $_scs_section_size  }
0x9a: {  	s5 =	simm.s32 $_size__tile_overlayer_lowered;
	s6 =	simm.s32 $_tile_overlayer_lowered  }
0x9b: {  	s22 =	simm.s32 $0x1BFF;
	s21 =	sshll.u32 s6, $0x1;
	s3 =	sadd.s32 s4, s19  }
0x9c: {  	s7 =	simm.s32 $0x0;
	s20 =	sshll.u32 s5, $0x1;
	s5 =	sadd.s32 s21, s3  }
0x9d: {  	[timem:s7], [sflag:s22] =	dma.local [hbm:s5], s20  }
0x9e: {  	_ =	swait.ge [sflag:s22], s20  }
0x9f: {  	s4 =	ssub.s32 $0x0, s20;
	[sflag:s22] =	ssyncset.done $0x0  }
0xa0: {  	[sflag:s22] =	ssyncadd.s32 s4;
	_ =	sdelay $0x1  }
0xa1: {  	s23 =	simm.s32 $0x1B8B  }
0xa2: {  	_ =	swait.ge [sflag:s23], $0x1  }
0xa3: {  	[sflag:s23] =	ssyncset.done $0x0  }
0xa4: {  	s25 =	simm.s32 $0x1B8E;
	s24 =	sld [smem:$0x3FFE];
	[sflag:s23] =	ssyncadd.s32 $0xFFFFFFFF  }
0xa5: {  	s26 =	simm.s32 $execute0_lowered;
	[smem:$0x3FD2] =	sst s25  }
0xa6: {  	s5 =	sshll.u32 s26, $0x1;
	_ =	strace $0x80000049;
	[dreg:$0x1] =	wrdreg $0xFFFFFFFF  }
0xa7: {  	s28 =	simm.s32 $_size_execute0_lowered;
	s3 =	sadd.s32 s3, s5;
	[dreg:$0x0] =	wrdreg $0x0  }
0xa8: {  	s5 =	sshll.u32 s28, $0x1;
	[dreg:$0x2] =	wrdreg s3  }
0xa9: {  	[dreg:$0x3] =	wrdreg s5  }
0xaa: {  	[dreg:$0x4] =	wrdreg $0xC0  }
0xab: {  	_ =	task [dreg:s7], $0x5FFFF  }
0xac: {  	[dreg:$0x1] =	wrdreg $0xFFFFFFFF  }
0xad: {  	[dreg:$0x0] =	wrdreg $0x60  }
0xae: {  	[dreg:$0x2] =	wrdreg s24  }
0xaf: {  	[dreg:$0x3] =	wrdreg s2  }
0xb0: {  	[dreg:$0x4] =	wrdreg $0x9  }
0xb1: {  	_ =	task.clear_ibuf [dreg:s7], $0x5FFFF;
	_ =	strace $0x90000049  }
0xb2: {  	s29 =	simm.s32 $0x9;
	_ =	strace $0x8000004B  }
0xb3: {  	_ =	swait.ge [sflag:s29], $0x1  }
0xb4: {  	[sflag:s29] =	ssyncadd.s32 $0xFFFFFFFF  }
0xb5: {  	_ =	strace $0x9000004B  }
0xb6: {  	_ =	sfence  }
0xb7: {  	s30 =	sld [smem:$0x0];
	_ =	sdelay $0x2  }
0xb8: {  	s31 =	sshll.u32 s1, $0xD;
	s1 =	sshrl.u32 s1, $0x2  }
0xb9: {  	s3 =	sand.u32 $0x4000, s31;
	s1 =	sadd.s32 s1, s30  }
0xba: {  	s0 =	sor.u32 s3, s0;
	s1 =	sshll.u32 s1, $0x11  }
0xbb: {  	s0 =	sor.u32 s1, s0  }
0xbc: {  	s0 =	sadd.s32 $0x8F2B, s0  }
0xbd: {  	[sflag:s0] =	ssyncadd.remote.s32 $0x1  }
0xbe: {  	_ =	sfence.sel $0xFFFF  }
0xbf: {  	[dreg:$0x0] =	wrdreg $0xFFFFFFFF;
	(pc) =	sbr.abs _section_cstart, $3  }
0xc0: {  	[dreg:$0x1] =	wrdreg $0xFFFFFFFF  }
0xc1: {  	_ =	task.clear_ibuf [dreg:s7], $0x2FFFF;
	_ =	strace $0x9FFFFFFF  }
0xc2: {  	(tm) =	ssettm $0x7FFFFFFF  }
0xc3: {  	_ =	shalt  }
tec
execute0_lowered:
.L_overlay_start_1:
0x0: {  	(tag) =	ssettag $0x1  }
0x1: {  	s0 =	srdreg.scid;
	s18 =	stileid.u32  }
0x2: {  	s1 =	sand.u32 $0x1, s0;
	s16 =	sshll.u32 s18, $0x1  }
0x3: {  	s0 =	sor.u32 s1, s16  }
0x4: {  	s4 =	smul.u32 $0x180000, s0  }
0x5: {  	s3 =	rddreg [dreg:$0x0];
	s0 =	smul.u32 $0x150, s0  }
0x6: {  	s5 =	rddreg [dreg:$0x1];
	s2 =	simm.s32 $0x0  }
0x7: {  	[smem:$0x7FF] =	sst s2;
	s4 =	sshrl.u32 s4, $0x3;
	s0 =	sadd.s32 s5, s0  }
0x8: {  	_ =	strace $0x8000004A;
	s4 =	sadd.s32 s4, s3;
	[dreg:$0x3] =	wrdreg s0  }
0x9: {  	s17 =	sadd.s32 $0x1004, s4;
	s0 =	rddreg [dreg:$0x3]  }
0xa: {  	s19 =	sadd.s32 $0x2004, s4;
	[dreg:$0x4] =	wrdreg s17  }
0xb: {  	s20 =	sadd.s32 $0x3004, s4;
	[dreg:$0x5] =	wrdreg s19  }
0xc: {  	s21 =	sadd.s32 $0x4004, s4;
	[dreg:$0x6] =	wrdreg s20  }
0xd: {  	s22 =	sadd.s32 $0x5004, s4;
	[dreg:$0x7] =	wrdreg s21  }
0xe: {  	s23 =	sadd.s32 $0x6004, s4;
	[dreg:$0x8] =	wrdreg s22  }
0xf: {  	s24 =	sadd.s32 $0x7004, s4;
	[dreg:$0x9] =	wrdreg s23  }
0x10: {  	s25 =	sadd.s32 $0x9004, s4;
	[dreg:$0xa] =	wrdreg s24  }
0x11: {  	s26 =	sadd.s32 $0xA004, s4;
	[dreg:$0xb] =	wrdreg s25  }
0x12: {  	s5 =	sadd.s32 $0xB004, s4;
	[dreg:$0xc] =	wrdreg s26  }
0x13: {  	s6 =	sadd.s32 $0xC004, s4;
	[dreg:$0xd] =	wrdreg s5  }
0x14: {  	s7 =	sadd.s32 $0xD004, s4;
	[dreg:$0xe] =	wrdreg s6  }
0x15: {  	s8 =	sadd.s32 $0xE004, s4;
	[dreg:$0xf] =	wrdreg s7  }
0x16: {  	s9 =	sadd.s32 $0xF004, s4;
	[dreg:$0x10] =	wrdreg s8  }
0x17: {  	s10 =	sadd.s32 $0x11004, s4;
	[dreg:$0x11] =	wrdreg s9  }
0x18: {  	s11 =	sadd.s32 $0x12004, s4;
	[dreg:$0x12] =	wrdreg s10  }
0x19: {  	s12 =	sadd.s32 $0x13004, s4;
	[dreg:$0x13] =	wrdreg s11  }
0x1a: {  	s13 =	sadd.s32 $0x14004, s4;
	[dreg:$0x14] =	wrdreg s12  }
0x1b: {  	s14 =	sadd.s32 $0x15004, s4;
	[dreg:$0x15] =	wrdreg s13  }
0x1c: {  	s15 =	sadd.s32 $0x16004, s4;
	[dreg:$0x16] =	wrdreg s14  }
0x1d: {  	s16 =	sadd.s32 $0x17004, s4;
	[dreg:$0x17] =	wrdreg s15  }
0x1e: {  	[dreg:$0x18] =	wrdreg s16;
	s17 =	sadd.s32 $0x19004, s4  }
0x1f: {  	s19 =	sadd.s32 $0x1A004, s4;
	[dreg:$0x19] =	wrdreg s17  }
0x20: {  	s20 =	sadd.s32 $0x1B004, s4;
	[dreg:$0x1a] =	wrdreg s19  }
0x21: {  	s21 =	sadd.s32 $0x1C004, s4;
	[dreg:$0x1b] =	wrdreg s20  }
0x22: {  	s22 =	sadd.s32 $0x1D004, s4;
	[dreg:$0x1c] =	wrdreg s21  }
0x23: {  	s23 =	sadd.s32 $0x1E004, s4;
	[dreg:$0x1d] =	wrdreg s22  }
0x24: {  	s24 =	sadd.s32 $0x1F004, s4;
	[dreg:$0x1e] =	wrdreg s23  }
0x25: {  	s25 =	sadd.s32 $0x21004, s4;
	[dreg:$0x1f] =	wrdreg s24  }
0x26: {  	s26 =	sadd.s32 $0x22004, s4;
	[smem:$0x7D2] =	sst s25  }
0x27: {  	s5 =	sadd.s32 $0x23004, s4;
	[smem:$0x7D3] =	sst s26  }
0x28: {  	s6 =	sadd.s32 $0x24004, s4;
	[smem:$0x7D4] =	sst s5  }
0x29: {  	s7 =	sadd.s32 $0x25004, s4;
	[smem:$0x7D5] =	sst s6  }
0x2a: {  	s8 =	sadd.s32 $0x26004, s4;
	[smem:$0x7D6] =	sst s7  }
0x2b: {  	s9 =	sadd.s32 $0x27004, s4;
	[smem:$0x7D7] =	sst s8  }
0x2c: {  	s10 =	sadd.s32 $0x29004, s4;
	[smem:$0x7D8] =	sst s9  }
0x2d: {  	s11 =	sadd.s32 $0x2A004, s4;
	[smem:$0x7D9] =	sst s10  }
0x2e: {  	s12 =	sadd.s32 $0x2B004, s4;
	[smem:$0x7DA] =	sst s11  }
0x2f: {  	s13 =	sadd.s32 $0x2C004, s4;
	[smem:$0x7DB] =	sst s12  }
0x30: {  	s14 =	sadd.s32 $0x2D004, s4;
	[smem:$0x7DC] =	sst s13  }
0x31: {  	s15 =	sadd.s32 $0x2E004, s4;
	[smem:$0x7DD] =	sst s14  }
0x32: {  	s16 =	sadd.s32 $0x2F004, s4;
	[smem:$0x7DE] =	sst s15  }
0x33: {  	s4 =	simm.s32 $0x1C280;
	[smem:$0x7DF] =	sst s16  }
0x34: {  	s17 =	simm.s32 $0x1C040;
	[smem:$0x7E9] =	sst s4  }
0x35: {  	s19 =	simm.s32 $0x1C080;
	[smem:$0x7E0] =	sst s17  }
0x36: {  	s20 =	simm.s32 $0x1C0C0;
	[smem:$0x7E1] =	sst s19  }
0x37: {  	s21 =	simm.s32 $0x1C100;
	[smem:$0x7E2] =	sst s20  }
0x38: {  	s22 =	simm.s32 $0x1C140;
	[smem:$0x7E3] =	sst s21  }
0x39: {  	s23 =	simm.s32 $0x1C180;
	[smem:$0x7E4] =	sst s22  }
0x3a: {  	s24 =	simm.s32 $0x1C1C0;
	[smem:$0x7E5] =	sst s23  }
0x3b: {  	s25 =	simm.s32 $0x1C200;
	[smem:$0x7E6] =	sst s24  }
0x3c: {  	s30 =	simm.s32 $0x1C000;
	s26 =	simm.s32 $0x1C240;
	[smem:$0x7E7] =	sst s25  }
0x3d: {  	s31 =	simm.s32 $0x9;
	s5 =	simm.s32 $0x1C2C0;
	[smem:$0x7E8] =	sst s26  }
0x3e: {  	s29 =	simm.s32 $0x1C800;
	s6 =	simm.s32 $0x1C300;
	[smem:$0x7EA] =	sst s5  }
0x3f: {  	s28 =	simm.s32 $0x1C840;
	s7 =	simm.s32 $0x1C340;
	[smem:$0x7EB] =	sst s6  }
0x40: {  	p0 =	por $0x0, $0x0;
	s9 =	simm.s32 $0x1C380;
	[smem:$0x7EC] =	sst s7  }
0x41: {  	s1 =	ssub.s32 $0x2, s1;
	s10 =	simm.s32 $0x1C3C0;
	[smem:$0x7ED] =	sst s9  }
0x42: {  	s3 =	sadd.s32 $0x600800, s3;
	s11 =	simm.s32 $0x1C400;
	[smem:$0x7EE] =	sst s10  }
0x43: {  	s8 =	sshrl.u32 s1, $0x1;
	s12 =	simm.s32 $0x1C440;
	[smem:$0x7EF] =	sst s11  }
0x44: {  	s13 =	simm.s32 $0x1C480;
	s14 =	simm.s32 $0x1C4C0;
	[smem:$0x7F0] =	sst s12  }
0x45: {  	s15 =	simm.s32 $0x1C500;
	s4 =	simm.s32 $0x7000;
	[smem:$0x7F1] =	sst s13  }
0x46: {  	s16 =	simm.s32 $0x1C540;
	s1 =	ssub.s32 s1, s8;
	[smem:$0x7F2] =	sst s14  }
0x47: {  	s5 =	simm.s32 $0x1C0;
	s6 =	simm.s32 $0x200;
	[smem:$0x7F3] =	sst s15  }
0x48: {  	s8 =	simm.s32 $0x1;
	[smem:$0x7F4] =	sst s16;
	s17 =	simm.s32 $0x1C580  }
0x49: {  	s7 =	simm.s32 $0x40;
	s19 =	simm.s32 $0x1C5C0;
	s15 =	simm.s32 $0xE000  }
0x4a: {  	s20 =	simm.s32 $0x1C600;
	s10 =	simm.s32 $0x2;
	[smem:$0x7F5] =	sst s17  }
0x4b: {  	s21 =	simm.s32 $0x1C640;
	s14 =	simm.s32 $0x15000;
	[smem:$0x7F6] =	sst s19  }
0x4c: {  	s22 =	simm.s32 $0x1C680;
	s23 =	simm.s32 $0x1C6C0;
	[smem:$0x7F7] =	sst s20  }
0x4d: {  	s9 =	simm.s32 $0x5;
	s24 =	simm.s32 $0x1C700;
	[smem:$0x7F8] =	sst s21  }
0x4e: {  	s16 =	simm.s32 $0x4;
	s25 =	simm.s32 $0x1C740;
	[smem:$0x7F9] =	sst s22  }
0x4f: {  	s11 =	simm.s32 $0x6;
	s1 =	smax.u32 s1, $0x1;
	[smem:$0x7FA] =	sst s23  }
0x50: {  	s26 =	simm.s32 $0x1C780;
	[smem:$0x7FB] =	sst s24;
	p1 =	sne.s32 s1, $0x1  }
.Ltmp0:
0x51: {  	s13 =	simm.s32 $0x7;
	[smem:$0x7FC] =	sst s25;
	(pc) =	sbr.rel @!p1 .LBB2_1-.Ltmp0, $4  }
0x52: {  	s12 =	simm.s32 $0x8;
	s17 =	simm.s32 $0x3;
	[smem:$0x7FD] =	sst s26  }
0x53: {  	s26 =	simm.s32 $0x1C880;
	s25 =	simm.s32 $0x1C8C0;
	s24 =	simm.s32 $0x1C900  }
0x54: {  	s23 =	simm.s32 $0x1C940;
	s22 =	simm.s32 $0x1C980;
	s21 =	simm.s32 $0x1C9C0  }
0x55: {  	s20 =	simm.s32 $0x1CA00;
	s19 =	simm.s32 $0x1CA40;
	s1 =	sadd.s32 $0xFFFFFFFF, s1  }
0x56: {  	[tilespmem:s30], [sflag:$0x9] =	stream.linear.gather [hbm4b:s0+s2], $0xA80, $0x38;
	[tilespmem:$0x1CA80] =	vst v63  }
0x57: {  	_ =	swait.ge [sflag:s31], $0xA80  }
0x58: {  	[sflag:s31] =	ssyncset.done $0x0  }
0x59: {  	s0 =	rddreg [dreg:$0x4];
	[sflag:s31] =	ssyncadd.s32 $0xFFFFF580  }
0x5a: {  	[tilespmem:s2], [sflag:$0x1] =	stream.strided.gather [hbm4b:s0+s5], $0x7000, s6, s5, $0x38;
	[tilespmem:$0x1CA80] =	vst v63  }
0x5b: {  	s18 =	smov.u32 s1;
	s1 =	rddreg [dreg:$0x5]  }
0x5c: {  	[tilespmem:s4], [sflag:$0x2] =	stream.strided.gather [hbm4b:s1+s5], $0x7000, s6, s5, $0x38;
	[tilespmem:$0x1CA80] =	vst v63  }
0x5d: {  	_ =	swait.ge [sflag:s8], $0x7000  }
0x5e: {  	[sflag:s8] =	ssyncset.done $0x0  }
0x5f: {  	[sflag:s8] =	ssyncadd.s32 $0xFFFF9000  }
0x60: {  	[hbm4b:s3+s7] =	stream.indirect.scatter [tilespmem:s2], [sflag:$0x5], $0x1C0, s30, s7, $0xb8;
	[tilespmem:$0x1CA80] =	vst v63  }
0x61: {  	s1 =	rddreg [dreg:$0x6]  }
0x62: {  	[tilespmem:s15], [sflag:$0x3] =	stream.strided.gather [hbm4b:s1+s5], $0x7000, s6, s5, $0x38;
	[tilespmem:$0x1CA80] =	vst v63  }
0x63: {  	_ =	swait.ge [sflag:s10], $0x7000  }
0x64: {  	s0 =	sld [smem:$0x7E0]  }
0x65: {  	[sflag:s10] =	ssyncset.done $0x0  }
0x66: {  	[sflag:s10] =	ssyncadd.s32 $0xFFFF9000  }
0x67: {  	[hbm4b:s3+s7] =	stream.indirect.scatter [tilespmem:s4], [sflag:$0x6], $0x1C0, s0, s7, $0xb8;
	[tilespmem:$0x1CA80] =	vst v63  }
0x68: {  	s1 =	rddreg [dreg:$0x7]  }
0x69: {  	[tilespmem:s14], [sflag:$0x4] =	stream.strided.gather [hbm4b:s1+s5], $0x7000, s6, s5, $0x38;
	[tilespmem:$0x1CA80] =	vst v63  }
0x6a: {  	_ =	swait.ge [sflag:s17], $0x7000  }
0x6b: {  	s1 =	sld [smem:$0x7E1]  }
0x6c: {  	[sflag:s17] =	ssyncset.done $0x0  }
0x6d: {  	[sflag:s17] =	ssyncadd.s32 $0xFFFF9000  }
0x6e: {  	[hbm4b:s3+s7] =	stream.indirect.scatter [tilespmem:s15], [sflag:$0x7], $0x1C0, s1, s7, $0xb8;
	[tilespmem:$0x1CA80] =	vst v63  }
0x6f: {  	_ =	swait.ge [sflag:s9], $0x7000  }
0x70: {  	[sflag:s9] =	ssyncset.done $0x0  }
0x71: {  	s1 =	rddreg [dreg:$0x8];
	[sflag:s9] =	ssyncadd.s32 $0xFFFF9000  }
0x72: {  	[tilespmem:s2], [sflag:$0x1] =	stream.strided.gather [hbm4b:s1+s5], $0x7000, s6, s5, $0x38;
	[tilespmem:$0x1CA80] =	vst v63  }
0x73: {  	_ =	swait.ge [sflag:s16], $0x7000  }
0x74: {  	s1 =	sld [smem:$0x7E2]  }
0x75: {  	[sflag:s16] =	ssyncset.done $0x0  }
0x76: {  	[sflag:s16] =	ssyncadd.s32 $0xFFFF9000  }
0x77: {  	[hbm4b:s3+s7] =	stream.indirect.scatter [tilespmem:s14], [sflag:$0x8], $0x1C0, s1, s7, $0xb8;
	[tilespmem:$0x1CA80] =	vst v63  }
0x78: {  	_ =	swait.ge [sflag:s11], $0x7000  }
0x79: {  	[sflag:s11] =	ssyncset.done $0x0  }
0x7a: {  	s1 =	rddreg [dreg:$0x9];
	[sflag:s11] =	ssyncadd.s32 $0xFFFF9000  }
0x7b: {  	[tilespmem:s4], [sflag:$0x2] =	stream.strided.gather [hbm4b:s1+s5], $0x7000, s6, s5, $0x38;
	[tilespmem:$0x1CA80] =	vst v63  }
0x7c: {  	_ =	swait.ge [sflag:s8], $0x7000  }
0x7d: {  	s1 =	sld [smem:$0x7E3]  }
0x7e: {  	[sflag:s8] =	ssyncset.done $0x0  }
0x7f: {  	[sflag:s8] =	ssyncadd.s32 $0xFFFF9000  }
0x80: {  	[hbm4b:s3+s7] =	stream.indirect.scatter [tilespmem:s2], [sflag:$0x5], $0x1C0, s1, s7, $0xb8;
	[tilespmem:$0x1CA80] =	vst v63  }
0x81: {  	_ =	swait.ge [sflag:s13], $0x7000  }
0x82: {  	[sflag:s13] =	ssyncset.done $0x0  }
0x83: {  	s1 =	rddreg [dreg:$0xa];
	[sflag:s13] =	ssyncadd.s32 $0xFFFF9000  }
0x84: {  	[tilespmem:s15], [sflag:$0x3] =	stream.strided.gather [hbm4b:s1+s5], $0x7000, s6, s5, $0x38;
	[tilespmem:$0x1CA80] =	vst v63  }
0x85: {  	_ =	swait.ge [sflag:s10], $0x7000  }
0x86: {  	s1 =	sld [smem:$0x7E4]  }
0x87: {  	[sflag:s10] =	ssyncset.done $0x0  }
0x88: {  	[sflag:s10] =	ssyncadd.s32 $0xFFFF9000  }
0x89: {  	[hbm4b:s3+s7] =	stream.indirect.scatter [tilespmem:s4], [sflag:$0x6], $0x1C0, s1, s7, $0xb8;
	[tilespmem:$0x1CA80] =	vst v63  }
0x8a: {  	_ =	swait.ge [sflag:s12], $0x7000  }
0x8b: {  	[sflag:s12] =	ssyncset.done $0x0  }
0x8c: {  	s1 =	rddreg [dreg:$0xb];
	[sflag:s12] =	ssyncadd.s32 $0xFFFF9000  }
0x8d: {  	[tilespmem:s14], [sflag:$0x4] =	stream.strided.gather [hbm4b:s1+s5], $0x7000, s6, s5, $0x38;
	[tilespmem:$0x1CA80] =	vst v63  }
0x8e: {  	_ =	swait.ge [sflag:s17], $0x7000  }
0x8f: {  	s1 =	sld [smem:$0x7E5]  }
0x90: {  	[sflag:s17] =	ssyncset.done $0x0  }
0x91: {  	[sflag:s17] =	ssyncadd.s32 $0xFFFF9000  }
0x92: {  	[hbm4b:s3+s7] =	stream.indirect.scatter [tilespmem:s15], [sflag:$0x7], $0x1C0, s1, s7, $0xb8;
	[tilespmem:$0x1CA80] =	vst v63  }
0x93: {  	_ =	swait.ge [sflag:s9], $0x7000  }
0x94: {  	[sflag:s9] =	ssyncset.done $0x0  }
0x95: {  	s1 =	rddreg [dreg:$0xc];
	[sflag:s9] =	ssyncadd.s32 $0xFFFF9000  }
0x96: {  	[tilespmem:s2], [sflag:$0x1] =	stream.strided.gather [hbm4b:s1+s5], $0x7000, s6, s5, $0x38;
	[tilespmem:$0x1CA80] =	vst v63  }
0x97: {  	_ =	swait.ge [sflag:s16], $0x7000  }
0x98: {  	s1 =	sld [smem:$0x7E6]  }
0x99: {  	[sflag:s16] =	ssyncset.done $0x0  }
0x9a: {  	[sflag:s16] =	ssyncadd.s32 $0xFFFF9000  }
0x9b: {  	[hbm4b:s3+s7] =	stream.indirect.scatter [tilespmem:s14], [sflag:$0x8], $0x1C0, s1, s7, $0xb8;
	[tilespmem:$0x1CA80] =	vst v63  }
0x9c: {  	_ =	swait.ge [sflag:s11], $0x7000  }
0x9d: {  	[sflag:s11] =	ssyncset.done $0x0  }
0x9e: {  	s1 =	rddreg [dreg:$0xd];
	[sflag:s11] =	ssyncadd.s32 $0xFFFF9000  }
0x9f: {  	[tilespmem:s4], [sflag:$0x2] =	stream.strided.gather [hbm4b:s1+s5], $0x7000, s6, s5, $0x38;
	[tilespmem:$0x1CA80] =	vst v63  }
0xa0: {  	_ =	swait.ge [sflag:s8], $0x7000  }
0xa1: {  	s1 =	sld [smem:$0x7E7]  }
0xa2: {  	[sflag:s8] =	ssyncset.done $0x0  }
0xa3: {  	[sflag:s8] =	ssyncadd.s32 $0xFFFF9000  }
0xa4: {  	[hbm4b:s3+s7] =	stream.indirect.scatter [tilespmem:s2], [sflag:$0x5], $0x1C0, s1, s7, $0xb8;
	[tilespmem:$0x1CA80] =	vst v63  }
0xa5: {  	_ =	swait.ge [sflag:s13], $0x7000  }
0xa6: {  	[sflag:s13] =	ssyncset.done $0x0  }
0xa7: {  	s1 =	rddreg [dreg:$0xe];
	[sflag:s13] =	ssyncadd.s32 $0xFFFF9000  }
0xa8: {  	[tilespmem:s15], [sflag:$0x3] =	stream.strided.gather [hbm4b:s1+s5], $0x7000, s6, s5, $0x38;
	[tilespmem:$0x1CA80] =	vst v63  }
0xa9: {  	_ =	swait.ge [sflag:s10], $0x7000  }
0xaa: {  	s1 =	sld [smem:$0x7E8]  }
0xab: {  	[sflag:s10] =	ssyncset.done $0x0  }
0xac: {  	[sflag:s10] =	ssyncadd.s32 $0xFFFF9000  }
0xad: {  	[hbm4b:s3+s7] =	stream.indirect.scatter [tilespmem:s4], [sflag:$0x6], $0x1C0, s1, s7, $0xb8;
	[tilespmem:$0x1CA80] =	vst v63  }
0xae: {  	_ =	swait.ge [sflag:s12], $0x7000  }
0xaf: {  	[sflag:s12] =	ssyncset.done $0x0  }
0xb0: {  	s1 =	rddreg [dreg:$0xf];
	[sflag:s12] =	ssyncadd.s32 $0xFFFF9000  }
0xb1: {  	[tilespmem:s14], [sflag:$0x4] =	stream.strided.gather [hbm4b:s1+s5], $0x7000, s6, s5, $0x38;
	[tilespmem:$0x1CA80] =	vst v63  }
0xb2: {  	_ =	swait.ge [sflag:s17], $0x7000  }
0xb3: {  	s1 =	sld [smem:$0x7E9]  }
0xb4: {  	[sflag:s17] =	ssyncset.done $0x0  }
0xb5: {  	[sflag:s17] =	ssyncadd.s32 $0xFFFF9000  }
0xb6: {  	[hbm4b:s3+s7] =	stream.indirect.scatter [tilespmem:s15], [sflag:$0x7], $0x1C0, s1, s7, $0xb8;
	[tilespmem:$0x1CA80] =	vst v63  }
0xb7: {  	_ =	swait.ge [sflag:s9], $0x7000  }
0xb8: {  	[sflag:s9] =	ssyncset.done $0x0  }
0xb9: {  	s1 =	rddreg [dreg:$0x10];
	[sflag:s9] =	ssyncadd.s32 $0xFFFF9000  }
0xba: {  	[tilespmem:s2], [sflag:$0x1] =	stream.strided.gather [hbm4b:s1+s5], $0x7000, s6, s5, $0x38;
	[tilespmem:$0x1CA80] =	vst v63  }
0xbb: {  	_ =	swait.ge [sflag:s16], $0x7000  }
0xbc: {  	s1 =	sld [smem:$0x7EA]  }
0xbd: {  	[sflag:s16] =	ssyncset.done $0x0  }
0xbe: {  	[sflag:s16] =	ssyncadd.s32 $0xFFFF9000  }
0xbf: {  	[hbm4b:s3+s7] =	stream.indirect.scatter [tilespmem:s14], [sflag:$0x8], $0x1C0, s1, s7, $0xb8;
	[tilespmem:$0x1CA80] =	vst v63  }
0xc0: {  	_ =	swait.ge [sflag:s11], $0x7000  }
0xc1: {  	[sflag:s11] =	ssyncset.done $0x0  }
0xc2: {  	s1 =	rddreg [dreg:$0x11];
	[sflag:s11] =	ssyncadd.s32 $0xFFFF9000  }
0xc3: {  	[tilespmem:s4], [sflag:$0x2] =	stream.strided.gather [hbm4b:s1+s5], $0x7000, s6, s5, $0x38;
	[tilespmem:$0x1CA80] =	vst v63  }
0xc4: {  	_ =	swait.ge [sflag:s8], $0x7000  }
0xc5: {  	s1 =	sld [smem:$0x7EB]  }
0xc6: {  	[sflag:s8] =	ssyncset.done $0x0  }
0xc7: {  	[sflag:s8] =	ssyncadd.s32 $0xFFFF9000  }
0xc8: {  	[hbm4b:s3+s7] =	stream.indirect.scatter [tilespmem:s2], [sflag:$0x5], $0x1C0, s1, s7, $0xb8;
	[tilespmem:$0x1CA80] =	vst v63  }
0xc9: {  	_ =	swait.ge [sflag:s13], $0x7000  }
0xca: {  	[sflag:s13] =	ssyncset.done $0x0  }
0xcb: {  	s1 =	rddreg [dreg:$0x12];
	[sflag:s13] =	ssyncadd.s32 $0xFFFF9000  }
0xcc: {  	[tilespmem:s15], [sflag:$0x3] =	stream.strided.gather [hbm4b:s1+s5], $0x7000, s6, s5, $0x38;
	[tilespmem:$0x1CA80] =	vst v63  }
0xcd: {  	_ =	swait.ge [sflag:s10], $0x7000  }
0xce: {  	s1 =	sld [smem:$0x7EC]  }
0xcf: {  	[sflag:s10] =	ssyncset.done $0x0  }
0xd0: {  	[sflag:s10] =	ssyncadd.s32 $0xFFFF9000  }
0xd1: {  	[hbm4b:s3+s7] =	stream.indirect.scatter [tilespmem:s4], [sflag:$0x6], $0x1C0, s1, s7, $0xb8;
	[tilespmem:$0x1CA80] =	vst v63  }
0xd2: {  	_ =	swait.ge [sflag:s12], $0x7000  }
0xd3: {  	[sflag:s12] =	ssyncset.done $0x0  }
0xd4: {  	s1 =	rddreg [dreg:$0x13];
	[sflag:s12] =	ssyncadd.s32 $0xFFFF9000  }
0xd5: {  	[tilespmem:s14], [sflag:$0x4] =	stream.strided.gather [hbm4b:s1+s5], $0x7000, s6, s5, $0x38;
	[tilespmem:$0x1CA80] =	vst v63  }
0xd6: {  	_ =	swait.ge [sflag:s17], $0x7000  }
0xd7: {  	s1 =	sld [smem:$0x7ED]  }
0xd8: {  	[sflag:s17] =	ssyncset.done $0x0  }
0xd9: {  	[sflag:s17] =	ssyncadd.s32 $0xFFFF9000  }
0xda: {  	[hbm4b:s3+s7] =	stream.indirect.scatter [tilespmem:s15], [sflag:$0x7], $0x1C0, s1, s7, $0xb8;
	[tilespmem:$0x1CA80] =	vst v63  }
0xdb: {  	_ =	swait.ge [sflag:s9], $0x7000  }
0xdc: {  	[sflag:s9] =	ssyncset.done $0x0  }
0xdd: {  	s1 =	rddreg [dreg:$0x14];
	[sflag:s9] =	ssyncadd.s32 $0xFFFF9000  }
0xde: {  	[tilespmem:s2], [sflag:$0x1] =	stream.strided.gather [hbm4b:s1+s5], $0x7000, s6, s5, $0x38;
	[tilespmem:$0x1CA80] =	vst v63  }
0xdf: {  	_ =	swait.ge [sflag:s16], $0x7000  }
0xe0: {  	s1 =	sld [smem:$0x7EE]  }
0xe1: {  	[sflag:s16] =	ssyncset.done $0x0  }
0xe2: {  	[sflag:s16] =	ssyncadd.s32 $0xFFFF9000  }
0xe3: {  	[hbm4b:s3+s7] =	stream.indirect.scatter [tilespmem:s14], [sflag:$0x8], $0x1C0, s1, s7, $0xb8;
	[tilespmem:$0x1CA80] =	vst v63  }
0xe4: {  	_ =	swait.ge [sflag:s11], $0x7000  }
0xe5: {  	[sflag:s11] =	ssyncset.done $0x0  }
0xe6: {  	s1 =	rddreg [dreg:$0x15];
	[sflag:s11] =	ssyncadd.s32 $0xFFFF9000  }
0xe7: {  	[tilespmem:s4], [sflag:$0x2] =	stream.strided.gather [hbm4b:s1+s5], $0x7000, s6, s5, $0x38;
	[tilespmem:$0x1CA80] =	vst v63  }
0xe8: {  	_ =	swait.ge [sflag:s8], $0x7000  }
0xe9: {  	s1 =	sld [smem:$0x7EF]  }
0xea: {  	[sflag:s8] =	ssyncset.done $0x0  }
0xeb: {  	[sflag:s8] =	ssyncadd.s32 $0xFFFF9000  }
0xec: {  	[hbm4b:s3+s7] =	stream.indirect.scatter [tilespmem:s2], [sflag:$0x5], $0x1C0, s1, s7, $0xb8;
	[tilespmem:$0x1CA80] =	vst v63  }
0xed: {  	_ =	swait.ge [sflag:s13], $0x7000  }
0xee: {  	[sflag:s13] =	ssyncset.done $0x0  }
0xef: {  	s1 =	rddreg [dreg:$0x16];
	[sflag:s13] =	ssyncadd.s32 $0xFFFF9000  }
0xf0: {  	[tilespmem:s15], [sflag:$0x3] =	stream.strided.gather [hbm4b:s1+s5], $0x7000, s6, s5, $0x38;
	[tilespmem:$0x1CA80] =	vst v63  }
0xf1: {  	_ =	swait.ge [sflag:s10], $0x7000  }
0xf2: {  	s1 =	sld [smem:$0x7F0]  }
0xf3: {  	[sflag:s10] =	ssyncset.done $0x0  }
0xf4: {  	[sflag:s10] =	ssyncadd.s32 $0xFFFF9000  }
0xf5: {  	[hbm4b:s3+s7] =	stream.indirect.scatter [tilespmem:s4], [sflag:$0x6], $0x1C0, s1, s7, $0xb8;
	[tilespmem:$0x1CA80] =	vst v63  }
0xf6: {  	_ =	swait.ge [sflag:s12], $0x7000  }
0xf7: {  	[sflag:s12] =	ssyncset.done $0x0  }
0xf8: {  	s1 =	rddreg [dreg:$0x17];
	[sflag:s12] =	ssyncadd.s32 $0xFFFF9000  }
0xf9: {  	[tilespmem:s14], [sflag:$0x4] =	stream.strided.gather [hbm4b:s1+s5], $0x7000, s6, s5, $0x38;
	[tilespmem:$0x1CA80] =	vst v63  }
0xfa: {  	_ =	swait.ge [sflag:s17], $0x7000  }
0xfb: {  	s1 =	sld [smem:$0x7F1]  }
0xfc: {  	[sflag:s17] =	ssyncset.done $0x0  }
0xfd: {  	[sflag:s17] =	ssyncadd.s32 $0xFFFF9000  }
0xfe: {  	[hbm4b:s3+s7] =	stream.indirect.scatter [tilespmem:s15], [sflag:$0x7], $0x1C0, s1, s7, $0xb8;
	[tilespmem:$0x1CA80] =	vst v63  }
0xff: {  	_ =	swait.ge [sflag:s9], $0x7000  }
0x100: {  	[sflag:s9] =	ssyncset.done $0x0  }
0x101: {  	s1 =	rddreg [dreg:$0x18];
	[sflag:s9] =	ssyncadd.s32 $0xFFFF9000  }
0x102: {  	[tilespmem:s2], [sflag:$0x1] =	stream.strided.gather [hbm4b:s1+s5], $0x7000, s6, s5, $0x38;
	[tilespmem:$0x1CA80] =	vst v63  }
0x103: {  	_ =	swait.ge [sflag:s16], $0x7000  }
0x104: {  	s1 =	sld [smem:$0x7F2]  }
0x105: {  	[sflag:s16] =	ssyncset.done $0x0  }
0x106: {  	[sflag:s16] =	ssyncadd.s32 $0xFFFF9000  }
0x107: {  	[hbm4b:s3+s7] =	stream.indirect.scatter [tilespmem:s14], [sflag:$0x8], $0x1C0, s1, s7, $0xb8;
	[tilespmem:$0x1CA80] =	vst v63  }
0x108: {  	_ =	swait.ge [sflag:s11], $0x7000  }
0x109: {  	[sflag:s11] =	ssyncset.done $0x0  }
0x10a: {  	s1 =	rddreg [dreg:$0x19];
	[sflag:s11] =	ssyncadd.s32 $0xFFFF9000  }
0x10b: {  	[tilespmem:s4], [sflag:$0x2] =	stream.strided.gather [hbm4b:s1+s5], $0x7000, s6, s5, $0x38;
	[tilespmem:$0x1CA80] =	vst v63  }
0x10c: {  	_ =	swait.ge [sflag:s8], $0x7000  }
0x10d: {  	s1 =	sld [smem:$0x7F3]  }
0x10e: {  	[sflag:s8] =	ssyncset.done $0x0  }
0x10f: {  	[sflag:s8] =	ssyncadd.s32 $0xFFFF9000  }
0x110: {  	[hbm4b:s3+s7] =	stream.indirect.scatter [tilespmem:s2], [sflag:$0x5], $0x1C0, s1, s7, $0xb8;
	[tilespmem:$0x1CA80] =	vst v63  }
0x111: {  	_ =	swait.ge [sflag:s13], $0x7000  }
0x112: {  	[sflag:s13] =	ssyncset.done $0x0  }
0x113: {  	s1 =	rddreg [dreg:$0x1a];
	[sflag:s13] =	ssyncadd.s32 $0xFFFF9000  }
0x114: {  	[tilespmem:s15], [sflag:$0x3] =	stream.strided.gather [hbm4b:s1+s5], $0x7000, s6, s5, $0x38;
	[tilespmem:$0x1CA80] =	vst v63  }
0x115: {  	_ =	swait.ge [sflag:s10], $0x7000  }
0x116: {  	s1 =	sld [smem:$0x7F4]  }
0x117: {  	[sflag:s10] =	ssyncset.done $0x0  }
0x118: {  	[sflag:s10] =	ssyncadd.s32 $0xFFFF9000  }
0x119: {  	[hbm4b:s3+s7] =	stream.indirect.scatter [tilespmem:s4], [sflag:$0x6], $0x1C0, s1, s7, $0xb8;
	[tilespmem:$0x1CA80] =	vst v63  }
0x11a: {  	_ =	swait.ge [sflag:s12], $0x7000  }
0x11b: {  	[sflag:s12] =	ssyncset.done $0x0  }
0x11c: {  	s1 =	rddreg [dreg:$0x1b];
	[sflag:s12] =	ssyncadd.s32 $0xFFFF9000  }
0x11d: {  	[tilespmem:s14], [sflag:$0x4] =	stream.strided.gather [hbm4b:s1+s5], $0x7000, s6, s5, $0x38;
	[tilespmem:$0x1CA80] =	vst v63  }
0x11e: {  	_ =	swait.ge [sflag:s17], $0x7000  }
0x11f: {  	s1 =	sld [smem:$0x7F5]  }
0x120: {  	[sflag:s17] =	ssyncset.done $0x0  }
0x121: {  	[sflag:s17] =	ssyncadd.s32 $0xFFFF9000  }
0x122: {  	[hbm4b:s3+s7] =	stream.indirect.scatter [tilespmem:s15], [sflag:$0x7], $0x1C0, s1, s7, $0xb8;
	[tilespmem:$0x1CA80] =	vst v63  }
0x123: {  	_ =	swait.ge [sflag:s9], $0x7000  }
0x124: {  	[sflag:s9] =	ssyncset.done $0x0  }
0x125: {  	s1 =	rddreg [dreg:$0x1c];
	[sflag:s9] =	ssyncadd.s32 $0xFFFF9000  }
0x126: {  	[tilespmem:s2], [sflag:$0x1] =	stream.strided.gather [hbm4b:s1+s5], $0x7000, s6, s5, $0x38;
	[tilespmem:$0x1CA80] =	vst v63  }
0x127: {  	_ =	swait.ge [sflag:s16], $0x7000  }
0x128: {  	s1 =	sld [smem:$0x7F6]  }
0x129: {  	[sflag:s16] =	ssyncset.done $0x0  }
0x12a: {  	[sflag:s16] =	ssyncadd.s32 $0xFFFF9000  }
0x12b: {  	[hbm4b:s3+s7] =	stream.indirect.scatter [tilespmem:s14], [sflag:$0x8], $0x1C0, s1, s7, $0xb8;
	[tilespmem:$0x1CA80] =	vst v63  }
0x12c: {  	_ =	swait.ge [sflag:s11], $0x7000  }
0x12d: {  	[sflag:s11] =	ssyncset.done $0x0  }
0x12e: {  	s1 =	rddreg [dreg:$0x1d];
	[sflag:s11] =	ssyncadd.s32 $0xFFFF9000  }
0x12f: {  	[tilespmem:s4], [sflag:$0x2] =	stream.strided.gather [hbm4b:s1+s5], $0x7000, s6, s5, $0x38;
	[tilespmem:$0x1CA80] =	vst v63  }
0x130: {  	_ =	swait.ge [sflag:s8], $0x7000  }
0x131: {  	s1 =	sld [smem:$0x7F7]  }
0x132: {  	[sflag:s8] =	ssyncset.done $0x0  }
0x133: {  	[sflag:s8] =	ssyncadd.s32 $0xFFFF9000  }
0x134: {  	[hbm4b:s3+s7] =	stream.indirect.scatter [tilespmem:s2], [sflag:$0x5], $0x1C0, s1, s7, $0xb8;
	[tilespmem:$0x1CA80] =	vst v63  }
0x135: {  	_ =	swait.ge [sflag:s13], $0x7000  }
0x136: {  	[sflag:s13] =	ssyncset.done $0x0  }
0x137: {  	s1 =	rddreg [dreg:$0x1e];
	[sflag:s13] =	ssyncadd.s32 $0xFFFF9000  }
0x138: {  	[tilespmem:s15], [sflag:$0x3] =	stream.strided.gather [hbm4b:s1+s5], $0x7000, s6, s5, $0x38;
	[tilespmem:$0x1CA80] =	vst v63  }
0x139: {  	_ =	swait.ge [sflag:s10], $0x7000  }
0x13a: {  	s1 =	sld [smem:$0x7F8]  }
0x13b: {  	[sflag:s10] =	ssyncset.done $0x0  }
0x13c: {  	[sflag:s10] =	ssyncadd.s32 $0xFFFF9000  }
0x13d: {  	[hbm4b:s3+s7] =	stream.indirect.scatter [tilespmem:s4], [sflag:$0x6], $0x1C0, s1, s7, $0xb8;
	[tilespmem:$0x1CA80] =	vst v63  }
0x13e: {  	_ =	swait.ge [sflag:s12], $0x7000  }
0x13f: {  	[sflag:s12] =	ssyncset.done $0x0  }
0x140: {  	s1 =	rddreg [dreg:$0x1f];
	[sflag:s12] =	ssyncadd.s32 $0xFFFF9000  }
0x141: {  	[tilespmem:s14], [sflag:$0x4] =	stream.strided.gather [hbm4b:s1+s5], $0x7000, s6, s5, $0x38;
	[tilespmem:$0x1CA80] =	vst v63  }
0x142: {  	_ =	swait.ge [sflag:s17], $0x7000  }
0x143: {  	s1 =	sld [smem:$0x7F9]  }
0x144: {  	[sflag:s17] =	ssyncset.done $0x0  }
0x145: {  	[sflag:s17] =	ssyncadd.s32 $0xFFFF9000  }
0x146: {  	[hbm4b:s3+s7] =	stream.indirect.scatter [tilespmem:s15], [sflag:$0x7], $0x1C0, s1, s7, $0xb8;
	[tilespmem:$0x1CA80] =	vst v63  }
0x147: {  	_ =	swait.ge [sflag:s9], $0x7000  }
0x148: {  	s1 =	sld [smem:$0x7D2]  }
0x149: {  	[sflag:s9] =	ssyncset.done $0x0  }
0x14a: {  	[sflag:s9] =	ssyncadd.s32 $0xFFFF9000  }
0x14b: {  	[tilespmem:s2], [sflag:$0x1] =	stream.strided.gather [hbm4b:s1+s5], $0x7000, s6, s5, $0x38;
	[tilespmem:$0x1CA80] =	vst v63  }
0x14c: {  	_ =	swait.ge [sflag:s16], $0x7000  }
0x14d: {  	s1 =	sld [smem:$0x7FA]  }
0x14e: {  	[sflag:s16] =	ssyncset.done $0x0  }
0x14f: {  	[sflag:s16] =	ssyncadd.s32 $0xFFFF9000  }
0x150: {  	[hbm4b:s3+s7] =	stream.indirect.scatter [tilespmem:s14], [sflag:$0x8], $0x1C0, s1, s7, $0xb8;
	[tilespmem:$0x1CA80] =	vst v63  }
0x151: {  	_ =	swait.ge [sflag:s11], $0x7000  }
0x152: {  	s1 =	sld [smem:$0x7D3]  }
0x153: {  	[sflag:s11] =	ssyncset.done $0x0  }
0x154: {  	[sflag:s11] =	ssyncadd.s32 $0xFFFF9000  }
0x155: {  	[tilespmem:s4], [sflag:$0x2] =	stream.strided.gather [hbm4b:s1+s5], $0x7000, s6, s5, $0x38;
	[tilespmem:$0x1CA80] =	vst v63  }
0x156: {  	_ =	swait.ge [sflag:s8], $0x7000  }
0x157: {  	s1 =	sld [smem:$0x7FB]  }
0x158: {  	[sflag:s8] =	ssyncset.done $0x0  }
0x159: {  	[sflag:s8] =	ssyncadd.s32 $0xFFFF9000  }
0x15a: {  	[hbm4b:s3+s7] =	stream.indirect.scatter [tilespmem:s2], [sflag:$0x5], $0x1C0, s1, s7, $0xb8;
	[tilespmem:$0x1CA80] =	vst v63  }
0x15b: {  	_ =	swait.ge [sflag:s13], $0x7000  }
0x15c: {  	s1 =	sld [smem:$0x7D4]  }
0x15d: {  	[sflag:s13] =	ssyncset.done $0x0  }
0x15e: {  	[sflag:s13] =	ssyncadd.s32 $0xFFFF9000  }
0x15f: {  	[tilespmem:s15], [sflag:$0x3] =	stream.strided.gather [hbm4b:s1+s5], $0x7000, s6, s5, $0x38;
	[tilespmem:$0x1CA80] =	vst v63  }
0x160: {  	_ =	swait.ge [sflag:s10], $0x7000  }
0x161: {  	s1 =	sld [smem:$0x7FC]  }
0x162: {  	[sflag:s10] =	ssyncset.done $0x0  }
0x163: {  	[sflag:s10] =	ssyncadd.s32 $0xFFFF9000  }
0x164: {  	[hbm4b:s3+s7] =	stream.indirect.scatter [tilespmem:s4], [sflag:$0x6], $0x1C0, s1, s7, $0xb8;
	[tilespmem:$0x1CA80] =	vst v63  }
0x165: {  	_ =	swait.ge [sflag:s12], $0x7000  }
0x166: {  	s1 =	sld [smem:$0x7D5]  }
0x167: {  	[sflag:s12] =	ssyncset.done $0x0  }
0x168: {  	[sflag:s12] =	ssyncadd.s32 $0xFFFF9000  }
0x169: {  	[tilespmem:s14], [sflag:$0x4] =	stream.strided.gather [hbm4b:s1+s5], $0x7000, s6, s5, $0x38;
	[tilespmem:$0x1CA80] =	vst v63  }
0x16a: {  	_ =	swait.ge [sflag:s17], $0x7000  }
0x16b: {  	s1 =	sld [smem:$0x7FD]  }
0x16c: {  	[sflag:s17] =	ssyncset.done $0x0  }
0x16d: {  	[sflag:s17] =	ssyncadd.s32 $0xFFFF9000  }
0x16e: {  	[hbm4b:s3+s7] =	stream.indirect.scatter [tilespmem:s15], [sflag:$0x7], $0x1C0, s1, s7, $0xb8;
	[tilespmem:$0x1CA80] =	vst v63  }
0x16f: {  	_ =	swait.ge [sflag:s9], $0x7000  }
0x170: {  	s1 =	sld [smem:$0x7D6]  }
0x171: {  	[sflag:s9] =	ssyncset.done $0x0  }
0x172: {  	[sflag:s9] =	ssyncadd.s32 $0xFFFF9000  }
0x173: {  	[tilespmem:s2], [sflag:$0x1] =	stream.strided.gather [hbm4b:s1+s5], $0x7000, s6, s5, $0x38;
	[tilespmem:$0x1CA80] =	vst v63  }
0x174: {  	_ =	swait.ge [sflag:s16], $0x7000  }
0x175: {  	[sflag:s16] =	ssyncset.done $0x0  }
0x176: {  	s1 =	simm.s32 $0x1C7C0;
	[sflag:s16] =	ssyncadd.s32 $0xFFFF9000  }
0x177: {  	[hbm4b:s3+s7] =	stream.indirect.scatter [tilespmem:s14], [sflag:$0x8], $0x1C0, s1, s7, $0xb8;
	[tilespmem:$0x1CA80] =	vst v63  }
0x178: {  	_ =	swait.ge [sflag:s11], $0x7000  }
0x179: {  	s1 =	sld [smem:$0x7D7]  }
0x17a: {  	[sflag:s11] =	ssyncset.done $0x0  }
0x17b: {  	[sflag:s11] =	ssyncadd.s32 $0xFFFF9000  }
0x17c: {  	[tilespmem:s4], [sflag:$0x2] =	stream.strided.gather [hbm4b:s1+s5], $0x7000, s6, s5, $0x38;
	[tilespmem:$0x1CA80] =	vst v63  }
0x17d: {  	_ =	swait.ge [sflag:s8], $0x7000  }
0x17e: {  	[sflag:s8] =	ssyncset.done $0x0  }
0x17f: {  	[sflag:s8] =	ssyncadd.s32 $0xFFFF9000  }
0x180: {  	[hbm4b:s3+s7] =	stream.indirect.scatter [tilespmem:s2], [sflag:$0x5], $0x1C0, s29, s7, $0xb8;
	[tilespmem:$0x1CA80] =	vst v63  }
0x181: {  	_ =	swait.ge [sflag:s13], $0x7000  }
0x182: {  	s1 =	sld [smem:$0x7D8]  }
0x183: {  	[sflag:s13] =	ssyncset.done $0x0  }
0x184: {  	[sflag:s13] =	ssyncadd.s32 $0xFFFF9000  }
0x185: {  	[tilespmem:s15], [sflag:$0x3] =	stream.strided.gather [hbm4b:s1+s5], $0x7000, s6, s5, $0x38;
	[tilespmem:$0x1CA80] =	vst v63  }
0x186: {  	_ =	swait.ge [sflag:s10], $0x7000  }
0x187: {  	[sflag:s10] =	ssyncset.done $0x0  }
0x188: {  	[sflag:s10] =	ssyncadd.s32 $0xFFFF9000  }
0x189: {  	[hbm4b:s3+s7] =	stream.indirect.scatter [tilespmem:s4], [sflag:$0x6], $0x1C0, s28, s7, $0xb8;
	[tilespmem:$0x1CA80] =	vst v63  }
0x18a: {  	_ =	swait.ge [sflag:s12], $0x7000  }
0x18b: {  	s1 =	sld [smem:$0x7D9]  }
0x18c: {  	[sflag:s12] =	ssyncset.done $0x0  }
0x18d: {  	[sflag:s12] =	ssyncadd.s32 $0xFFFF9000  }
0x18e: {  	[tilespmem:s14], [sflag:$0x4] =	stream.strided.gather [hbm4b:s1+s5], $0x7000, s6, s5, $0x38;
	[tilespmem:$0x1CA80] =	vst v63  }
0x18f: {  	_ =	swait.ge [sflag:s17], $0x7000  }
0x190: {  	[sflag:s17] =	ssyncset.done $0x0  }
0x191: {  	[sflag:s17] =	ssyncadd.s32 $0xFFFF9000  }
0x192: {  	[hbm4b:s3+s7] =	stream.indirect.scatter [tilespmem:s15], [sflag:$0x7], $0x1C0, s26, s7, $0xb8;
	[tilespmem:$0x1CA80] =	vst v63  }
0x193: {  	_ =	swait.ge [sflag:s9], $0x7000  }
0x194: {  	s1 =	sld [smem:$0x7DA]  }
0x195: {  	[sflag:s9] =	ssyncset.done $0x0  }
0x196: {  	[sflag:s9] =	ssyncadd.s32 $0xFFFF9000  }
0x197: {  	[tilespmem:s2], [sflag:$0x1] =	stream.strided.gather [hbm4b:s1+s5], $0x7000, s6, s5, $0x38;
	[tilespmem:$0x1CA80] =	vst v63  }
0x198: {  	_ =	swait.ge [sflag:s16], $0x7000  }
0x199: {  	[sflag:s16] =	ssyncset.done $0x0  }
0x19a: {  	[sflag:s16] =	ssyncadd.s32 $0xFFFF9000  }
0x19b: {  	[hbm4b:s3+s7] =	stream.indirect.scatter [tilespmem:s14], [sflag:$0x8], $0x1C0, s25, s7, $0xb8;
	[tilespmem:$0x1CA80] =	vst v63  }
0x19c: {  	_ =	swait.ge [sflag:s11], $0x7000  }
0x19d: {  	s1 =	sld [smem:$0x7DB]  }
0x19e: {  	[sflag:s11] =	ssyncset.done $0x0  }
0x19f: {  	[sflag:s11] =	ssyncadd.s32 $0xFFFF9000  }
0x1a0: {  	[tilespmem:s4], [sflag:$0x2] =	stream.strided.gather [hbm4b:s1+s5], $0x7000, s6, s5, $0x38;
	[tilespmem:$0x1CA80] =	vst v63  }
0x1a1: {  	_ =	swait.ge [sflag:s8], $0x7000  }
0x1a2: {  	[sflag:s8] =	ssyncset.done $0x0  }
0x1a3: {  	[sflag:s8] =	ssyncadd.s32 $0xFFFF9000  }
0x1a4: {  	[hbm4b:s3+s7] =	stream.indirect.scatter [tilespmem:s2], [sflag:$0x5], $0x1C0, s24, s7, $0xb8;
	[tilespmem:$0x1CA80] =	vst v63  }
0x1a5: {  	_ =	swait.ge [sflag:s13], $0x7000  }
0x1a6: {  	s1 =	sld [smem:$0x7DC]  }
0x1a7: {  	[sflag:s13] =	ssyncset.done $0x0  }
0x1a8: {  	[sflag:s13] =	ssyncadd.s32 $0xFFFF9000  }
0x1a9: {  	[tilespmem:s15], [sflag:$0x3] =	stream.strided.gather [hbm4b:s1+s5], $0x7000, s6, s5, $0x38;
	[tilespmem:$0x1CA80] =	vst v63  }
0x1aa: {  	_ =	swait.ge [sflag:s10], $0x7000  }
0x1ab: {  	[sflag:s10] =	ssyncset.done $0x0  }
0x1ac: {  	[sflag:s10] =	ssyncadd.s32 $0xFFFF9000  }
0x1ad: {  	[hbm4b:s3+s7] =	stream.indirect.scatter [tilespmem:s4], [sflag:$0x6], $0x1C0, s23, s7, $0xb8;
	[tilespmem:$0x1CA80] =	vst v63  }
0x1ae: {  	_ =	swait.ge [sflag:s12], $0x7000  }
0x1af: {  	s1 =	sld [smem:$0x7DD]  }
0x1b0: {  	[sflag:s12] =	ssyncset.done $0x0  }
0x1b1: {  	[sflag:s12] =	ssyncadd.s32 $0xFFFF9000  }
0x1b2: {  	[tilespmem:s14], [sflag:$0x4] =	stream.strided.gather [hbm4b:s1+s5], $0x7000, s6, s5, $0x38;
	[tilespmem:$0x1CA80] =	vst v63  }
0x1b3: {  	_ =	swait.ge [sflag:s17], $0x7000  }
0x1b4: {  	[sflag:s17] =	ssyncset.done $0x0  }
0x1b5: {  	[sflag:s17] =	ssyncadd.s32 $0xFFFF9000  }
0x1b6: {  	[hbm4b:s3+s7] =	stream.indirect.scatter [tilespmem:s15], [sflag:$0x7], $0x1C0, s22, s7, $0xb8;
	[tilespmem:$0x1CA80] =	vst v63  }
0x1b7: {  	_ =	swait.ge [sflag:s9], $0x7000  }
0x1b8: {  	s1 =	sld [smem:$0x7DE]  }
0x1b9: {  	[sflag:s9] =	ssyncset.done $0x0  }
0x1ba: {  	[sflag:s9] =	ssyncadd.s32 $0xFFFF9000  }
0x1bb: {  	[tilespmem:s2], [sflag:$0x1] =	stream.strided.gather [hbm4b:s1+s5], $0x7000, s6, s5, $0x38;
	[tilespmem:$0x1CA80] =	vst v63  }
0x1bc: {  	_ =	swait.ge [sflag:s16], $0x7000  }
0x1bd: {  	[sflag:s16] =	ssyncset.done $0x0  }
0x1be: {  	[sflag:s16] =	ssyncadd.s32 $0xFFFF9000  }
0x1bf: {  	[hbm4b:s3+s7] =	stream.indirect.scatter [tilespmem:s14], [sflag:$0x8], $0x1C0, s21, s7, $0xb8;
	[tilespmem:$0x1CA80] =	vst v63  }
0x1c0: {  	_ =	swait.ge [sflag:s11], $0x7000  }
0x1c1: {  	s1 =	sld [smem:$0x7DF]  }
0x1c2: {  	[sflag:s11] =	ssyncset.done $0x0  }
0x1c3: {  	[sflag:s11] =	ssyncadd.s32 $0xFFFF9000  }
0x1c4: {  	[tilespmem:s4], [sflag:$0x2] =	stream.strided.gather [hbm4b:s1+s5], $0x7000, s6, s5, $0x38;
	[tilespmem:$0x1CA80] =	vst v63  }
0x1c5: {  	_ =	swait.ge [sflag:s8], $0x7000  }
0x1c6: {  	[sflag:s8] =	ssyncset.done $0x0  }
0x1c7: {  	[sflag:s8] =	ssyncadd.s32 $0xFFFF9000  }
0x1c8: {  	[hbm4b:s3+s7] =	stream.indirect.scatter [tilespmem:s2], [sflag:$0x5], $0x1C0, s20, s7, $0xb8;
	[tilespmem:$0x1CA80] =	vst v63  }
0x1c9: {  	_ =	swait.ge [sflag:s10], $0x7000  }
0x1ca: {  	[sflag:s10] =	ssyncset.done $0x0  }
0x1cb: {  	[sflag:s10] =	ssyncadd.s32 $0xFFFF9000  }
0x1cc: {  	[hbm4b:s3+s7] =	stream.indirect.scatter [tilespmem:s4], [sflag:$0x6], $0x1C0, s19, s7, $0xb8;
	[tilespmem:$0x1CA80] =	vst v63  }
0x1cd: {  	_ =	swait.ge [sflag:s13], $0x7000  }
0x1ce: {  	[sflag:s13] =	ssyncset.done $0x0  }
0x1cf: {  	[sflag:s13] =	ssyncadd.s32 $0xFFFF9000  }
0x1d0: {  	_ =	swait.ge [sflag:s12], $0x7000  }
0x1d1: {  	[sflag:s12] =	ssyncset.done $0x0  }
0x1d2: {  	p1 =	sne.s32 s18, $0x1;
	[sflag:s12] =	ssyncadd.s32 $0xFFFF9000  }
.Ltmp1:
0x1d3: {  	_ =	swait.ge [sflag:s9], $0x7000;
	(pc) =	sbr.rel @!p1 .LBB2_3-.Ltmp1, $4  }
0x1d4: {  	[sflag:s9] =	ssyncset.done $0x0  }
0x1d5: {  	[sflag:s9] =	ssyncadd.s32 $0xFFFF9000  }
0x1d6: {  	p0 =	por $0x1, $0x1;
	_ =	swait.ge [sflag:s11], $0x7000  }
0x1d7: {  	s1 =	sadd.s32 $0xFFFFFFFF, s18;
	s0 =	rddreg [dreg:$0x3];
	[sflag:s11] =	ssyncset.done $0x0  }
.LBB2_4:
0x1d8: {  	[sflag:s11] =	ssyncadd.s32 $0xFFFF9000  }
0x1d9: {  	[tilespmem:s30], [sflag:$0x9] =	stream.linear.gather [hbm4b:s0+s2], $0xA80, $0x38;
	[tilespmem:$0x1CA80] =	vst v63  }
0x1da: {  	_ =	swait.ge [sflag:s31], $0xA80  }
0x1db: {  	[sflag:s31] =	ssyncset.done $0x0  }
0x1dc: {  	s0 =	rddreg [dreg:$0x4];
	[sflag:s31] =	ssyncadd.s32 $0xFFFFF580  }
0x1dd: {  	[tilespmem:s2], [sflag:$0x1] =	stream.strided.gather [hbm4b:s0+s5], $0x7000, s6, s5, $0x38;
	[tilespmem:$0x1CA80] =	vst v63  }
0x1de: {  	s18 =	rddreg [dreg:$0x5]  }
0x1df: {  	[tilespmem:s4], [sflag:$0x2] =	stream.strided.gather [hbm4b:s18+s5], $0x7000, s6, s5, $0x38;
	[tilespmem:$0x1CA80] =	vst v63  }
0x1e0: {  	_ =	swait.ge [sflag:s8], $0x7000  }
0x1e1: {  	[sflag:s8] =	ssyncset.done $0x0  }
0x1e2: {  	[sflag:s8] =	ssyncadd.s32 $0xFFFF9000  }
0x1e3: {  	[hbm4b:s3+s7] =	stream.indirect.scatter [tilespmem:s2], [sflag:$0x5], $0x1C0, s30, s7, $0xb8;
	[tilespmem:$0x1CA80] =	vst v63  }
0x1e4: {  	s18 =	rddreg [dreg:$0x6]  }
0x1e5: {  	[tilespmem:s15], [sflag:$0x3] =	stream.strided.gather [hbm4b:s18+s5], $0x7000, s6, s5, $0x38;
	[tilespmem:$0x1CA80] =	vst v63  }
0x1e6: {  	_ =	swait.ge [sflag:s10], $0x7000  }
0x1e7: {  	s0 =	sld [smem:$0x7E0]  }
0x1e8: {  	[sflag:s10] =	ssyncset.done $0x0  }
0x1e9: {  	[sflag:s10] =	ssyncadd.s32 $0xFFFF9000  }
0x1ea: {  	[hbm4b:s3+s7] =	stream.indirect.scatter [tilespmem:s4], [sflag:$0x6], $0x1C0, s0, s7, $0xb8;
	[tilespmem:$0x1CA80] =	vst v63  }
0x1eb: {  	s18 =	rddreg [dreg:$0x7]  }
0x1ec: {  	[tilespmem:s14], [sflag:$0x4] =	stream.strided.gather [hbm4b:s18+s5], $0x7000, s6, s5, $0x38;
	[tilespmem:$0x1CA80] =	vst v63  }
0x1ed: {  	_ =	swait.ge [sflag:s17], $0x7000  }
0x1ee: {  	s18 =	sld [smem:$0x7E1]  }
0x1ef: {  	[sflag:s17] =	ssyncset.done $0x0  }
0x1f0: {  	[sflag:s17] =	ssyncadd.s32 $0xFFFF9000  }
0x1f1: {  	[hbm4b:s3+s7] =	stream.indirect.scatter [tilespmem:s15], [sflag:$0x7], $0x1C0, s18, s7, $0xb8;
	[tilespmem:$0x1CA80] =	vst v63  }
0x1f2: {  	_ =	swait.ge [sflag:s9], $0x7000  }
0x1f3: {  	[sflag:s9] =	ssyncset.done $0x0  }
0x1f4: {  	s18 =	rddreg [dreg:$0x8];
	[sflag:s9] =	ssyncadd.s32 $0xFFFF9000  }
0x1f5: {  	[tilespmem:s2], [sflag:$0x1] =	stream.strided.gather [hbm4b:s18+s5], $0x7000, s6, s5, $0x38;
	[tilespmem:$0x1CA80] =	vst v63  }
0x1f6: {  	_ =	swait.ge [sflag:s16], $0x7000  }
0x1f7: {  	s18 =	sld [smem:$0x7E2]  }
0x1f8: {  	[sflag:s16] =	ssyncset.done $0x0  }
0x1f9: {  	[sflag:s16] =	ssyncadd.s32 $0xFFFF9000  }
0x1fa: {  	[hbm4b:s3+s7] =	stream.indirect.scatter [tilespmem:s14], [sflag:$0x8], $0x1C0, s18, s7, $0xb8;
	[tilespmem:$0x1CA80] =	vst v63  }
0x1fb: {  	_ =	swait.ge [sflag:s11], $0x7000  }
0x1fc: {  	[sflag:s11] =	ssyncset.done $0x0  }
0x1fd: {  	s18 =	rddreg [dreg:$0x9];
	[sflag:s11] =	ssyncadd.s32 $0xFFFF9000  }
0x1fe: {  	[tilespmem:s4], [sflag:$0x2] =	stream.strided.gather [hbm4b:s18+s5], $0x7000, s6, s5, $0x38;
	[tilespmem:$0x1CA80] =	vst v63  }
0x1ff: {  	_ =	swait.ge [sflag:s8], $0x7000  }
0x200: {  	s18 =	sld [smem:$0x7E3]  }
0x201: {  	[sflag:s8] =	ssyncset.done $0x0  }
0x202: {  	[sflag:s8] =	ssyncadd.s32 $0xFFFF9000  }
0x203: {  	[hbm4b:s3+s7] =	stream.indirect.scatter [tilespmem:s2], [sflag:$0x5], $0x1C0, s18, s7, $0xb8;
	[tilespmem:$0x1CA80] =	vst v63  }
0x204: {  	_ =	swait.ge [sflag:s13], $0x7000  }
0x205: {  	[sflag:s13] =	ssyncset.done $0x0  }
0x206: {  	s18 =	rddreg [dreg:$0xa];
	[sflag:s13] =	ssyncadd.s32 $0xFFFF9000  }
0x207: {  	[tilespmem:s15], [sflag:$0x3] =	stream.strided.gather [hbm4b:s18+s5], $0x7000, s6, s5, $0x38;
	[tilespmem:$0x1CA80] =	vst v63  }
0x208: {  	_ =	swait.ge [sflag:s10], $0x7000  }
0x209: {  	s18 =	sld [smem:$0x7E4]  }
0x20a: {  	[sflag:s10] =	ssyncset.done $0x0  }
0x20b: {  	[sflag:s10] =	ssyncadd.s32 $0xFFFF9000  }
0x20c: {  	[hbm4b:s3+s7] =	stream.indirect.scatter [tilespmem:s4], [sflag:$0x6], $0x1C0, s18, s7, $0xb8;
	[tilespmem:$0x1CA80] =	vst v63  }
0x20d: {  	_ =	swait.ge [sflag:s12], $0x7000  }
0x20e: {  	[sflag:s12] =	ssyncset.done $0x0  }
0x20f: {  	s18 =	rddreg [dreg:$0xb];
	[sflag:s12] =	ssyncadd.s32 $0xFFFF9000  }
0x210: {  	[tilespmem:s14], [sflag:$0x4] =	stream.strided.gather [hbm4b:s18+s5], $0x7000, s6, s5, $0x38;
	[tilespmem:$0x1CA80] =	vst v63  }
0x211: {  	_ =	swait.ge [sflag:s17], $0x7000  }
0x212: {  	s18 =	sld [smem:$0x7E5]  }
0x213: {  	[sflag:s17] =	ssyncset.done $0x0  }
0x214: {  	[sflag:s17] =	ssyncadd.s32 $0xFFFF9000  }
0x215: {  	[hbm4b:s3+s7] =	stream.indirect.scatter [tilespmem:s15], [sflag:$0x7], $0x1C0, s18, s7, $0xb8;
	[tilespmem:$0x1CA80] =	vst v63  }
0x216: {  	_ =	swait.ge [sflag:s9], $0x7000  }
0x217: {  	[sflag:s9] =	ssyncset.done $0x0  }
0x218: {  	s18 =	rddreg [dreg:$0xc];
	[sflag:s9] =	ssyncadd.s32 $0xFFFF9000  }
0x219: {  	[tilespmem:s2], [sflag:$0x1] =	stream.strided.gather [hbm4b:s18+s5], $0x7000, s6, s5, $0x38;
	[tilespmem:$0x1CA80] =	vst v63  }
0x21a: {  	_ =	swait.ge [sflag:s16], $0x7000  }
0x21b: {  	s18 =	sld [smem:$0x7E6]  }
0x21c: {  	[sflag:s16] =	ssyncset.done $0x0  }
0x21d: {  	[sflag:s16] =	ssyncadd.s32 $0xFFFF9000  }
0x21e: {  	[hbm4b:s3+s7] =	stream.indirect.scatter [tilespmem:s14], [sflag:$0x8], $0x1C0, s18, s7, $0xb8;
	[tilespmem:$0x1CA80] =	vst v63  }
0x21f: {  	_ =	swait.ge [sflag:s11], $0x7000  }
0x220: {  	[sflag:s11] =	ssyncset.done $0x0  }
0x221: {  	s18 =	rddreg [dreg:$0xd];
	[sflag:s11] =	ssyncadd.s32 $0xFFFF9000  }
0x222: {  	[tilespmem:s4], [sflag:$0x2] =	stream.strided.gather [hbm4b:s18+s5], $0x7000, s6, s5, $0x38;
	[tilespmem:$0x1CA80] =	vst v63  }
0x223: {  	_ =	swait.ge [sflag:s8], $0x7000  }
0x224: {  	s18 =	sld [smem:$0x7E7]  }
0x225: {  	[sflag:s8] =	ssyncset.done $0x0  }
0x226: {  	[sflag:s8] =	ssyncadd.s32 $0xFFFF9000  }
0x227: {  	[hbm4b:s3+s7] =	stream.indirect.scatter [tilespmem:s2], [sflag:$0x5], $0x1C0, s18, s7, $0xb8;
	[tilespmem:$0x1CA80] =	vst v63  }
0x228: {  	_ =	swait.ge [sflag:s13], $0x7000  }
0x229: {  	[sflag:s13] =	ssyncset.done $0x0  }
0x22a: {  	s18 =	rddreg [dreg:$0xe];
	[sflag:s13] =	ssyncadd.s32 $0xFFFF9000  }
0x22b: {  	[tilespmem:s15], [sflag:$0x3] =	stream.strided.gather [hbm4b:s18+s5], $0x7000, s6, s5, $0x38;
	[tilespmem:$0x1CA80] =	vst v63  }
0x22c: {  	_ =	swait.ge [sflag:s10], $0x7000  }
0x22d: {  	s18 =	sld [smem:$0x7E8]  }
0x22e: {  	[sflag:s10] =	ssyncset.done $0x0  }
0x22f: {  	[sflag:s10] =	ssyncadd.s32 $0xFFFF9000  }
0x230: {  	[hbm4b:s3+s7] =	stream.indirect.scatter [tilespmem:s4], [sflag:$0x6], $0x1C0, s18, s7, $0xb8;
	[tilespmem:$0x1CA80] =	vst v63  }
0x231: {  	_ =	swait.ge [sflag:s12], $0x7000  }
0x232: {  	[sflag:s12] =	ssyncset.done $0x0  }
0x233: {  	s18 =	rddreg [dreg:$0xf];
	[sflag:s12] =	ssyncadd.s32 $0xFFFF9000  }
0x234: {  	[tilespmem:s14], [sflag:$0x4] =	stream.strided.gather [hbm4b:s18+s5], $0x7000, s6, s5, $0x38;
	[tilespmem:$0x1CA80] =	vst v63  }
0x235: {  	_ =	swait.ge [sflag:s17], $0x7000  }
0x236: {  	s18 =	sld [smem:$0x7E9]  }
0x237: {  	[sflag:s17] =	ssyncset.done $0x0  }
0x238: {  	[sflag:s17] =	ssyncadd.s32 $0xFFFF9000  }
0x239: {  	[hbm4b:s3+s7] =	stream.indirect.scatter [tilespmem:s15], [sflag:$0x7], $0x1C0, s18, s7, $0xb8;
	[tilespmem:$0x1CA80] =	vst v63  }
0x23a: {  	_ =	swait.ge [sflag:s9], $0x7000  }
0x23b: {  	[sflag:s9] =	ssyncset.done $0x0  }
0x23c: {  	s18 =	rddreg [dreg:$0x10];
	[sflag:s9] =	ssyncadd.s32 $0xFFFF9000  }
0x23d: {  	[tilespmem:s2], [sflag:$0x1] =	stream.strided.gather [hbm4b:s18+s5], $0x7000, s6, s5, $0x38;
	[tilespmem:$0x1CA80] =	vst v63  }
0x23e: {  	_ =	swait.ge [sflag:s16], $0x7000  }
0x23f: {  	s18 =	sld [smem:$0x7EA]  }
0x240: {  	[sflag:s16] =	ssyncset.done $0x0  }
0x241: {  	[sflag:s16] =	ssyncadd.s32 $0xFFFF9000  }
0x242: {  	[hbm4b:s3+s7] =	stream.indirect.scatter [tilespmem:s14], [sflag:$0x8], $0x1C0, s18, s7, $0xb8;
	[tilespmem:$0x1CA80] =	vst v63  }
0x243: {  	_ =	swait.ge [sflag:s11], $0x7000  }
0x244: {  	[sflag:s11] =	ssyncset.done $0x0  }
0x245: {  	s18 =	rddreg [dreg:$0x11];
	[sflag:s11] =	ssyncadd.s32 $0xFFFF9000  }
0x246: {  	[tilespmem:s4], [sflag:$0x2] =	stream.strided.gather [hbm4b:s18+s5], $0x7000, s6, s5, $0x38;
	[tilespmem:$0x1CA80] =	vst v63  }
0x247: {  	_ =	swait.ge [sflag:s8], $0x7000  }
0x248: {  	s18 =	sld [smem:$0x7EB]  }
0x249: {  	[sflag:s8] =	ssyncset.done $0x0  }
0x24a: {  	[sflag:s8] =	ssyncadd.s32 $0xFFFF9000  }
0x24b: {  	[hbm4b:s3+s7] =	stream.indirect.scatter [tilespmem:s2], [sflag:$0x5], $0x1C0, s18, s7, $0xb8;
	[tilespmem:$0x1CA80] =	vst v63  }
0x24c: {  	_ =	swait.ge [sflag:s13], $0x7000  }
0x24d: {  	[sflag:s13] =	ssyncset.done $0x0  }
0x24e: {  	s18 =	rddreg [dreg:$0x12];
	[sflag:s13] =	ssyncadd.s32 $0xFFFF9000  }
0x24f: {  	[tilespmem:s15], [sflag:$0x3] =	stream.strided.gather [hbm4b:s18+s5], $0x7000, s6, s5, $0x38;
	[tilespmem:$0x1CA80] =	vst v63  }
0x250: {  	_ =	swait.ge [sflag:s10], $0x7000  }
0x251: {  	s18 =	sld [smem:$0x7EC]  }
0x252: {  	[sflag:s10] =	ssyncset.done $0x0  }
0x253: {  	[sflag:s10] =	ssyncadd.s32 $0xFFFF9000  }
0x254: {  	[hbm4b:s3+s7] =	stream.indirect.scatter [tilespmem:s4], [sflag:$0x6], $0x1C0, s18, s7, $0xb8;
	[tilespmem:$0x1CA80] =	vst v63  }
0x255: {  	_ =	swait.ge [sflag:s12], $0x7000  }
0x256: {  	[sflag:s12] =	ssyncset.done $0x0  }
0x257: {  	s18 =	rddreg [dreg:$0x13];
	[sflag:s12] =	ssyncadd.s32 $0xFFFF9000  }
0x258: {  	[tilespmem:s14], [sflag:$0x4] =	stream.strided.gather [hbm4b:s18+s5], $0x7000, s6, s5, $0x38;
	[tilespmem:$0x1CA80] =	vst v63  }
0x259: {  	_ =	swait.ge [sflag:s17], $0x7000  }
0x25a: {  	s18 =	sld [smem:$0x7ED]  }
0x25b: {  	[sflag:s17] =	ssyncset.done $0x0  }
0x25c: {  	[sflag:s17] =	ssyncadd.s32 $0xFFFF9000  }
0x25d: {  	[hbm4b:s3+s7] =	stream.indirect.scatter [tilespmem:s15], [sflag:$0x7], $0x1C0, s18, s7, $0xb8;
	[tilespmem:$0x1CA80] =	vst v63  }
0x25e: {  	_ =	swait.ge [sflag:s9], $0x7000  }
0x25f: {  	[sflag:s9] =	ssyncset.done $0x0  }
0x260: {  	s18 =	rddreg [dreg:$0x14];
	[sflag:s9] =	ssyncadd.s32 $0xFFFF9000  }
0x261: {  	[tilespmem:s2], [sflag:$0x1] =	stream.strided.gather [hbm4b:s18+s5], $0x7000, s6, s5, $0x38;
	[tilespmem:$0x1CA80] =	vst v63  }
0x262: {  	_ =	swait.ge [sflag:s16], $0x7000  }
0x263: {  	s18 =	sld [smem:$0x7EE]  }
0x264: {  	[sflag:s16] =	ssyncset.done $0x0  }
0x265: {  	[sflag:s16] =	ssyncadd.s32 $0xFFFF9000  }
0x266: {  	[hbm4b:s3+s7] =	stream.indirect.scatter [tilespmem:s14], [sflag:$0x8], $0x1C0, s18, s7, $0xb8;
	[tilespmem:$0x1CA80] =	vst v63  }
0x267: {  	_ =	swait.ge [sflag:s11], $0x7000  }
0x268: {  	[sflag:s11] =	ssyncset.done $0x0  }
0x269: {  	s18 =	rddreg [dreg:$0x15];
	[sflag:s11] =	ssyncadd.s32 $0xFFFF9000  }
0x26a: {  	[tilespmem:s4], [sflag:$0x2] =	stream.strided.gather [hbm4b:s18+s5], $0x7000, s6, s5, $0x38;
	[tilespmem:$0x1CA80] =	vst v63  }
0x26b: {  	_ =	swait.ge [sflag:s8], $0x7000  }
0x26c: {  	s18 =	sld [smem:$0x7EF]  }
0x26d: {  	[sflag:s8] =	ssyncset.done $0x0  }
0x26e: {  	[sflag:s8] =	ssyncadd.s32 $0xFFFF9000  }
0x26f: {  	[hbm4b:s3+s7] =	stream.indirect.scatter [tilespmem:s2], [sflag:$0x5], $0x1C0, s18, s7, $0xb8;
	[tilespmem:$0x1CA80] =	vst v63  }
0x270: {  	_ =	swait.ge [sflag:s13], $0x7000  }
0x271: {  	[sflag:s13] =	ssyncset.done $0x0  }
0x272: {  	s18 =	rddreg [dreg:$0x16];
	[sflag:s13] =	ssyncadd.s32 $0xFFFF9000  }
0x273: {  	[tilespmem:s15], [sflag:$0x3] =	stream.strided.gather [hbm4b:s18+s5], $0x7000, s6, s5, $0x38;
	[tilespmem:$0x1CA80] =	vst v63  }
0x274: {  	_ =	swait.ge [sflag:s10], $0x7000  }
0x275: {  	s18 =	sld [smem:$0x7F0]  }
0x276: {  	[sflag:s10] =	ssyncset.done $0x0  }
0x277: {  	[sflag:s10] =	ssyncadd.s32 $0xFFFF9000  }
0x278: {  	[hbm4b:s3+s7] =	stream.indirect.scatter [tilespmem:s4], [sflag:$0x6], $0x1C0, s18, s7, $0xb8;
	[tilespmem:$0x1CA80] =	vst v63  }
0x279: {  	_ =	swait.ge [sflag:s12], $0x7000  }
0x27a: {  	[sflag:s12] =	ssyncset.done $0x0  }
0x27b: {  	s18 =	rddreg [dreg:$0x17];
	[sflag:s12] =	ssyncadd.s32 $0xFFFF9000  }
0x27c: {  	[tilespmem:s14], [sflag:$0x4] =	stream.strided.gather [hbm4b:s18+s5], $0x7000, s6, s5, $0x38;
	[tilespmem:$0x1CA80] =	vst v63  }
0x27d: {  	_ =	swait.ge [sflag:s17], $0x7000  }
0x27e: {  	s18 =	sld [smem:$0x7F1]  }
0x27f: {  	[sflag:s17] =	ssyncset.done $0x0  }
0x280: {  	[sflag:s17] =	ssyncadd.s32 $0xFFFF9000  }
0x281: {  	[hbm4b:s3+s7] =	stream.indirect.scatter [tilespmem:s15], [sflag:$0x7], $0x1C0, s18, s7, $0xb8;
	[tilespmem:$0x1CA80] =	vst v63  }
0x282: {  	_ =	swait.ge [sflag:s9], $0x7000  }
0x283: {  	[sflag:s9] =	ssyncset.done $0x0  }
0x284: {  	s18 =	rddreg [dreg:$0x18];
	[sflag:s9] =	ssyncadd.s32 $0xFFFF9000  }
0x285: {  	[tilespmem:s2], [sflag:$0x1] =	stream.strided.gather [hbm4b:s18+s5], $0x7000, s6, s5, $0x38;
	[tilespmem:$0x1CA80] =	vst v63  }
0x286: {  	_ =	swait.ge [sflag:s16], $0x7000  }
0x287: {  	s18 =	sld [smem:$0x7F2]  }
0x288: {  	[sflag:s16] =	ssyncset.done $0x0  }
0x289: {  	[sflag:s16] =	ssyncadd.s32 $0xFFFF9000  }
0x28a: {  	[hbm4b:s3+s7] =	stream.indirect.scatter [tilespmem:s14], [sflag:$0x8], $0x1C0, s18, s7, $0xb8;
	[tilespmem:$0x1CA80] =	vst v63  }
0x28b: {  	_ =	swait.ge [sflag:s11], $0x7000  }
0x28c: {  	[sflag:s11] =	ssyncset.done $0x0  }
0x28d: {  	s18 =	rddreg [dreg:$0x19];
	[sflag:s11] =	ssyncadd.s32 $0xFFFF9000  }
0x28e: {  	[tilespmem:s4], [sflag:$0x2] =	stream.strided.gather [hbm4b:s18+s5], $0x7000, s6, s5, $0x38;
	[tilespmem:$0x1CA80] =	vst v63  }
0x28f: {  	_ =	swait.ge [sflag:s8], $0x7000  }
0x290: {  	s18 =	sld [smem:$0x7F3]  }
0x291: {  	[sflag:s8] =	ssyncset.done $0x0  }
0x292: {  	[sflag:s8] =	ssyncadd.s32 $0xFFFF9000  }
0x293: {  	[hbm4b:s3+s7] =	stream.indirect.scatter [tilespmem:s2], [sflag:$0x5], $0x1C0, s18, s7, $0xb8;
	[tilespmem:$0x1CA80] =	vst v63  }
0x294: {  	_ =	swait.ge [sflag:s13], $0x7000  }
0x295: {  	[sflag:s13] =	ssyncset.done $0x0  }
0x296: {  	s18 =	rddreg [dreg:$0x1a];
	[sflag:s13] =	ssyncadd.s32 $0xFFFF9000  }
0x297: {  	[tilespmem:s15], [sflag:$0x3] =	stream.strided.gather [hbm4b:s18+s5], $0x7000, s6, s5, $0x38;
	[tilespmem:$0x1CA80] =	vst v63  }
0x298: {  	_ =	swait.ge [sflag:s10], $0x7000  }
0x299: {  	s18 =	sld [smem:$0x7F4]  }
0x29a: {  	[sflag:s10] =	ssyncset.done $0x0  }
0x29b: {  	[sflag:s10] =	ssyncadd.s32 $0xFFFF9000  }
0x29c: {  	[hbm4b:s3+s7] =	stream.indirect.scatter [tilespmem:s4], [sflag:$0x6], $0x1C0, s18, s7, $0xb8;
	[tilespmem:$0x1CA80] =	vst v63  }
0x29d: {  	_ =	swait.ge [sflag:s12], $0x7000  }
0x29e: {  	[sflag:s12] =	ssyncset.done $0x0  }
0x29f: {  	s18 =	rddreg [dreg:$0x1b];
	[sflag:s12] =	ssyncadd.s32 $0xFFFF9000  }
0x2a0: {  	[tilespmem:s14], [sflag:$0x4] =	stream.strided.gather [hbm4b:s18+s5], $0x7000, s6, s5, $0x38;
	[tilespmem:$0x1CA80] =	vst v63  }
0x2a1: {  	_ =	swait.ge [sflag:s17], $0x7000  }
0x2a2: {  	s18 =	sld [smem:$0x7F5]  }
0x2a3: {  	[sflag:s17] =	ssyncset.done $0x0  }
0x2a4: {  	[sflag:s17] =	ssyncadd.s32 $0xFFFF9000  }
0x2a5: {  	[hbm4b:s3+s7] =	stream.indirect.scatter [tilespmem:s15], [sflag:$0x7], $0x1C0, s18, s7, $0xb8;
	[tilespmem:$0x1CA80] =	vst v63  }
0x2a6: {  	_ =	swait.ge [sflag:s9], $0x7000  }
0x2a7: {  	[sflag:s9] =	ssyncset.done $0x0  }
0x2a8: {  	s18 =	rddreg [dreg:$0x1c];
	[sflag:s9] =	ssyncadd.s32 $0xFFFF9000  }
0x2a9: {  	[tilespmem:s2], [sflag:$0x1] =	stream.strided.gather [hbm4b:s18+s5], $0x7000, s6, s5, $0x38;
	[tilespmem:$0x1CA80] =	vst v63  }
0x2aa: {  	_ =	swait.ge [sflag:s16], $0x7000  }
0x2ab: {  	s18 =	sld [smem:$0x7F6]  }
0x2ac: {  	[sflag:s16] =	ssyncset.done $0x0  }
0x2ad: {  	[sflag:s16] =	ssyncadd.s32 $0xFFFF9000  }
0x2ae: {  	[hbm4b:s3+s7] =	stream.indirect.scatter [tilespmem:s14], [sflag:$0x8], $0x1C0, s18, s7, $0xb8;
	[tilespmem:$0x1CA80] =	vst v63  }
0x2af: {  	_ =	swait.ge [sflag:s11], $0x7000  }
0x2b0: {  	[sflag:s11] =	ssyncset.done $0x0  }
0x2b1: {  	s18 =	rddreg [dreg:$0x1d];
	[sflag:s11] =	ssyncadd.s32 $0xFFFF9000  }
0x2b2: {  	[tilespmem:s4], [sflag:$0x2] =	stream.strided.gather [hbm4b:s18+s5], $0x7000, s6, s5, $0x38;
	[tilespmem:$0x1CA80] =	vst v63  }
0x2b3: {  	_ =	swait.ge [sflag:s8], $0x7000  }
0x2b4: {  	s18 =	sld [smem:$0x7F7]  }
0x2b5: {  	[sflag:s8] =	ssyncset.done $0x0  }
0x2b6: {  	[sflag:s8] =	ssyncadd.s32 $0xFFFF9000  }
0x2b7: {  	[hbm4b:s3+s7] =	stream.indirect.scatter [tilespmem:s2], [sflag:$0x5], $0x1C0, s18, s7, $0xb8;
	[tilespmem:$0x1CA80] =	vst v63  }
0x2b8: {  	_ =	swait.ge [sflag:s13], $0x7000  }
0x2b9: {  	[sflag:s13] =	ssyncset.done $0x0  }
0x2ba: {  	s18 =	rddreg [dreg:$0x1e];
	[sflag:s13] =	ssyncadd.s32 $0xFFFF9000  }
0x2bb: {  	[tilespmem:s15], [sflag:$0x3] =	stream.strided.gather [hbm4b:s18+s5], $0x7000, s6, s5, $0x38;
	[tilespmem:$0x1CA80] =	vst v63  }
0x2bc: {  	_ =	swait.ge [sflag:s10], $0x7000  }
0x2bd: {  	s18 =	sld [smem:$0x7F8]  }
0x2be: {  	[sflag:s10] =	ssyncset.done $0x0  }
0x2bf: {  	[sflag:s10] =	ssyncadd.s32 $0xFFFF9000  }
0x2c0: {  	[hbm4b:s3+s7] =	stream.indirect.scatter [tilespmem:s4], [sflag:$0x6], $0x1C0, s18, s7, $0xb8;
	[tilespmem:$0x1CA80] =	vst v63  }
0x2c1: {  	_ =	swait.ge [sflag:s12], $0x7000  }
0x2c2: {  	[sflag:s12] =	ssyncset.done $0x0  }
0x2c3: {  	s18 =	rddreg [dreg:$0x1f];
	[sflag:s12] =	ssyncadd.s32 $0xFFFF9000  }
0x2c4: {  	[tilespmem:s14], [sflag:$0x4] =	stream.strided.gather [hbm4b:s18+s5], $0x7000, s6, s5, $0x38;
	[tilespmem:$0x1CA80] =	vst v63  }
0x2c5: {  	_ =	swait.ge [sflag:s17], $0x7000  }
0x2c6: {  	s18 =	sld [smem:$0x7F9]  }
0x2c7: {  	[sflag:s17] =	ssyncset.done $0x0  }
0x2c8: {  	[sflag:s17] =	ssyncadd.s32 $0xFFFF9000  }
0x2c9: {  	[hbm4b:s3+s7] =	stream.indirect.scatter [tilespmem:s15], [sflag:$0x7], $0x1C0, s18, s7, $0xb8;
	[tilespmem:$0x1CA80] =	vst v63  }
0x2ca: {  	_ =	swait.ge [sflag:s9], $0x7000  }
0x2cb: {  	s18 =	sld [smem:$0x7D2]  }
0x2cc: {  	[sflag:s9] =	ssyncset.done $0x0  }
0x2cd: {  	[sflag:s9] =	ssyncadd.s32 $0xFFFF9000  }
0x2ce: {  	[tilespmem:s2], [sflag:$0x1] =	stream.strided.gather [hbm4b:s18+s5], $0x7000, s6, s5, $0x38;
	[tilespmem:$0x1CA80] =	vst v63  }
0x2cf: {  	_ =	swait.ge [sflag:s16], $0x7000  }
0x2d0: {  	s18 =	sld [smem:$0x7FA]  }
0x2d1: {  	[sflag:s16] =	ssyncset.done $0x0  }
0x2d2: {  	[sflag:s16] =	ssyncadd.s32 $0xFFFF9000  }
0x2d3: {  	[hbm4b:s3+s7] =	stream.indirect.scatter [tilespmem:s14], [sflag:$0x8], $0x1C0, s18, s7, $0xb8;
	[tilespmem:$0x1CA80] =	vst v63  }
0x2d4: {  	_ =	swait.ge [sflag:s11], $0x7000  }
0x2d5: {  	s18 =	sld [smem:$0x7D3]  }
0x2d6: {  	[sflag:s11] =	ssyncset.done $0x0  }
0x2d7: {  	[sflag:s11] =	ssyncadd.s32 $0xFFFF9000  }
0x2d8: {  	[tilespmem:s4], [sflag:$0x2] =	stream.strided.gather [hbm4b:s18+s5], $0x7000, s6, s5, $0x38;
	[tilespmem:$0x1CA80] =	vst v63  }
0x2d9: {  	_ =	swait.ge [sflag:s8], $0x7000  }
0x2da: {  	s18 =	sld [smem:$0x7FB]  }
0x2db: {  	[sflag:s8] =	ssyncset.done $0x0  }
0x2dc: {  	[sflag:s8] =	ssyncadd.s32 $0xFFFF9000  }
0x2dd: {  	[hbm4b:s3+s7] =	stream.indirect.scatter [tilespmem:s2], [sflag:$0x5], $0x1C0, s18, s7, $0xb8;
	[tilespmem:$0x1CA80] =	vst v63  }
0x2de: {  	_ =	swait.ge [sflag:s13], $0x7000  }
0x2df: {  	s18 =	sld [smem:$0x7D4]  }
0x2e0: {  	[sflag:s13] =	ssyncset.done $0x0  }
0x2e1: {  	[sflag:s13] =	ssyncadd.s32 $0xFFFF9000  }
0x2e2: {  	[tilespmem:s15], [sflag:$0x3] =	stream.strided.gather [hbm4b:s18+s5], $0x7000, s6, s5, $0x38;
	[tilespmem:$0x1CA80] =	vst v63  }
0x2e3: {  	_ =	swait.ge [sflag:s10], $0x7000  }
0x2e4: {  	s18 =	sld [smem:$0x7FC]  }
0x2e5: {  	[sflag:s10] =	ssyncset.done $0x0  }
0x2e6: {  	[sflag:s10] =	ssyncadd.s32 $0xFFFF9000  }
0x2e7: {  	[hbm4b:s3+s7] =	stream.indirect.scatter [tilespmem:s4], [sflag:$0x6], $0x1C0, s18, s7, $0xb8;
	[tilespmem:$0x1CA80] =	vst v63  }
0x2e8: {  	_ =	swait.ge [sflag:s12], $0x7000  }
0x2e9: {  	s18 =	sld [smem:$0x7D5]  }
0x2ea: {  	[sflag:s12] =	ssyncset.done $0x0  }
0x2eb: {  	[sflag:s12] =	ssyncadd.s32 $0xFFFF9000  }
0x2ec: {  	[tilespmem:s14], [sflag:$0x4] =	stream.strided.gather [hbm4b:s18+s5], $0x7000, s6, s5, $0x38;
	[tilespmem:$0x1CA80] =	vst v63  }
0x2ed: {  	_ =	swait.ge [sflag:s17], $0x7000  }
0x2ee: {  	s18 =	sld [smem:$0x7FD]  }
0x2ef: {  	[sflag:s17] =	ssyncset.done $0x0  }
0x2f0: {  	[sflag:s17] =	ssyncadd.s32 $0xFFFF9000  }
0x2f1: {  	[hbm4b:s3+s7] =	stream.indirect.scatter [tilespmem:s15], [sflag:$0x7], $0x1C0, s18, s7, $0xb8;
	[tilespmem:$0x1CA80] =	vst v63  }
0x2f2: {  	_ =	swait.ge [sflag:s9], $0x7000  }
0x2f3: {  	s18 =	sld [smem:$0x7D6]  }
0x2f4: {  	[sflag:s9] =	ssyncset.done $0x0  }
0x2f5: {  	[sflag:s9] =	ssyncadd.s32 $0xFFFF9000  }
0x2f6: {  	[tilespmem:s2], [sflag:$0x1] =	stream.strided.gather [hbm4b:s18+s5], $0x7000, s6, s5, $0x38;
	[tilespmem:$0x1CA80] =	vst v63  }
0x2f7: {  	_ =	swait.ge [sflag:s16], $0x7000  }
0x2f8: {  	[sflag:s16] =	ssyncset.done $0x0  }
0x2f9: {  	s18 =	simm.s32 $0x1C7C0;
	[sflag:s16] =	ssyncadd.s32 $0xFFFF9000  }
0x2fa: {  	[hbm4b:s3+s7] =	stream.indirect.scatter [tilespmem:s14], [sflag:$0x8], $0x1C0, s18, s7, $0xb8;
	[tilespmem:$0x1CA80] =	vst v63  }
0x2fb: {  	_ =	swait.ge [sflag:s11], $0x7000  }
0x2fc: {  	s18 =	sld [smem:$0x7D7]  }
0x2fd: {  	[sflag:s11] =	ssyncset.done $0x0  }
0x2fe: {  	[sflag:s11] =	ssyncadd.s32 $0xFFFF9000  }
0x2ff: {  	[tilespmem:s4], [sflag:$0x2] =	stream.strided.gather [hbm4b:s18+s5], $0x7000, s6, s5, $0x38;
	[tilespmem:$0x1CA80] =	vst v63  }
0x300: {  	_ =	swait.ge [sflag:s8], $0x7000  }
0x301: {  	[sflag:s8] =	ssyncset.done $0x0  }
0x302: {  	[sflag:s8] =	ssyncadd.s32 $0xFFFF9000  }
0x303: {  	[hbm4b:s3+s7] =	stream.indirect.scatter [tilespmem:s2], [sflag:$0x5], $0x1C0, s29, s7, $0xb8;
	[tilespmem:$0x1CA80] =	vst v63  }
0x304: {  	_ =	swait.ge [sflag:s13], $0x7000  }
0x305: {  	s18 =	sld [smem:$0x7D8]  }
0x306: {  	[sflag:s13] =	ssyncset.done $0x0  }
0x307: {  	[sflag:s13] =	ssyncadd.s32 $0xFFFF9000  }
0x308: {  	[tilespmem:s15], [sflag:$0x3] =	stream.strided.gather [hbm4b:s18+s5], $0x7000, s6, s5, $0x38;
	[tilespmem:$0x1CA80] =	vst v63  }
0x309: {  	_ =	swait.ge [sflag:s10], $0x7000  }
0x30a: {  	[sflag:s10] =	ssyncset.done $0x0  }
0x30b: {  	[sflag:s10] =	ssyncadd.s32 $0xFFFF9000  }
0x30c: {  	[hbm4b:s3+s7] =	stream.indirect.scatter [tilespmem:s4], [sflag:$0x6], $0x1C0, s28, s7, $0xb8;
	[tilespmem:$0x1CA80] =	vst v63  }
0x30d: {  	_ =	swait.ge [sflag:s12], $0x7000  }
0x30e: {  	s18 =	sld [smem:$0x7D9]  }
0x30f: {  	[sflag:s12] =	ssyncset.done $0x0  }
0x310: {  	[sflag:s12] =	ssyncadd.s32 $0xFFFF9000  }
0x311: {  	[tilespmem:s14], [sflag:$0x4] =	stream.strided.gather [hbm4b:s18+s5], $0x7000, s6, s5, $0x38;
	[tilespmem:$0x1CA80] =	vst v63  }
0x312: {  	_ =	swait.ge [sflag:s17], $0x7000  }
0x313: {  	[sflag:s17] =	ssyncset.done $0x0  }
0x314: {  	[sflag:s17] =	ssyncadd.s32 $0xFFFF9000  }
0x315: {  	[hbm4b:s3+s7] =	stream.indirect.scatter [tilespmem:s15], [sflag:$0x7], $0x1C0, s26, s7, $0xb8;
	[tilespmem:$0x1CA80] =	vst v63  }
0x316: {  	_ =	swait.ge [sflag:s9], $0x7000  }
0x317: {  	s18 =	sld [smem:$0x7DA]  }
0x318: {  	[sflag:s9] =	ssyncset.done $0x0  }
0x319: {  	[sflag:s9] =	ssyncadd.s32 $0xFFFF9000  }
0x31a: {  	[tilespmem:s2], [sflag:$0x1] =	stream.strided.gather [hbm4b:s18+s5], $0x7000, s6, s5, $0x38;
	[tilespmem:$0x1CA80] =	vst v63  }
0x31b: {  	_ =	swait.ge [sflag:s16], $0x7000  }
0x31c: {  	[sflag:s16] =	ssyncset.done $0x0  }
0x31d: {  	[sflag:s16] =	ssyncadd.s32 $0xFFFF9000  }
0x31e: {  	[hbm4b:s3+s7] =	stream.indirect.scatter [tilespmem:s14], [sflag:$0x8], $0x1C0, s25, s7, $0xb8;
	[tilespmem:$0x1CA80] =	vst v63  }
0x31f: {  	_ =	swait.ge [sflag:s11], $0x7000  }
0x320: {  	s18 =	sld [smem:$0x7DB]  }
0x321: {  	[sflag:s11] =	ssyncset.done $0x0  }
0x322: {  	[sflag:s11] =	ssyncadd.s32 $0xFFFF9000  }
0x323: {  	[tilespmem:s4], [sflag:$0x2] =	stream.strided.gather [hbm4b:s18+s5], $0x7000, s6, s5, $0x38;
	[tilespmem:$0x1CA80] =	vst v63  }
0x324: {  	_ =	swait.ge [sflag:s8], $0x7000  }
0x325: {  	[sflag:s8] =	ssyncset.done $0x0  }
0x326: {  	[sflag:s8] =	ssyncadd.s32 $0xFFFF9000  }
0x327: {  	[hbm4b:s3+s7] =	stream.indirect.scatter [tilespmem:s2], [sflag:$0x5], $0x1C0, s24, s7, $0xb8;
	[tilespmem:$0x1CA80] =	vst v63  }
0x328: {  	_ =	swait.ge [sflag:s13], $0x7000  }
0x329: {  	s18 =	sld [smem:$0x7DC]  }
0x32a: {  	[sflag:s13] =	ssyncset.done $0x0  }
0x32b: {  	[sflag:s13] =	ssyncadd.s32 $0xFFFF9000  }
0x32c: {  	[tilespmem:s15], [sflag:$0x3] =	stream.strided.gather [hbm4b:s18+s5], $0x7000, s6, s5, $0x38;
	[tilespmem:$0x1CA80] =	vst v63  }
0x32d: {  	_ =	swait.ge [sflag:s10], $0x7000  }
0x32e: {  	[sflag:s10] =	ssyncset.done $0x0  }
0x32f: {  	[sflag:s10] =	ssyncadd.s32 $0xFFFF9000  }
0x330: {  	[hbm4b:s3+s7] =	stream.indirect.scatter [tilespmem:s4], [sflag:$0x6], $0x1C0, s23, s7, $0xb8;
	[tilespmem:$0x1CA80] =	vst v63  }
0x331: {  	_ =	swait.ge [sflag:s12], $0x7000  }
0x332: {  	s18 =	sld [smem:$0x7DD]  }
0x333: {  	[sflag:s12] =	ssyncset.done $0x0  }
0x334: {  	[sflag:s12] =	ssyncadd.s32 $0xFFFF9000  }
0x335: {  	[tilespmem:s14], [sflag:$0x4] =	stream.strided.gather [hbm4b:s18+s5], $0x7000, s6, s5, $0x38;
	[tilespmem:$0x1CA80] =	vst v63  }
0x336: {  	_ =	swait.ge [sflag:s17], $0x7000  }
0x337: {  	[sflag:s17] =	ssyncset.done $0x0  }
0x338: {  	[sflag:s17] =	ssyncadd.s32 $0xFFFF9000  }
0x339: {  	[hbm4b:s3+s7] =	stream.indirect.scatter [tilespmem:s15], [sflag:$0x7], $0x1C0, s22, s7, $0xb8;
	[tilespmem:$0x1CA80] =	vst v63  }
0x33a: {  	_ =	swait.ge [sflag:s9], $0x7000  }
0x33b: {  	s18 =	sld [smem:$0x7DE]  }
0x33c: {  	[sflag:s9] =	ssyncset.done $0x0  }
0x33d: {  	[sflag:s9] =	ssyncadd.s32 $0xFFFF9000  }
0x33e: {  	[tilespmem:s2], [sflag:$0x1] =	stream.strided.gather [hbm4b:s18+s5], $0x7000, s6, s5, $0x38;
	[tilespmem:$0x1CA80] =	vst v63  }
0x33f: {  	_ =	swait.ge [sflag:s16], $0x7000  }
0x340: {  	[sflag:s16] =	ssyncset.done $0x0  }
0x341: {  	[sflag:s16] =	ssyncadd.s32 $0xFFFF9000  }
0x342: {  	[hbm4b:s3+s7] =	stream.indirect.scatter [tilespmem:s14], [sflag:$0x8], $0x1C0, s21, s7, $0xb8;
	[tilespmem:$0x1CA80] =	vst v63  }
0x343: {  	_ =	swait.ge [sflag:s11], $0x7000  }
0x344: {  	s18 =	sld [smem:$0x7DF]  }
0x345: {  	[sflag:s11] =	ssyncset.done $0x0  }
0x346: {  	[sflag:s11] =	ssyncadd.s32 $0xFFFF9000  }
0x347: {  	[tilespmem:s4], [sflag:$0x2] =	stream.strided.gather [hbm4b:s18+s5], $0x7000, s6, s5, $0x38;
	[tilespmem:$0x1CA80] =	vst v63  }
0x348: {  	_ =	swait.ge [sflag:s8], $0x7000  }
0x349: {  	[sflag:s8] =	ssyncset.done $0x0  }
0x34a: {  	[sflag:s8] =	ssyncadd.s32 $0xFFFF9000  }
0x34b: {  	[hbm4b:s3+s7] =	stream.indirect.scatter [tilespmem:s2], [sflag:$0x5], $0x1C0, s20, s7, $0xb8;
	[tilespmem:$0x1CA80] =	vst v63  }
0x34c: {  	_ =	swait.ge [sflag:s10], $0x7000  }
0x34d: {  	[sflag:s10] =	ssyncset.done $0x0  }
0x34e: {  	[sflag:s10] =	ssyncadd.s32 $0xFFFF9000  }
0x34f: {  	[hbm4b:s3+s7] =	stream.indirect.scatter [tilespmem:s4], [sflag:$0x6], $0x1C0, s19, s7, $0xb8;
	[tilespmem:$0x1CA80] =	vst v63  }
0x350: {  	_ =	swait.ge [sflag:s13], $0x7000  }
0x351: {  	[sflag:s13] =	ssyncset.done $0x0  }
0x352: {  	[sflag:s13] =	ssyncadd.s32 $0xFFFF9000  }
0x353: {  	_ =	swait.ge [sflag:s12], $0x7000  }
0x354: {  	[sflag:s12] =	ssyncset.done $0x0  }
0x355: {  	p1 =	sne.s32 s1, $0x1;
	[sflag:s12] =	ssyncadd.s32 $0xFFFF9000  }
.Ltmp2:
0x356: {  	_ =	swait.ge [sflag:s9], $0x7000;
	(pc) =	sbr.rel @p1 .LBB2_4-.Ltmp2, $4  }
0x357: {  	[sflag:s9] =	ssyncset.done $0x0  }
0x358: {  	[sflag:s9] =	ssyncadd.s32 $0xFFFF9000  }
0x359: {  	_ =	swait.ge [sflag:s11], $0x7000  }
0x35a: {  	s1 =	sadd.s32 $0xFFFFFFFF, s1;
	s0 =	rddreg [dreg:$0x3];
	[sflag:s11] =	ssyncset.done $0x0  }
0x35b: {  	s19 =	simm.s32 $0x1C7C0;
	s29 =	simm.s32 $0x1C800  }
0x35c: {  	s28 =	simm.s32 $0x1C840;
	s26 =	simm.s32 $0x1C880;
	s25 =	simm.s32 $0x1C8C0  }
0x35d: {  	s24 =	simm.s32 $0x1C900;
	s23 =	simm.s32 $0x1C940;
	s22 =	simm.s32 $0x1C980  }
0x35e: {  	s21 =	simm.s32 $0x1C9C0;
	s20 =	simm.s32 $0x1CA00;
	s18 =	stileid.u32  }
.LBB2_6:
0x35f: {  	[sflag:s11] =	ssyncadd.s32 @p0 $0xFFFF9000  }
0x360: {  	[tilespmem:s30], [sflag:$0x9] =	stream.linear.gather [hbm4b:s0+s2], $0xA80, $0x38;
	[tilespmem:$0x1CA80] =	vst v63  }
0x361: {  	_ =	swait.ge [sflag:s31], $0xA80  }
0x362: {  	[sflag:s31] =	ssyncset.done $0x0  }
0x363: {  	s0 =	rddreg [dreg:$0x4];
	[sflag:s31] =	ssyncadd.s32 $0xFFFFF580  }
0x364: {  	[tilespmem:s2], [sflag:$0x1] =	stream.strided.gather [hbm4b:s0+s5], $0x7000, s6, s5, $0x38;
	[tilespmem:$0x1CA80] =	vst v63  }
0x365: {  	s1 =	rddreg [dreg:$0x5]  }
0x366: {  	[tilespmem:s4], [sflag:$0x2] =	stream.strided.gather [hbm4b:s1+s5], $0x7000, s6, s5, $0x38;
	[tilespmem:$0x1CA80] =	vst v63  }
0x367: {  	_ =	swait.ge [sflag:s8], $0x7000  }
0x368: {  	[sflag:s8] =	ssyncset.done $0x0  }
0x369: {  	[sflag:s8] =	ssyncadd.s32 $0xFFFF9000  }
0x36a: {  	[hbm4b:s3+s7] =	stream.indirect.scatter [tilespmem:s2], [sflag:$0x5], $0x1C0, s30, s7, $0xb8;
	[tilespmem:$0x1CA80] =	vst v63  }
0x36b: {  	s1 =	rddreg [dreg:$0x6]  }
0x36c: {  	[tilespmem:s15], [sflag:$0x3] =	stream.strided.gather [hbm4b:s1+s5], $0x7000, s6, s5, $0x38;
	[tilespmem:$0x1CA80] =	vst v63  }
0x36d: {  	_ =	swait.ge [sflag:s10], $0x7000  }
0x36e: {  	s30 =	sld [smem:$0x7E0]  }
0x36f: {  	[sflag:s10] =	ssyncset.done $0x0  }
0x370: {  	[sflag:s10] =	ssyncadd.s32 $0xFFFF9000  }
0x371: {  	[hbm4b:s3+s7] =	stream.indirect.scatter [tilespmem:s4], [sflag:$0x6], $0x1C0, s30, s7, $0xb8;
	[tilespmem:$0x1CA80] =	vst v63  }
0x372: {  	s31 =	rddreg [dreg:$0x7]  }
0x373: {  	[tilespmem:s14], [sflag:$0x4] =	stream.strided.gather [hbm4b:s31+s5], $0x7000, s6, s5, $0x38;
	[tilespmem:$0x1CA80] =	vst v63  }
0x374: {  	_ =	swait.ge [sflag:s17], $0x7000  }
0x375: {  	s1 =	sld [smem:$0x7E1]  }
0x376: {  	[sflag:s17] =	ssyncset.done $0x0  }
0x377: {  	[sflag:s17] =	ssyncadd.s32 $0xFFFF9000  }
0x378: {  	[hbm4b:s3+s7] =	stream.indirect.scatter [tilespmem:s15], [sflag:$0x7], $0x1C0, s1, s7, $0xb8;
	[tilespmem:$0x1CA80] =	vst v63  }
0x379: {  	_ =	swait.ge [sflag:s9], $0x7000  }
0x37a: {  	[sflag:s9] =	ssyncset.done $0x0  }
0x37b: {  	s30 =	rddreg [dreg:$0x8];
	[sflag:s9] =	ssyncadd.s32 $0xFFFF9000  }
0x37c: {  	[tilespmem:s2], [sflag:$0x1] =	stream.strided.gather [hbm4b:s30+s5], $0x7000, s6, s5, $0x38;
	[tilespmem:$0x1CA80] =	vst v63  }
0x37d: {  	_ =	swait.ge [sflag:s16], $0x7000  }
0x37e: {  	s31 =	sld [smem:$0x7E2]  }
0x37f: {  	[sflag:s16] =	ssyncset.done $0x0  }
0x380: {  	[sflag:s16] =	ssyncadd.s32 $0xFFFF9000  }
0x381: {  	[hbm4b:s3+s7] =	stream.indirect.scatter [tilespmem:s14], [sflag:$0x8], $0x1C0, s31, s7, $0xb8;
	[tilespmem:$0x1CA80] =	vst v63  }
0x382: {  	_ =	swait.ge [sflag:s11], $0x7000  }
0x383: {  	[sflag:s11] =	ssyncset.done $0x0  }
0x384: {  	s1 =	rddreg [dreg:$0x9];
	[sflag:s11] =	ssyncadd.s32 $0xFFFF9000  }
0x385: {  	[tilespmem:s4], [sflag:$0x2] =	stream.strided.gather [hbm4b:s1+s5], $0x7000, s6, s5, $0x38;
	[tilespmem:$0x1CA80] =	vst v63  }
0x386: {  	_ =	swait.ge [sflag:s8], $0x7000  }
0x387: {  	s30 =	sld [smem:$0x7E3]  }
0x388: {  	[sflag:s8] =	ssyncset.done $0x0  }
0x389: {  	[sflag:s8] =	ssyncadd.s32 $0xFFFF9000  }
0x38a: {  	[hbm4b:s3+s7] =	stream.indirect.scatter [tilespmem:s2], [sflag:$0x5], $0x1C0, s30, s7, $0xb8;
	[tilespmem:$0x1CA80] =	vst v63  }
0x38b: {  	_ =	swait.ge [sflag:s13], $0x7000  }
0x38c: {  	[sflag:s13] =	ssyncset.done $0x0  }
0x38d: {  	s31 =	rddreg [dreg:$0xa];
	[sflag:s13] =	ssyncadd.s32 $0xFFFF9000  }
0x38e: {  	[tilespmem:s15], [sflag:$0x3] =	stream.strided.gather [hbm4b:s31+s5], $0x7000, s6, s5, $0x38;
	[tilespmem:$0x1CA80] =	vst v63  }
0x38f: {  	_ =	swait.ge [sflag:s10], $0x7000  }
0x390: {  	s1 =	sld [smem:$0x7E4]  }
0x391: {  	[sflag:s10] =	ssyncset.done $0x0  }
0x392: {  	[sflag:s10] =	ssyncadd.s32 $0xFFFF9000  }
0x393: {  	[hbm4b:s3+s7] =	stream.indirect.scatter [tilespmem:s4], [sflag:$0x6], $0x1C0, s1, s7, $0xb8;
	[tilespmem:$0x1CA80] =	vst v63  }
0x394: {  	_ =	swait.ge [sflag:s12], $0x7000  }
0x395: {  	[sflag:s12] =	ssyncset.done $0x0  }
0x396: {  	s30 =	rddreg [dreg:$0xb];
	[sflag:s12] =	ssyncadd.s32 $0xFFFF9000  }
0x397: {  	[tilespmem:s14], [sflag:$0x4] =	stream.strided.gather [hbm4b:s30+s5], $0x7000, s6, s5, $0x38;
	[tilespmem:$0x1CA80] =	vst v63  }
0x398: {  	_ =	swait.ge [sflag:s17], $0x7000  }
0x399: {  	s31 =	sld [smem:$0x7E5]  }
0x39a: {  	[sflag:s17] =	ssyncset.done $0x0  }
0x39b: {  	[sflag:s17] =	ssyncadd.s32 $0xFFFF9000  }
0x39c: {  	[hbm4b:s3+s7] =	stream.indirect.scatter [tilespmem:s15], [sflag:$0x7], $0x1C0, s31, s7, $0xb8;
	[tilespmem:$0x1CA80] =	vst v63  }
0x39d: {  	_ =	swait.ge [sflag:s9], $0x7000  }
0x39e: {  	[sflag:s9] =	ssyncset.done $0x0  }
0x39f: {  	s1 =	rddreg [dreg:$0xc];
	[sflag:s9] =	ssyncadd.s32 $0xFFFF9000  }
0x3a0: {  	[tilespmem:s2], [sflag:$0x1] =	stream.strided.gather [hbm4b:s1+s5], $0x7000, s6, s5, $0x38;
	[tilespmem:$0x1CA80] =	vst v63  }
0x3a1: {  	_ =	swait.ge [sflag:s16], $0x7000  }
0x3a2: {  	s30 =	sld [smem:$0x7E6]  }
0x3a3: {  	[sflag:s16] =	ssyncset.done $0x0  }
0x3a4: {  	[sflag:s16] =	ssyncadd.s32 $0xFFFF9000  }
0x3a5: {  	[hbm4b:s3+s7] =	stream.indirect.scatter [tilespmem:s14], [sflag:$0x8], $0x1C0, s30, s7, $0xb8;
	[tilespmem:$0x1CA80] =	vst v63  }
0x3a6: {  	_ =	swait.ge [sflag:s11], $0x7000  }
0x3a7: {  	[sflag:s11] =	ssyncset.done $0x0  }
0x3a8: {  	s31 =	rddreg [dreg:$0xd];
	[sflag:s11] =	ssyncadd.s32 $0xFFFF9000  }
0x3a9: {  	[tilespmem:s4], [sflag:$0x2] =	stream.strided.gather [hbm4b:s31+s5], $0x7000, s6, s5, $0x38;
	[tilespmem:$0x1CA80] =	vst v63  }
0x3aa: {  	_ =	swait.ge [sflag:s8], $0x7000  }
0x3ab: {  	s1 =	sld [smem:$0x7E7]  }
0x3ac: {  	[sflag:s8] =	ssyncset.done $0x0  }
0x3ad: {  	[sflag:s8] =	ssyncadd.s32 $0xFFFF9000  }
0x3ae: {  	[hbm4b:s3+s7] =	stream.indirect.scatter [tilespmem:s2], [sflag:$0x5], $0x1C0, s1, s7, $0xb8;
	[tilespmem:$0x1CA80] =	vst v63  }
0x3af: {  	_ =	swait.ge [sflag:s13], $0x7000  }
0x3b0: {  	[sflag:s13] =	ssyncset.done $0x0  }
0x3b1: {  	s30 =	rddreg [dreg:$0xe];
	[sflag:s13] =	ssyncadd.s32 $0xFFFF9000  }
0x3b2: {  	[tilespmem:s15], [sflag:$0x3] =	stream.strided.gather [hbm4b:s30+s5], $0x7000, s6, s5, $0x38;
	[tilespmem:$0x1CA80] =	vst v63  }
0x3b3: {  	_ =	swait.ge [sflag:s10], $0x7000  }
0x3b4: {  	s31 =	sld [smem:$0x7E8]  }
0x3b5: {  	[sflag:s10] =	ssyncset.done $0x0  }
0x3b6: {  	[sflag:s10] =	ssyncadd.s32 $0xFFFF9000  }
0x3b7: {  	[hbm4b:s3+s7] =	stream.indirect.scatter [tilespmem:s4], [sflag:$0x6], $0x1C0, s31, s7, $0xb8;
	[tilespmem:$0x1CA80] =	vst v63  }
0x3b8: {  	_ =	swait.ge [sflag:s12], $0x7000  }
0x3b9: {  	[sflag:s12] =	ssyncset.done $0x0  }
0x3ba: {  	s1 =	rddreg [dreg:$0xf];
	[sflag:s12] =	ssyncadd.s32 $0xFFFF9000  }
0x3bb: {  	[tilespmem:s14], [sflag:$0x4] =	stream.strided.gather [hbm4b:s1+s5], $0x7000, s6, s5, $0x38;
	[tilespmem:$0x1CA80] =	vst v63  }
0x3bc: {  	_ =	swait.ge [sflag:s17], $0x7000  }
0x3bd: {  	s30 =	sld [smem:$0x7E9]  }
0x3be: {  	[sflag:s17] =	ssyncset.done $0x0  }
0x3bf: {  	[sflag:s17] =	ssyncadd.s32 $0xFFFF9000  }
0x3c0: {  	[hbm4b:s3+s7] =	stream.indirect.scatter [tilespmem:s15], [sflag:$0x7], $0x1C0, s30, s7, $0xb8;
	[tilespmem:$0x1CA80] =	vst v63  }
0x3c1: {  	_ =	swait.ge [sflag:s9], $0x7000  }
0x3c2: {  	[sflag:s9] =	ssyncset.done $0x0  }
0x3c3: {  	s31 =	rddreg [dreg:$0x10];
	[sflag:s9] =	ssyncadd.s32 $0xFFFF9000  }
0x3c4: {  	[tilespmem:s2], [sflag:$0x1] =	stream.strided.gather [hbm4b:s31+s5], $0x7000, s6, s5, $0x38;
	[tilespmem:$0x1CA80] =	vst v63  }
0x3c5: {  	_ =	swait.ge [sflag:s16], $0x7000  }
0x3c6: {  	s1 =	sld [smem:$0x7EA]  }
0x3c7: {  	[sflag:s16] =	ssyncset.done $0x0  }
0x3c8: {  	[sflag:s16] =	ssyncadd.s32 $0xFFFF9000  }
0x3c9: {  	[hbm4b:s3+s7] =	stream.indirect.scatter [tilespmem:s14], [sflag:$0x8], $0x1C0, s1, s7, $0xb8;
	[tilespmem:$0x1CA80] =	vst v63  }
0x3ca: {  	_ =	swait.ge [sflag:s11], $0x7000  }
0x3cb: {  	[sflag:s11] =	ssyncset.done $0x0  }
0x3cc: {  	s30 =	rddreg [dreg:$0x11];
	[sflag:s11] =	ssyncadd.s32 $0xFFFF9000  }
0x3cd: {  	[tilespmem:s4], [sflag:$0x2] =	stream.strided.gather [hbm4b:s30+s5], $0x7000, s6, s5, $0x38;
	[tilespmem:$0x1CA80] =	vst v63  }
0x3ce: {  	_ =	swait.ge [sflag:s8], $0x7000  }
0x3cf: {  	s31 =	sld [smem:$0x7EB]  }
0x3d0: {  	[sflag:s8] =	ssyncset.done $0x0  }
0x3d1: {  	[sflag:s8] =	ssyncadd.s32 $0xFFFF9000  }
0x3d2: {  	[hbm4b:s3+s7] =	stream.indirect.scatter [tilespmem:s2], [sflag:$0x5], $0x1C0, s31, s7, $0xb8;
	[tilespmem:$0x1CA80] =	vst v63  }
0x3d3: {  	_ =	swait.ge [sflag:s13], $0x7000  }
0x3d4: {  	[sflag:s13] =	ssyncset.done $0x0  }
0x3d5: {  	s1 =	rddreg [dreg:$0x12];
	[sflag:s13] =	ssyncadd.s32 $0xFFFF9000  }
0x3d6: {  	[tilespmem:s15], [sflag:$0x3] =	stream.strided.gather [hbm4b:s1+s5], $0x7000, s6, s5, $0x38;
	[tilespmem:$0x1CA80] =	vst v63  }
0x3d7: {  	_ =	swait.ge [sflag:s10], $0x7000  }
0x3d8: {  	s30 =	sld [smem:$0x7EC]  }
0x3d9: {  	[sflag:s10] =	ssyncset.done $0x0  }
0x3da: {  	[sflag:s10] =	ssyncadd.s32 $0xFFFF9000  }
0x3db: {  	[hbm4b:s3+s7] =	stream.indirect.scatter [tilespmem:s4], [sflag:$0x6], $0x1C0, s30, s7, $0xb8;
	[tilespmem:$0x1CA80] =	vst v63  }
0x3dc: {  	_ =	swait.ge [sflag:s12], $0x7000  }
0x3dd: {  	[sflag:s12] =	ssyncset.done $0x0  }
0x3de: {  	s31 =	rddreg [dreg:$0x13];
	[sflag:s12] =	ssyncadd.s32 $0xFFFF9000  }
0x3df: {  	[tilespmem:s14], [sflag:$0x4] =	stream.strided.gather [hbm4b:s31+s5], $0x7000, s6, s5, $0x38;
	[tilespmem:$0x1CA80] =	vst v63  }
0x3e0: {  	_ =	swait.ge [sflag:s17], $0x7000  }
0x3e1: {  	s1 =	sld [smem:$0x7ED]  }
0x3e2: {  	[sflag:s17] =	ssyncset.done $0x0  }
0x3e3: {  	[sflag:s17] =	ssyncadd.s32 $0xFFFF9000  }
0x3e4: {  	[hbm4b:s3+s7] =	stream.indirect.scatter [tilespmem:s15], [sflag:$0x7], $0x1C0, s1, s7, $0xb8;
	[tilespmem:$0x1CA80] =	vst v63  }
0x3e5: {  	_ =	swait.ge [sflag:s9], $0x7000  }
0x3e6: {  	[sflag:s9] =	ssyncset.done $0x0  }
0x3e7: {  	s30 =	rddreg [dreg:$0x14];
	[sflag:s9] =	ssyncadd.s32 $0xFFFF9000  }
0x3e8: {  	[tilespmem:s2], [sflag:$0x1] =	stream.strided.gather [hbm4b:s30+s5], $0x7000, s6, s5, $0x38;
	[tilespmem:$0x1CA80] =	vst v63  }
0x3e9: {  	_ =	swait.ge [sflag:s16], $0x7000  }
0x3ea: {  	s31 =	sld [smem:$0x7EE]  }
0x3eb: {  	[sflag:s16] =	ssyncset.done $0x0  }
0x3ec: {  	[sflag:s16] =	ssyncadd.s32 $0xFFFF9000  }
0x3ed: {  	[hbm4b:s3+s7] =	stream.indirect.scatter [tilespmem:s14], [sflag:$0x8], $0x1C0, s31, s7, $0xb8;
	[tilespmem:$0x1CA80] =	vst v63  }
0x3ee: {  	_ =	swait.ge [sflag:s11], $0x7000  }
0x3ef: {  	[sflag:s11] =	ssyncset.done $0x0  }
0x3f0: {  	s1 =	rddreg [dreg:$0x15];
	[sflag:s11] =	ssyncadd.s32 $0xFFFF9000  }
0x3f1: {  	[tilespmem:s4], [sflag:$0x2] =	stream.strided.gather [hbm4b:s1+s5], $0x7000, s6, s5, $0x38;
	[tilespmem:$0x1CA80] =	vst v63  }
0x3f2: {  	_ =	swait.ge [sflag:s8], $0x7000  }
0x3f3: {  	s30 =	sld [smem:$0x7EF]  }
0x3f4: {  	[sflag:s8] =	ssyncset.done $0x0  }
0x3f5: {  	[sflag:s8] =	ssyncadd.s32 $0xFFFF9000  }
0x3f6: {  	[hbm4b:s3+s7] =	stream.indirect.scatter [tilespmem:s2], [sflag:$0x5], $0x1C0, s30, s7, $0xb8;
	[tilespmem:$0x1CA80] =	vst v63  }
0x3f7: {  	_ =	swait.ge [sflag:s13], $0x7000  }
0x3f8: {  	[sflag:s13] =	ssyncset.done $0x0  }
0x3f9: {  	s31 =	rddreg [dreg:$0x16];
	[sflag:s13] =	ssyncadd.s32 $0xFFFF9000  }
0x3fa: {  	[tilespmem:s15], [sflag:$0x3] =	stream.strided.gather [hbm4b:s31+s5], $0x7000, s6, s5, $0x38;
	[tilespmem:$0x1CA80] =	vst v63  }
0x3fb: {  	_ =	swait.ge [sflag:s10], $0x7000  }
0x3fc: {  	s1 =	sld [smem:$0x7F0]  }
0x3fd: {  	[sflag:s10] =	ssyncset.done $0x0  }
0x3fe: {  	[sflag:s10] =	ssyncadd.s32 $0xFFFF9000  }
0x3ff: {  	[hbm4b:s3+s7] =	stream.indirect.scatter [tilespmem:s4], [sflag:$0x6], $0x1C0, s1, s7, $0xb8;
	[tilespmem:$0x1CA80] =	vst v63  }
0x400: {  	_ =	swait.ge [sflag:s12], $0x7000  }
0x401: {  	[sflag:s12] =	ssyncset.done $0x0  }
0x402: {  	s30 =	rddreg [dreg:$0x17];
	[sflag:s12] =	ssyncadd.s32 $0xFFFF9000  }
0x403: {  	[tilespmem:s14], [sflag:$0x4] =	stream.strided.gather [hbm4b:s30+s5], $0x7000, s6, s5, $0x38;
	[tilespmem:$0x1CA80] =	vst v63  }
0x404: {  	_ =	swait.ge [sflag:s17], $0x7000  }
0x405: {  	s31 =	sld [smem:$0x7F1]  }
0x406: {  	[sflag:s17] =	ssyncset.done $0x0  }
0x407: {  	[sflag:s17] =	ssyncadd.s32 $0xFFFF9000  }
0x408: {  	[hbm4b:s3+s7] =	stream.indirect.scatter [tilespmem:s15], [sflag:$0x7], $0x1C0, s31, s7, $0xb8;
	[tilespmem:$0x1CA80] =	vst v63  }
0x409: {  	_ =	swait.ge [sflag:s9], $0x7000  }
0x40a: {  	[sflag:s9] =	ssyncset.done $0x0  }
0x40b: {  	s1 =	rddreg [dreg:$0x18];
	[sflag:s9] =	ssyncadd.s32 $0xFFFF9000  }
0x40c: {  	[tilespmem:s2], [sflag:$0x1] =	stream.strided.gather [hbm4b:s1+s5], $0x7000, s6, s5, $0x38;
	[tilespmem:$0x1CA80] =	vst v63  }
0x40d: {  	_ =	swait.ge [sflag:s16], $0x7000  }
0x40e: {  	s30 =	sld [smem:$0x7F2]  }
0x40f: {  	[sflag:s16] =	ssyncset.done $0x0  }
0x410: {  	[sflag:s16] =	ssyncadd.s32 $0xFFFF9000  }
0x411: {  	[hbm4b:s3+s7] =	stream.indirect.scatter [tilespmem:s14], [sflag:$0x8], $0x1C0, s30, s7, $0xb8;
	[tilespmem:$0x1CA80] =	vst v63  }
0x412: {  	_ =	swait.ge [sflag:s11], $0x7000  }
0x413: {  	[sflag:s11] =	ssyncset.done $0x0  }
0x414: {  	s31 =	rddreg [dreg:$0x19];
	[sflag:s11] =	ssyncadd.s32 $0xFFFF9000  }
0x415: {  	[tilespmem:s4], [sflag:$0x2] =	stream.strided.gather [hbm4b:s31+s5], $0x7000, s6, s5, $0x38;
	[tilespmem:$0x1CA80] =	vst v63  }
0x416: {  	_ =	swait.ge [sflag:s8], $0x7000  }
0x417: {  	s1 =	sld [smem:$0x7F3]  }
0x418: {  	[sflag:s8] =	ssyncset.done $0x0  }
0x419: {  	[sflag:s8] =	ssyncadd.s32 $0xFFFF9000  }
0x41a: {  	[hbm4b:s3+s7] =	stream.indirect.scatter [tilespmem:s2], [sflag:$0x5], $0x1C0, s1, s7, $0xb8;
	[tilespmem:$0x1CA80] =	vst v63  }
0x41b: {  	_ =	swait.ge [sflag:s13], $0x7000  }
0x41c: {  	[sflag:s13] =	ssyncset.done $0x0  }
0x41d: {  	s30 =	rddreg [dreg:$0x1a];
	[sflag:s13] =	ssyncadd.s32 $0xFFFF9000  }
0x41e: {  	[tilespmem:s15], [sflag:$0x3] =	stream.strided.gather [hbm4b:s30+s5], $0x7000, s6, s5, $0x38;
	[tilespmem:$0x1CA80] =	vst v63  }
0x41f: {  	_ =	swait.ge [sflag:s10], $0x7000  }
0x420: {  	s31 =	sld [smem:$0x7F4]  }
0x421: {  	[sflag:s10] =	ssyncset.done $0x0  }
0x422: {  	[sflag:s10] =	ssyncadd.s32 $0xFFFF9000  }
0x423: {  	[hbm4b:s3+s7] =	stream.indirect.scatter [tilespmem:s4], [sflag:$0x6], $0x1C0, s31, s7, $0xb8;
	[tilespmem:$0x1CA80] =	vst v63  }
0x424: {  	_ =	swait.ge [sflag:s12], $0x7000  }
0x425: {  	[sflag:s12] =	ssyncset.done $0x0  }
0x426: {  	s1 =	rddreg [dreg:$0x1b];
	[sflag:s12] =	ssyncadd.s32 $0xFFFF9000  }
0x427: {  	[tilespmem:s14], [sflag:$0x4] =	stream.strided.gather [hbm4b:s1+s5], $0x7000, s6, s5, $0x38;
	[tilespmem:$0x1CA80] =	vst v63  }
0x428: {  	_ =	swait.ge [sflag:s17], $0x7000  }
0x429: {  	s30 =	sld [smem:$0x7F5]  }
0x42a: {  	[sflag:s17] =	ssyncset.done $0x0  }
0x42b: {  	[sflag:s17] =	ssyncadd.s32 $0xFFFF9000  }
0x42c: {  	[hbm4b:s3+s7] =	stream.indirect.scatter [tilespmem:s15], [sflag:$0x7], $0x1C0, s30, s7, $0xb8;
	[tilespmem:$0x1CA80] =	vst v63  }
0x42d: {  	_ =	swait.ge [sflag:s9], $0x7000  }
0x42e: {  	[sflag:s9] =	ssyncset.done $0x0  }
0x42f: {  	s31 =	rddreg [dreg:$0x1c];
	[sflag:s9] =	ssyncadd.s32 $0xFFFF9000  }
0x430: {  	[tilespmem:s2], [sflag:$0x1] =	stream.strided.gather [hbm4b:s31+s5], $0x7000, s6, s5, $0x38;
	[tilespmem:$0x1CA80] =	vst v63  }
0x431: {  	_ =	swait.ge [sflag:s16], $0x7000  }
0x432: {  	s1 =	sld [smem:$0x7F6]  }
0x433: {  	[sflag:s16] =	ssyncset.done $0x0  }
0x434: {  	[sflag:s16] =	ssyncadd.s32 $0xFFFF9000  }
0x435: {  	[hbm4b:s3+s7] =	stream.indirect.scatter [tilespmem:s14], [sflag:$0x8], $0x1C0, s1, s7, $0xb8;
	[tilespmem:$0x1CA80] =	vst v63  }
0x436: {  	_ =	swait.ge [sflag:s11], $0x7000  }
0x437: {  	[sflag:s11] =	ssyncset.done $0x0  }
0x438: {  	s30 =	rddreg [dreg:$0x1d];
	[sflag:s11] =	ssyncadd.s32 $0xFFFF9000  }
0x439: {  	[tilespmem:s4], [sflag:$0x2] =	stream.strided.gather [hbm4b:s30+s5], $0x7000, s6, s5, $0x38;
	[tilespmem:$0x1CA80] =	vst v63  }
0x43a: {  	_ =	swait.ge [sflag:s8], $0x7000  }
0x43b: {  	s31 =	sld [smem:$0x7F7]  }
0x43c: {  	[sflag:s8] =	ssyncset.done $0x0  }
0x43d: {  	[sflag:s8] =	ssyncadd.s32 $0xFFFF9000  }
0x43e: {  	[hbm4b:s3+s7] =	stream.indirect.scatter [tilespmem:s2], [sflag:$0x5], $0x1C0, s31, s7, $0xb8;
	[tilespmem:$0x1CA80] =	vst v63  }
0x43f: {  	_ =	swait.ge [sflag:s13], $0x7000  }
0x440: {  	[sflag:s13] =	ssyncset.done $0x0  }
0x441: {  	s1 =	rddreg [dreg:$0x1e];
	[sflag:s13] =	ssyncadd.s32 $0xFFFF9000  }
0x442: {  	[tilespmem:s15], [sflag:$0x3] =	stream.strided.gather [hbm4b:s1+s5], $0x7000, s6, s5, $0x38;
	[tilespmem:$0x1CA80] =	vst v63  }
0x443: {  	_ =	swait.ge [sflag:s10], $0x7000  }
0x444: {  	s30 =	sld [smem:$0x7F8]  }
0x445: {  	[sflag:s10] =	ssyncset.done $0x0  }
0x446: {  	[sflag:s10] =	ssyncadd.s32 $0xFFFF9000  }
0x447: {  	[hbm4b:s3+s7] =	stream.indirect.scatter [tilespmem:s4], [sflag:$0x6], $0x1C0, s30, s7, $0xb8;
	[tilespmem:$0x1CA80] =	vst v63  }
0x448: {  	_ =	swait.ge [sflag:s12], $0x7000  }
0x449: {  	[sflag:s12] =	ssyncset.done $0x0  }
0x44a: {  	s31 =	rddreg [dreg:$0x1f];
	[sflag:s12] =	ssyncadd.s32 $0xFFFF9000  }
0x44b: {  	[tilespmem:s14], [sflag:$0x4] =	stream.strided.gather [hbm4b:s31+s5], $0x7000, s6, s5, $0x38;
	[tilespmem:$0x1CA80] =	vst v63  }
0x44c: {  	_ =	swait.ge [sflag:s17], $0x7000  }
0x44d: {  	s1 =	sld [smem:$0x7F9]  }
0x44e: {  	[sflag:s17] =	ssyncset.done $0x0  }
0x44f: {  	[sflag:s17] =	ssyncadd.s32 $0xFFFF9000  }
0x450: {  	[hbm4b:s3+s7] =	stream.indirect.scatter [tilespmem:s15], [sflag:$0x7], $0x1C0, s1, s7, $0xb8;
	[tilespmem:$0x1CA80] =	vst v63  }
0x451: {  	_ =	swait.ge [sflag:s9], $0x7000  }
0x452: {  	s30 =	sld [smem:$0x7D2]  }
0x453: {  	[sflag:s9] =	ssyncset.done $0x0  }
0x454: {  	[sflag:s9] =	ssyncadd.s32 $0xFFFF9000  }
0x455: {  	[tilespmem:s2], [sflag:$0x1] =	stream.strided.gather [hbm4b:s30+s5], $0x7000, s6, s5, $0x38;
	[tilespmem:$0x1CA80] =	vst v63  }
0x456: {  	_ =	swait.ge [sflag:s16], $0x7000  }
0x457: {  	s31 =	sld [smem:$0x7FA]  }
0x458: {  	[sflag:s16] =	ssyncset.done $0x0  }
0x459: {  	[sflag:s16] =	ssyncadd.s32 $0xFFFF9000  }
0x45a: {  	[hbm4b:s3+s7] =	stream.indirect.scatter [tilespmem:s14], [sflag:$0x8], $0x1C0, s31, s7, $0xb8;
	[tilespmem:$0x1CA80] =	vst v63  }
0x45b: {  	_ =	swait.ge [sflag:s11], $0x7000  }
0x45c: {  	s1 =	sld [smem:$0x7D3]  }
0x45d: {  	[sflag:s11] =	ssyncset.done $0x0  }
0x45e: {  	[sflag:s11] =	ssyncadd.s32 $0xFFFF9000  }
0x45f: {  	[tilespmem:s4], [sflag:$0x2] =	stream.strided.gather [hbm4b:s1+s5], $0x7000, s6, s5, $0x38;
	[tilespmem:$0x1CA80] =	vst v63  }
0x460: {  	_ =	swait.ge [sflag:s8], $0x7000  }
0x461: {  	s30 =	sld [smem:$0x7FB]  }
0x462: {  	[sflag:s8] =	ssyncset.done $0x0  }
0x463: {  	[sflag:s8] =	ssyncadd.s32 $0xFFFF9000  }
0x464: {  	[hbm4b:s3+s7] =	stream.indirect.scatter [tilespmem:s2], [sflag:$0x5], $0x1C0, s30, s7, $0xb8;
	[tilespmem:$0x1CA80] =	vst v63  }
0x465: {  	_ =	swait.ge [sflag:s13], $0x7000  }
0x466: {  	s31 =	sld [smem:$0x7D4]  }
0x467: {  	[sflag:s13] =	ssyncset.done $0x0  }
0x468: {  	[sflag:s13] =	ssyncadd.s32 $0xFFFF9000  }
0x469: {  	[tilespmem:s15], [sflag:$0x3] =	stream.strided.gather [hbm4b:s31+s5], $0x7000, s6, s5, $0x38;
	[tilespmem:$0x1CA80] =	vst v63  }
0x46a: {  	_ =	swait.ge [sflag:s10], $0x7000  }
0x46b: {  	s1 =	sld [smem:$0x7FC]  }
0x46c: {  	[sflag:s10] =	ssyncset.done $0x0  }
0x46d: {  	[sflag:s10] =	ssyncadd.s32 $0xFFFF9000  }
0x46e: {  	[hbm4b:s3+s7] =	stream.indirect.scatter [tilespmem:s4], [sflag:$0x6], $0x1C0, s1, s7, $0xb8;
	[tilespmem:$0x1CA80] =	vst v63  }
0x46f: {  	_ =	swait.ge [sflag:s12], $0x7000  }
0x470: {  	s30 =	sld [smem:$0x7D5]  }
0x471: {  	[sflag:s12] =	ssyncset.done $0x0  }
0x472: {  	[sflag:s12] =	ssyncadd.s32 $0xFFFF9000  }
0x473: {  	[tilespmem:s14], [sflag:$0x4] =	stream.strided.gather [hbm4b:s30+s5], $0x7000, s6, s5, $0x38;
	[tilespmem:$0x1CA80] =	vst v63  }
0x474: {  	_ =	swait.ge [sflag:s17], $0x7000  }
0x475: {  	s31 =	sld [smem:$0x7FD]  }
0x476: {  	[sflag:s17] =	ssyncset.done $0x0  }
0x477: {  	[sflag:s17] =	ssyncadd.s32 $0xFFFF9000  }
0x478: {  	[hbm4b:s3+s7] =	stream.indirect.scatter [tilespmem:s15], [sflag:$0x7], $0x1C0, s31, s7, $0xb8;
	[tilespmem:$0x1CA80] =	vst v63  }
0x479: {  	_ =	swait.ge [sflag:s9], $0x7000  }
0x47a: {  	s1 =	sld [smem:$0x7D6]  }
0x47b: {  	[sflag:s9] =	ssyncset.done $0x0  }
0x47c: {  	[sflag:s9] =	ssyncadd.s32 $0xFFFF9000  }
0x47d: {  	[tilespmem:s2], [sflag:$0x1] =	stream.strided.gather [hbm4b:s1+s5], $0x7000, s6, s5, $0x38;
	[tilespmem:$0x1CA80] =	vst v63  }
0x47e: {  	_ =	swait.ge [sflag:s16], $0x7000  }
0x47f: {  	[sflag:s16] =	ssyncset.done $0x0  }
0x480: {  	[sflag:s16] =	ssyncadd.s32 $0xFFFF9000  }
0x481: {  	[hbm4b:s3+s7] =	stream.indirect.scatter [tilespmem:s14], [sflag:$0x8], $0x1C0, s19, s7, $0xb8;
	[tilespmem:$0x1CA80] =	vst v63  }
0x482: {  	_ =	swait.ge [sflag:s11], $0x7000  }
0x483: {  	s30 =	sld [smem:$0x7D7]  }
0x484: {  	[sflag:s11] =	ssyncset.done $0x0  }
0x485: {  	[sflag:s11] =	ssyncadd.s32 $0xFFFF9000  }
0x486: {  	[tilespmem:s4], [sflag:$0x2] =	stream.strided.gather [hbm4b:s30+s5], $0x7000, s6, s5, $0x38;
	[tilespmem:$0x1CA80] =	vst v63  }
0x487: {  	_ =	swait.ge [sflag:s8], $0x7000  }
0x488: {  	[sflag:s8] =	ssyncset.done $0x0  }
0x489: {  	[sflag:s8] =	ssyncadd.s32 $0xFFFF9000  }
0x48a: {  	[hbm4b:s3+s7] =	stream.indirect.scatter [tilespmem:s2], [sflag:$0x5], $0x1C0, s29, s7, $0xb8;
	[tilespmem:$0x1CA80] =	vst v63  }
0x48b: {  	_ =	swait.ge [sflag:s13], $0x7000  }
0x48c: {  	s31 =	sld [smem:$0x7D8]  }
0x48d: {  	[sflag:s13] =	ssyncset.done $0x0  }
0x48e: {  	[sflag:s13] =	ssyncadd.s32 $0xFFFF9000  }
0x48f: {  	[tilespmem:s15], [sflag:$0x3] =	stream.strided.gather [hbm4b:s31+s5], $0x7000, s6, s5, $0x38;
	[tilespmem:$0x1CA80] =	vst v63  }
0x490: {  	_ =	swait.ge [sflag:s10], $0x7000  }
0x491: {  	[sflag:s10] =	ssyncset.done $0x0  }
0x492: {  	[sflag:s10] =	ssyncadd.s32 $0xFFFF9000  }
0x493: {  	[hbm4b:s3+s7] =	stream.indirect.scatter [tilespmem:s4], [sflag:$0x6], $0x1C0, s28, s7, $0xb8;
	[tilespmem:$0x1CA80] =	vst v63  }
0x494: {  	_ =	swait.ge [sflag:s12], $0x7000  }
0x495: {  	s1 =	sld [smem:$0x7D9]  }
0x496: {  	[sflag:s12] =	ssyncset.done $0x0  }
0x497: {  	[sflag:s12] =	ssyncadd.s32 $0xFFFF9000  }
0x498: {  	[tilespmem:s14], [sflag:$0x4] =	stream.strided.gather [hbm4b:s1+s5], $0x7000, s6, s5, $0x38;
	[tilespmem:$0x1CA80] =	vst v63  }
0x499: {  	_ =	swait.ge [sflag:s17], $0x7000  }
0x49a: {  	[sflag:s17] =	ssyncset.done $0x0  }
0x49b: {  	[sflag:s17] =	ssyncadd.s32 $0xFFFF9000  }
0x49c: {  	[hbm4b:s3+s7] =	stream.indirect.scatter [tilespmem:s15], [sflag:$0x7], $0x1C0, s26, s7, $0xb8;
	[tilespmem:$0x1CA80] =	vst v63  }
0x49d: {  	_ =	swait.ge [sflag:s9], $0x7000  }
0x49e: {  	s19 =	sld [smem:$0x7DA]  }
0x49f: {  	[sflag:s9] =	ssyncset.done $0x0  }
0x4a0: {  	[sflag:s9] =	ssyncadd.s32 $0xFFFF9000  }
0x4a1: {  	[tilespmem:s2], [sflag:$0x1] =	stream.strided.gather [hbm4b:s19+s5], $0x7000, s6, s5, $0x38;
	[tilespmem:$0x1CA80] =	vst v63  }
0x4a2: {  	_ =	swait.ge [sflag:s16], $0x7000  }
0x4a3: {  	[sflag:s16] =	ssyncset.done $0x0  }
0x4a4: {  	[sflag:s16] =	ssyncadd.s32 $0xFFFF9000  }
0x4a5: {  	[hbm4b:s3+s7] =	stream.indirect.scatter [tilespmem:s14], [sflag:$0x8], $0x1C0, s25, s7, $0xb8;
	[tilespmem:$0x1CA80] =	vst v63  }
0x4a6: {  	_ =	swait.ge [sflag:s11], $0x7000  }
0x4a7: {  	s25 =	sld [smem:$0x7DB]  }
0x4a8: {  	[sflag:s11] =	ssyncset.done $0x0  }
0x4a9: {  	[sflag:s11] =	ssyncadd.s32 $0xFFFF9000  }
0x4aa: {  	[tilespmem:s4], [sflag:$0x2] =	stream.strided.gather [hbm4b:s25+s5], $0x7000, s6, s5, $0x38;
	[tilespmem:$0x1CA80] =	vst v63  }
0x4ab: {  	_ =	swait.ge [sflag:s8], $0x7000  }
0x4ac: {  	[sflag:s8] =	ssyncset.done $0x0  }
0x4ad: {  	[sflag:s8] =	ssyncadd.s32 $0xFFFF9000  }
0x4ae: {  	[hbm4b:s3+s7] =	stream.indirect.scatter [tilespmem:s2], [sflag:$0x5], $0x1C0, s24, s7, $0xb8;
	[tilespmem:$0x1CA80] =	vst v63  }
0x4af: {  	_ =	swait.ge [sflag:s13], $0x7000  }
0x4b0: {  	s26 =	sld [smem:$0x7DC]  }
0x4b1: {  	[sflag:s13] =	ssyncset.done $0x0  }
0x4b2: {  	[sflag:s13] =	ssyncadd.s32 $0xFFFF9000  }
0x4b3: {  	[tilespmem:s15], [sflag:$0x3] =	stream.strided.gather [hbm4b:s26+s5], $0x7000, s6, s5, $0x38;
	[tilespmem:$0x1CA80] =	vst v63  }
0x4b4: {  	_ =	swait.ge [sflag:s10], $0x7000  }
0x4b5: {  	[sflag:s10] =	ssyncset.done $0x0  }
0x4b6: {  	[sflag:s10] =	ssyncadd.s32 $0xFFFF9000  }
0x4b7: {  	[hbm4b:s3+s7] =	stream.indirect.scatter [tilespmem:s4], [sflag:$0x6], $0x1C0, s23, s7, $0xb8;
	[tilespmem:$0x1CA80] =	vst v63  }
0x4b8: {  	_ =	swait.ge [sflag:s12], $0x7000  }
0x4b9: {  	s28 =	sld [smem:$0x7DD]  }
0x4ba: {  	[sflag:s12] =	ssyncset.done $0x0  }
0x4bb: {  	[sflag:s12] =	ssyncadd.s32 $0xFFFF9000  }
0x4bc: {  	[tilespmem:s14], [sflag:$0x4] =	stream.strided.gather [hbm4b:s28+s5], $0x7000, s6, s5, $0x38;
	[tilespmem:$0x1CA80] =	vst v63  }
0x4bd: {  	_ =	swait.ge [sflag:s17], $0x7000  }
0x4be: {  	[sflag:s17] =	ssyncset.done $0x0  }
0x4bf: {  	[sflag:s17] =	ssyncadd.s32 $0xFFFF9000  }
0x4c0: {  	[hbm4b:s3+s7] =	stream.indirect.scatter [tilespmem:s15], [sflag:$0x7], $0x1C0, s22, s7, $0xb8;
	[tilespmem:$0x1CA80] =	vst v63  }
0x4c1: {  	_ =	swait.ge [sflag:s9], $0x7000  }
0x4c2: {  	s29 =	sld [smem:$0x7DE]  }
0x4c3: {  	[sflag:s9] =	ssyncset.done $0x0  }
0x4c4: {  	[sflag:s9] =	ssyncadd.s32 $0xFFFF9000  }
0x4c5: {  	[tilespmem:s2], [sflag:$0x1] =	stream.strided.gather [hbm4b:s29+s5], $0x7000, s6, s5, $0x38;
	[tilespmem:$0x1CA80] =	vst v63  }
0x4c6: {  	_ =	swait.ge [sflag:s16], $0x7000  }
0x4c7: {  	[sflag:s16] =	ssyncset.done $0x0  }
0x4c8: {  	[sflag:s16] =	ssyncadd.s32 $0xFFFF9000  }
0x4c9: {  	[hbm4b:s3+s7] =	stream.indirect.scatter [tilespmem:s14], [sflag:$0x8], $0x1C0, s21, s7, $0xb8;
	[tilespmem:$0x1CA80] =	vst v63  }
0x4ca: {  	_ =	swait.ge [sflag:s11], $0x7000  }
0x4cb: {  	s30 =	sld [smem:$0x7DF]  }
0x4cc: {  	[sflag:s11] =	ssyncset.done $0x0  }
0x4cd: {  	[sflag:s11] =	ssyncadd.s32 $0xFFFF9000  }
0x4ce: {  	[tilespmem:s4], [sflag:$0x2] =	stream.strided.gather [hbm4b:s30+s5], $0x7000, s6, s5, $0x38;
	[tilespmem:$0x1CA80] =	vst v63  }
0x4cf: {  	_ =	swait.ge [sflag:s8], $0x7000  }
0x4d0: {  	[sflag:s8] =	ssyncset.done $0x0  }
0x4d1: {  	[sflag:s8] =	ssyncadd.s32 $0xFFFF9000  }
0x4d2: {  	[hbm4b:s3+s7] =	stream.indirect.scatter [tilespmem:s2], [sflag:$0x5], $0x1C0, s20, s7, $0xb8;
	[tilespmem:$0x1CA80] =	vst v63  }
0x4d3: {  	_ =	swait.ge [sflag:s10], $0x7000  }
0x4d4: {  	[sflag:s10] =	ssyncset.done $0x0  }
0x4d5: {  	s31 =	simm.s32 $0x1CA40;
	[sflag:s10] =	ssyncadd.s32 $0xFFFF9000  }
0x4d6: {  	[hbm4b:s3+s7] =	stream.indirect.scatter [tilespmem:s4], [sflag:$0x6], $0x1C0, s31, s7, $0xb8;
	[tilespmem:$0x1CA80] =	vst v63  }
0x4d7: {  	_ =	swait.ge [sflag:s13], $0x7000  }
0x4d8: {  	[sflag:s13] =	ssyncset.done $0x0  }
0x4d9: {  	[sflag:s13] =	ssyncadd.s32 $0xFFFF9000  }
0x4da: {  	_ =	swait.ge [sflag:s12], $0x7000  }
0x4db: {  	[sflag:s12] =	ssyncset.done $0x0  }
0x4dc: {  	[sflag:s12] =	ssyncadd.s32 $0xFFFF9000  }
0x4dd: {  	_ =	swait.ge [sflag:s9], $0x7000  }
0x4de: {  	[sflag:s9] =	ssyncset.done $0x0  }
0x4df: {  	[sflag:s9] =	ssyncadd.s32 $0xFFFF9000  }
0x4e0: {  	_ =	swait.ge [sflag:s11], $0x7000  }
0x4e1: {  	[sflag:s11] =	ssyncset.done $0x0  }
0x4e2: {  	[sflag:s11] =	ssyncadd.s32 $0xFFFF9000  }
0x4e3: {  	_ =	sfence.sel $0x180000  }
0x4e4: {  	[bflag:$0x0] =	sbarrier.arrive $0xFFFF  }
0x4e5: {  	_ =	strace $0x9000004A  }
0x4e6: {  	[bflag:$0x2] =	sbarrier.arrive $0xFFFF  }
0x4e7: {  	p0 =	sne.s32 s18, $0x0;
	s0 =	rddreg [dreg:$0x2]  }
0x4e8: {  	s0 =	sadd.s32 @!p0 $0x100000, s0  }
0x4e9: {  	[sflag:s0] =	ssyncadd.tile.s32 @!p0 $0x1;
	_ =	shalt  }
.LBB2_1:
.Ltmp3:
0x4ea: {  	(pc) =	sbr.rel .LBB2_6-.Ltmp3, $4  }
0x4eb: {  	s19 =	simm.s32 $0x1C7C0  }
0x4ec: {  	s29 =	simm.s32 $0x1C800;
	s28 =	simm.s32 $0x1C840;
	s26 =	simm.s32 $0x1C880  }
0x4ed: {  	s25 =	simm.s32 $0x1C8C0;
	s24 =	simm.s32 $0x1C900;
	s23 =	simm.s32 $0x1C940  }
0x4ee: {  	s22 =	simm.s32 $0x1C980;
	s21 =	simm.s32 $0x1C9C0;
	s20 =	simm.s32 $0x1CA00  }
.LBB2_3:
.Ltmp4:
0x4ef: {  	(pc) =	sbr.rel .LBB2_6-.Ltmp4, $4  }
0x4f0: {  	s19 =	simm.s32 $0x1C7C0;
	s29 =	simm.s32 $0x1C800  }
0x4f1: {  	s28 =	simm.s32 $0x1C840;
	s26 =	simm.s32 $0x1C880;
	s25 =	simm.s32 $0x1C8C0  }
0x4f2: {  	s24 =	simm.s32 $0x1C900;
	s23 =	simm.s32 $0x1C940;
	s22 =	simm.s32 $0x1C980  }
0x4f3: {  	s21 =	simm.s32 $0x1C9C0;
	s20 =	simm.s32 $0x1CA00;
	s18 =	stileid.u32  }
.Lfunc_end2:
_tile_overlayer_lowered:
.L_overlay_start_2:
0x4f4: {  	(tag) =	ssettag $0x2  }
0x4f5: {  	s0 =	rddreg [dreg:$0x0];
	s2 =	stileid.u32  }
0x4f6: {  	s1 =	rddreg [dreg:$0x1];
	p0 =	sne.s32 s2, $0x0  }
0x4f7: {  	s3 =	rddreg [dreg:$0x2];
	[bflag:$0x3] =	sbarrier.arrive $0xFFFF;
	s2 =	simm.s32 @!p0 $0x1C09  }
0x4f8: {  	[timem:s3], [sflag:s2] =	dma.local @!p0 [hbm:s0], s1  }
0x4f9: {  	s0 =	simm.s32 @!p0 $0x9  }
0x4fa: {  	_ =	swait.ge @!p0 [sflag:s0], s1  }
0x4fb: {  	s1 =	ssub.s32 @!p0 $0x0, s1;
	[sflag:s0] =	ssyncset.done @!p0 $0x0  }
0x4fc: {  	[sflag:s0] =	ssyncadd.s32 @!p0 s1  }
0x4fd: {  	[bflag:$0x3] =	sbarrier.arrive $0xFFFF  }
0x4fe: {  	_ =	shalt  }

// kernel: sparse-core-data-format-call.cloned.1.call-start
scs
called_computation_lowered:
.L_overlay_start_0:
0x0: {  	s2 =	sld [smem:$0x3FD9]  }
0x1: {  	s3 =	sld [smem:$0x3FFE];
	_ =	sdelay $0x1  }
0x2: {  	s1 =	srdreg.scid  }
0x3: {  	s0 =	sand.u32 $0x1, s1  }
0x4: {  	s18 =	sshll.u32 s0, $0xA;
	s2 =	sadd.s32 s3, s2  }
0x5: {  	s2 =	sadd.s32 s2, s18  }
0x6: {  	[smem:$0x3FC7] =	sst s2  }
0x7: {  	_ = 	snop  }
0x8: {  	s2 =	sld [smem:$0x3FC9];
	(tm) =	ssettm $0x1  }
0x9: {  	s19 =	sld [smem:$0x3FFB];
	_ =	sdelay $0x3  }
0xa: {  	_ =	strace s19  }
0xb: {  	s3 =	sld [smem:$0x3FFC];
	_ =	sdelay $0x3  }
0xc: {  	_ =	strace s3  }
0xd: {  	s3 =	sld [smem:$0x3FFD];
	_ =	sdelay $0x3  }
0xe: {  	_ =	strace s3  }
0xf: {  	_ =	strace $0x8FFFFFFF  }
0x10: {  	s20 =	sld [smem:$0x3FDB];
	_ =	sdelay $0x1  }
0x11: {  	s4 =	simm.s32 $_scs_section_size  }
0x12: {  	s5 =	simm.s32 $_size__tile_overlayer_lowered;
	s6 =	simm.s32 $_tile_overlayer_lowered  }
0x13: {  	s23 =	simm.s32 $0x1BFF;
	s22 =	sshll.u32 s6, $0x1;
	s3 =	sadd.s32 s4, s20  }
0x14: {  	s7 =	simm.s32 $0x0;
	s21 =	sshll.u32 s5, $0x1;
	s5 =	sadd.s32 s22, s3  }
0x15: {  	[timem:s7], [sflag:s23] =	dma.local [hbm:s5], s21  }
0x16: {  	_ =	swait.ge [sflag:s23], s21  }
0x17: {  	s4 =	ssub.s32 $0x0, s21;
	[sflag:s23] =	ssyncset.done $0x0  }
0x18: {  	[sflag:s23] =	ssyncadd.s32 s4;
	_ =	sdelay $0x1  }
0x19: {  	s24 =	simm.s32 $0x1B8B  }
0x1a: {  	_ =	swait.ge [sflag:s24], $0x1  }
0x1b: {  	[sflag:s24] =	ssyncset.done $0x0  }
0x1c: {  	s26 =	simm.s32 $0x1B8E;
	s25 =	sld [smem:$0x3FFE];
	[sflag:s24] =	ssyncadd.s32 $0xFFFFFFFF  }
0x1d: {  	s27 =	simm.s32 $execute0_lowered;
	[smem:$0x3FD2] =	sst s26  }
0x1e: {  	s5 =	sshll.u32 s27, $0x1;
	_ =	strace $0x80000046;
	[dreg:$0x1] =	wrdreg $0xFFFFFFFF  }
0x1f: {  	s28 =	simm.s32 $_size_execute0_lowered;
	s3 =	sadd.s32 s3, s5;
	[dreg:$0x0] =	wrdreg $0x0  }
0x20: {  	s5 =	sshll.u32 s28, $0x1;
	[dreg:$0x2] =	wrdreg s3  }
0x21: {  	[dreg:$0x3] =	wrdreg s5  }
0x22: {  	[dreg:$0x4] =	wrdreg $0xC0  }
0x23: {  	_ =	task [dreg:s7], $0x5FFFF  }
0x24: {  	[dreg:$0x1] =	wrdreg $0xFFFFFFFF  }
0x25: {  	[dreg:$0x0] =	wrdreg $0x60  }
0x26: {  	[dreg:$0x2] =	wrdreg s2  }
0x27: {  	[dreg:$0x3] =	wrdreg s25  }
0x28: {  	[dreg:$0x4] =	wrdreg $0x9  }
0x29: {  	_ =	task.clear_ibuf [dreg:s7], $0x5FFFF;
	_ =	strace $0x90000046  }
0x2a: {  	s29 =	simm.s32 $0x9;
	_ =	strace $0x80000048  }
0x2b: {  	_ =	swait.ge [sflag:s29], $0x1  }
0x2c: {  	[sflag:s29] =	ssyncadd.s32 $0xFFFFFFFF  }
0x2d: {  	_ =	strace $0x90000048  }
0x2e: {  	_ =	sfence  }
0x2f: {  	s30 =	sld [smem:$0x0];
	_ =	sdelay $0x2  }
0x30: {  	s31 =	sshll.u32 s1, $0xD;
	s1 =	sshrl.u32 s1, $0x2  }
0x31: {  	s3 =	sand.u32 $0x4000, s31;
	s1 =	sadd.s32 s1, s30  }
0x32: {  	s0 =	sor.u32 s3, s0;
	s1 =	sshll.u32 s1, $0x11  }
0x33: {  	s0 =	sor.u32 s1, s0  }
0x34: {  	s0 =	sadd.s32 $0x8F2B, s0  }
0x35: {  	[sflag:s0] =	ssyncadd.remote.s32 $0x1  }
0x36: {  	_ =	sfence.sel $0xFFFF  }
0x37: {  	[dreg:$0x0] =	wrdreg $0xFFFFFFFF;
	(pc) =	sbr.abs _section_cstart, $3  }
0x38: {  	[dreg:$0x1] =	wrdreg $0xFFFFFFFF  }
0x39: {  	_ =	task.clear_ibuf [dreg:s7], $0x2FFFF;
	_ =	strace $0x9FFFFFFF  }
0x3a: {  	(tm) =	ssettm $0x7FFFFFFF  }
0x3b: {  	_ =	shalt  }
tec
execute0_lowered:
.L_overlay_start_1:
0x0: {  	(tag) =	ssettag $0x1  }
0x1: {  	s0 =	srdreg.scid  }
0x2: {  	s1 =	sshll.u32 s0, $0x4  }
0x3: {  	s2 =	rddreg [dreg:$0x0];
	s0 =	stileid.u32;
	s1 =	sand.u32 $0x10, s1  }
0x4: {  	s4 =	rddreg [dreg:$0x1];
	s7 =	simm.s32 $0x1;
	s1 =	sor.u32 s0, s1  }
0x5: {  	s8 =	simm.s32 $0x2;
	s9 =	simm.s32 $0x0;
	s3 =	sshll.u32 s1, $0x2  }
0x6: {  	s12 =	simm.s32 $0x0;
	s11 =	simm.s32 $0x0;
	s6 =	ssub.s32 $0x3000, s3  }
.Ltmp0:
0x7: {  	s4 =	sadd.s32 $0x800, s4;
	s5 =	sand.u32 $0x7C, s6;
	(pc) =	sbr.rel .LBB1_1-.Ltmp0, $4  }
0x8: {  	s1 =	rddreg [dreg:$0x2];
	_ =	strace $0x80000047;
	p0 =	sne.s32 s5, $0x0  }
0x9: {  	s6 =	sshrl.u32 s6, $0x7;
	s5 =	simm.s32 $0x1;
	s7 =	simm.s32 @!p0 $0x0  }
0xa: {  	s10 =	smov.u32 s3;
	[sflag:s5] =	ssyncpa.u1 $0x0;
	s6 =	sadd.s32 s7, s6  }
0xb: {  	[sflag:s8] =	ssyncpa.u1 $0x0;
	s8 =	simm.s32 $0x0;
	s7 =	sadd.s32 $0x1, s6  }
.LBB1_9:
0xc: {  	s14 =	sadd.s32 $0x80, s10  }
0xd: {  	p1 =	sgt.s32 s14, $0x2FFF  }
0xe: {  	s14 =	smov.u32 @p1 s3;
	p1 =	sne.s32 s11, s7  }
.Ltmp1:
0xf: {  	p0 =	slt.u32 s11, $0x2;
	(pc) =	sbr.rel @!p1 .LBB1_10-.Ltmp1, $4  }
0x10: {  	s13 =	simm.s32 @!p0 $0x2  }
0x11: {  	s15 =	sadd.s32 $0x1, s11;
	_ =	swait.ge @!p0 [sflag:s13], $0x4000  }
0x12: {  	s12 =	smov.u32 s10;
	s9 =	sadd.s32 $0x4000, s9;
	[sflag:s13] =	ssyncset.done @!p0 $0x0  }
0x13: {  	s11 =	smov.u32 s15;
	s10 =	smov.u32 s14;
	[sflag:s13] =	ssyncadd.s32 @!p0 $0xFFFFC000  }
.LBB1_1:
0x14: {  	p0 =	sge.u32 s11, s6  }
0x15: {  	s13 =	sxor.u32 @!p0 $0xFFFFFFFF, s11  }
0x16: {  	s31 =	sadd.s32 $0xFFFFFFFF, s11;
	s14 =	sshll.u32 @!p0 s10, $0x9;
	s13 =	sshll.u32 @!p0 s13, $0xE  }
0x17: {  	s15 =	simm.s32 @!p0 $0x0;
	s14 =	sadd.s32 @!p0 s2, s14;
	s13 =	sand.u32 @!p0 $0x4000, s13  }
0x18: {  	[tilespmem:s13], [sflag:$0x1] =	stream.linear.gather @!p0 [hbm4b:s14+s15], $0x4000, $0x38;
	[tilespmem:$0x10000] =	vst v63  }
0x19: {  	p0 =	sge.u32 s31, s6  }
.Ltmp2:
0x1a: {  	_ = 	snop;
	(pc) =	sbr.rel @p0 .LBB1_9-.Ltmp2, $1  }
0x1b: {  	_ =	sdelay $0x3  }
0x1c: {  	s14 =	sand.u32 $0x4000, s9  }
0x1d: {  	_ =	swait.ge [sflag:s5], $0x4000;
	s15 =	sshll.u32 s11, $0xE;
	s16 =	simm.s32 $0x0  }
0x1e: {  	s13 =	sor.u32 $0x40, s14;
	[sflag:s5] =	ssyncset.done $0x0;
	s15 =	sand.u32 $0x4000, s15  }
0x1f: {  	s14 =	sor.u32 $0x8040, s14;
	[sflag:s5] =	ssyncadd.s32 $0xFFFFC000;
	s15 =	sor.u32 $0x8000, s15  }
.LBB1_3:
0x20: {  	s17 =	smov.u32 s14;
	s18 =	smov.u32 s13;
	s19 =	simm.s32 $0x0  }
.LBB1_4:
0x21: {  	v0 =	vmov s17;
	v2 =	vld [tilespmem:s18+$0x30]  }
0x22: {  	v4 =	vld [tilespmem:s18+$0xFFFFFFD0]  }
0x23: {  	v6 =	vld [tilespmem:s18+$0xFFFFFFE0]  }
0x24: {  	v7 =	vld [tilespmem:s18+$0xFFFFFFF0]  }
0x25: {  	s20 =	simm.s32 $0x0;
	v1 =	vld [tilespmem:s18+$0x0]  }
0x26: {  	v3 =	vld [tilespmem:s18+$0x10];
	[tilespmem:v0+s20+$0x30 ss:$0x1] =	vst.idx.msk $0xffff, v2  }
0x27: {  	v5 =	vld [tilespmem:s18+$0x20];
	[tilespmem:v0+s20+$0xFFFFFFD0 ss:$0x1] =	vst.idx.msk $0xffff, v4  }
0x28: {  	s21 =	sadd.s32 $0x80, s18;
	v2 =	vld [tilespmem:s18+$0xFFFFFFC0];
	[tilespmem:v0+s20+$0xFFFFFFE0 ss:$0x1] =	vst.idx.msk $0xffff, v6  }
0x29: {  	s22 =	simm.s32 $0x800;
	s23 =	simm.s32 $0x1000;
	v4 =	vld [tilespmem:s21+$0x30];
	[tilespmem:v0+s20+$0xFFFFFFF0 ss:$0x1] =	vst.idx.msk $0xffff, v7  }
.LBB1_5:
0x2a: {  	p0 =	sne.s32 s23, $0x3800;
	v6 =	vld [tilespmem:s21+$0xFFFFFFD0];
	[tilespmem:v0+s20+$0x0 ss:$0x1] =	vst.idx.msk $0xffff, v1  }
0x2b: {  	v7 =	vld [tilespmem:s21+$0xFFFFFFE0];
	[tilespmem:v0+s20+$0x10 ss:$0x1] =	vst.idx.msk $0xffff, v3  }
0x2c: {  	v8 =	vld [tilespmem:s21+$0xFFFFFFF0];
	[tilespmem:v0+s20+$0x20 ss:$0x1] =	vst.idx.msk $0xffff, v5  }
.Ltmp3:
0x2d: {  	v1 =	vld [tilespmem:s21+$0x0];
	[tilespmem:v0+s20+$0xFFFFFFC0 ss:$0x1] =	vst.idx.msk $0xffff, v2;
	s20 =	sshra.s32 s22, $0x2;
	s22 =	smov.u32 s23;
	(pc) =	sbr.rel @p0 .LBB1_5-.Ltmp3, $4  }
0x2e: {  	v3 =	vld [tilespmem:s21+$0x10];
	[tilespmem:v0+s20+$0x30 ss:$0x1] =	vst.idx.msk $0xffff, v4  }
0x2f: {  	[tilespmem:v0+s20+$0xFFFFFFD0 ss:$0x1] =	vst.idx.msk $0xffff, v6;
	v5 =	vld [tilespmem:s21+$0x20]  }
0x30: {  	v2 =	vld [tilespmem:s21+$0xFFFFFFC0];
	[tilespmem:v0+s20+$0xFFFFFFE0 ss:$0x1] =	vst.idx.msk $0xffff, v7;
	s21 =	sadd.s32 $0x80, s21  }
0x31: {  	s23 =	sadd.s32 $0x800, s23;
	v4 =	vld [tilespmem:s21+$0x30];
	[tilespmem:v0+s20+$0xFFFFFFF0 ss:$0x1] =	vst.idx.msk $0xffff, v8  }
0x32: {  	_ =	sdelay $0x3  }
0x33: {  	v6 =	vld [tilespmem:s21+$0xFFFFFFD0];
	[tilespmem:v0+s20+$0x0 ss:$0x1] =	vst.idx.msk $0xffff, v1  }
0x34: {  	v58 =	vld [tilespmem:s21+$0xFFFFFFE0];
	[tilespmem:v0+s20+$0x10 ss:$0x1] =	vst.idx.msk $0xffff, v3  }
0x35: {  	v59 =	vld [tilespmem:s21+$0xFFFFFFF0];
	[tilespmem:v0+s20+$0x20 ss:$0x1] =	vst.idx.msk $0xffff, v5  }
0x36: {  	s22 =	sshra.s32 s22, $0x2;
	v60 =	vld [tilespmem:s21+$0x0];
	[tilespmem:v0+s20+$0xFFFFFFC0 ss:$0x1] =	vst.idx.msk $0xffff, v2  }
0x37: {  	v61 =	vld [tilespmem:s21+$0x10];
	[tilespmem:v0+s22+$0x30 ss:$0x1] =	vst.idx.msk $0xffff, v4  }
0x38: {  	v62 =	vld [tilespmem:s21+$0x20];
	s19 =	sadd.s32 $0x1, s19;
	[tilespmem:v0+s22+$0xFFFFFFD0 ss:$0x1] =	vst.idx.msk $0xffff, v6  }
0x39: {  	v63 =	vld [tilespmem:s21+$0xFFFFFFC0];
	p0 =	sne.s32 s19, $0x4;
	[tilespmem:v0+s22+$0xFFFFFFE0 ss:$0x1] =	vst.idx.msk $0xffff, v58  }
.Ltmp4:
0x3a: {  	[tilespmem:v0+s22+$0xFFFFFFF0 ss:$0x1] =	vst.idx.msk $0xffff, v59;
	(pc) =	sbr.rel @p0 .LBB1_4-.Ltmp4, $4  }
0x3b: {  	[tilespmem:v0+s22+$0x0 ss:$0x1] =	vst.idx.msk $0xffff, v60  }
0x3c: {  	[tilespmem:v0+s22+$0x10 ss:$0x1] =	vst.idx.msk $0xffff, v61  }
0x3d: {  	[tilespmem:v0+s22+$0x20 ss:$0x1] =	vst.idx.msk $0xffff, v62  }
0x3e: {  	s18 =	sadd.s32 $0x400, s18;
	s17 =	sadd.s32 $0x80, s17;
	[tilespmem:v0+s22+$0xFFFFFFC0 ss:$0x1] =	vst.idx.msk $0xffff, v63  }
0x3f: {  	s16 =	sadd.s32 $0x1, s16  }
0x40: {  	p0 =	sne.s32 s16, $0x4  }
.Ltmp5:
0x41: {  	_ = 	snop;
	(pc) =	sbr.rel @p0 .LBB1_3-.Ltmp5, $2  }
0x42: {  	_ =	sdelay $0x2  }
0x43: {  	s13 =	sadd.s32 $0x1000, s13;
	s14 =	sadd.s32 $0x1000, s14  }
.Ltmp6:
0x44: {  	(pc) =	sbr.rel .LBB1_9-.Ltmp6, $4  }
0x45: {  	_ = 	snop  }
0x46: {  	s12 =	sshll.u32 s12, $0x9  }
0x47: {  	s12 =	sadd.s32 s4, s12  }
0x48: {  	[hbm4b:s12+s8] =	stream.linear.scatter [tilespmem:s15], [sflag:$0x2], $0x4000, $0x38;
	[tilespmem:$0x10000] =	vst v63  }
.LBB1_10:
0x49: {  	_ =	sfence.sel $0x180000  }
0x4a: {  	s2 =	simm.s32 $0x1;
	[bflag:$0x0] =	sbarrier.arrive $0xFFFF  }
0x4b: {  	s31 =	simm.s32 $0x2;
	[sflag:s2] =	ssyncpa.u1 $0x1  }
0x4c: {  	[sflag:s31] =	ssyncpa.u1 $0x1  }
0x4d: {  	p0 =	sne.s32 s0, $0x0;
	_ =	strace $0x90000047  }
0x4e: {  	s0 =	sadd.s32 @!p0 $0x100000, s1;
	[bflag:$0x2] =	sbarrier.arrive $0xFFFF  }
0x4f: {  	[sflag:s0] =	ssyncadd.tile.s32 @!p0 $0x1;
	_ =	shalt  }
.Lfunc_end1:
_tile_overlayer_lowered:
.L_overlay_start_2:
0x50: {  	(tag) =	ssettag $0x2  }
0x51: {  	s0 =	rddreg [dreg:$0x0];
	s2 =	stileid.u32  }
0x52: {  	s1 =	rddreg [dreg:$0x1];
	p0 =	sne.s32 s2, $0x0  }
0x53: {  	s3 =	rddreg [dreg:$0x2];
	[bflag:$0x3] =	sbarrier.arrive $0xFFFF;
	s2 =	simm.s32 @!p0 $0x1C01  }
0x54: {  	[timem:s3], [sflag:s2] =	dma.local @!p0 [hbm:s0], s1  }
0x55: {  	s0 =	simm.s32 @!p0 $0x1  }
0x56: {  	_ =	swait.ge @!p0 [sflag:s0], s1  }
0x57: {  	s1 =	ssub.s32 @!p0 $0x0, s1;
	[sflag:s0] =	ssyncset.done @!p0 $0x0  }
0x58: {  	[sflag:s0] =	ssyncadd.s32 @!p0 s1  }
0x59: {  	[bflag:$0x3] =	sbarrier.arrive $0xFFFF  }
0x5a: {  	_ =	shalt  }

</sc_bundles>
